<compile_context>
chip_gen: v7x
topology: tpu7x:2x2x1
jax: 0.10.2.dev20260603
libtpu: 0.0.44.dev20260713+nightly
codegen_flags: <defaults>
</compile_context>

<pallas_src>
import functools

import jax
import jax.numpy as jnp
from jax import lax
from jax.experimental import pallas as pl
from jax.experimental.pallas import tpu as pltpu
from jax.experimental.pallas import tpu_sc as plsc

BATCH = 1024
MAX_LEN = 200
D_MODEL = 128
VOCAB = 128

NC, NS = 2, 16
NW = NC * NS
TOK = BATCH * MAX_LEN
TPW = TOK // NW
CH = 64
NCHUNK = TPW // CH
NBUF = 10
NGROUP = NCHUNK // NBUF


def _pe():
    pos = jnp.arange(MAX_LEN, dtype=jnp.float32)[:, None]
    i = jnp.arange(0, D_MODEL, 2, dtype=jnp.float32)
    div = jnp.exp(-(jnp.log(10000.0) / D_MODEL) * i)
    ang = pos * div[None, :]
    pe = jnp.zeros((MAX_LEN, D_MODEL), dtype=jnp.float32)
    pe = pe.at[:, 0::2].set(jnp.sin(ang))
    pe = pe.at[:, 1::2].set(jnp.cos(ang))
    return pe


def _fuse_body(table_ref, pe_ref, idx_ref, fused_ref, idx2_ref):
    fused_ref[...] = pe_ref[...][:, None, :] + table_ref[...][None, :, :]
    t = lax.broadcasted_iota(jnp.int32, (NW, TPW), 1)
    idx2_ref[...] = idx_ref[...] + lax.rem(t, MAX_LEN) * VOCAB


_fuse = pl.pallas_call(
    _fuse_body,
    out_shape=(
        jax.ShapeDtypeStruct((MAX_LEN, VOCAB, D_MODEL), jnp.float32),
        jax.ShapeDtypeStruct((NW, TPW), jnp.int32),
    ),
)

_mesh = plsc.VectorSubcoreMesh(core_axis_name="c", subcore_axis_name="s")


@functools.partial(
    pl.kernel,
    out_type=jax.ShapeDtypeStruct((TOK, D_MODEL), jnp.float32),
    mesh=_mesh,
    scratch_types=[
        pltpu.VMEM((TPW,), jnp.int32),
        pltpu.VMEM((NBUF, CH, D_MODEL), jnp.float32),
        pltpu.SemaphoreType.DMA((NBUF,)),
        pltpu.SemaphoreType.DMA((NBUF,)),
    ],
)
def _sc_gather(fused_hbm, idx_hbm, out_hbm, idx_v, rows_v, gsem, ssem):
    wid = lax.axis_index("s") * NC + lax.axis_index("c")
    pltpu.sync_copy(idx_hbm.at[wid], idx_v)
    base = wid * TPW

    def out_slice(c):
        off = pl.multiple_of(base + c * CH, 8)
        return out_hbm.at[pl.ds(off, CH)]

    def fire_gather(c, b):
        return pltpu.async_copy(
            fused_hbm.at[idx_v.at[pl.ds(c * CH, CH)]], rows_v.at[b], gsem.at[b]
        )

    gds = [fire_gather(b, b) for b in range(NBUF)]
    for b in range(NBUF):
        gds[b].wait()
        pltpu.async_copy(rows_v.at[b], out_slice(b), ssem.at[b])

    @pl.loop(1, NGROUP)
    def group_body(g):
        c0 = g * NBUF
        gds = []
        for b in range(NBUF):
            pltpu.make_async_copy(rows_v.at[b], out_slice(c0 + b), ssem.at[b]).wait()
            gds.append(fire_gather(c0 + b, b))
        for b in range(NBUF):
            gds[b].wait()
            pltpu.async_copy(rows_v.at[b], out_slice(c0 + b), ssem.at[b])

    for b in range(NBUF):
        pltpu.make_async_copy(
            rows_v.at[b], out_slice((NGROUP - 1) * NBUF + b), ssem.at[b]
        ).wait()


def kernel(batch, table):
    idx = batch.astype(jnp.int32).reshape(NW, TPW)
    fused, idx2 = _fuse(table, _pe(), idx)
    out = _sc_gather(fused.reshape(MAX_LEN * VOCAB, D_MODEL), idx2)
    return out.reshape(BATCH, MAX_LEN, D_MODEL)

# --- scband reference (transcript-rebuilt; emitter-appended) ---
"""Pipeline reference for scband-sentence-embedding-13305808683272 (READ-ONLY COPY).

The authoritative reference and input builder live on the scoring server;
editing this copy changes nothing except your own understanding.
"""

import jax, jax.numpy as jnp
import numpy as np

BATCH = 1024
MAX_LEN = 200
D_MODEL = 128
VOCAB = 128
PAD_IDX = 0


def _positional_encoding(L, d):
    pos = jnp.arange(L, dtype=jnp.float32)[:, None]
    i = jnp.arange(0, d, 2, dtype=jnp.float32)
    div = jnp.exp(-(jnp.log(10000.0) / d) * i)
    ang = pos * div[None, :]
    pe = jnp.zeros((L, d), dtype=jnp.float32)
    pe = pe.at[:, 0::2].set(jnp.sin(ang))
    pe = pe.at[:, 1::2].set(jnp.cos(ang))
    return pe


def setup_inputs(seed: int = 0):
    key = jax.random.key(seed)
    k1, k2 = jax.random.split(key)
    # pre-tokenized token ids (batch_tokenize output); values in [0, VOCAB)
    batch = jax.random.randint(k1, (BATCH, MAX_LEN), 0, VOCAB)
    # learned embedding table, padding row zeroed (nn.Embedding padding_idx semantics)
    table = jax.random.normal(k2, (VOCAB, D_MODEL), dtype=jnp.float32)
    table = table.at[PAD_IDX].set(0.0)
    return {"batch": batch, "table": table}


def reference(batch, table):
    # embedding lookup (SparseCore gather)
    emb = jnp.take(table, batch, axis=0)
    # sinusoidal positional encoding (non-learned)
    pe = _positional_encoding(MAX_LEN, D_MODEL)
    out = emb + pe[None, :, :]
    # dropout(p=0.1) is identity in eval mode
    return out

if __name__ == "__main__":
    import jax
    _d = setup_inputs()
    print(jax.jit(kernel)(*tuple(_d.values())))

</pallas_src>

<mosaic_0001>
#map = affine_map<(d0, d1) -> (0, 0)>
module attributes {stable_mosaic.version = 14 : i64} {
  func.func @_sc_gather(%arg0: i32, %arg1: i32, %arg2: memref<25600x128xf32, #tpu.memory_space<hbm>>, %arg3: memref<32x6400xi32, #tpu.memory_space<hbm>>, %arg4: memref<204800x128xf32, #tpu.memory_space<hbm>>, %arg5: memref<6400xi32, #tpu.memory_space<vmem>>, %arg6: memref<10x64x128xf32, #tpu.memory_space<vmem>>, %arg7: memref<10x!tpu.dma_semaphore, #tpu.memory_space<semaphore_mem>>, %arg8: memref<10x!tpu.dma_semaphore, #tpu.memory_space<semaphore_mem>>) attributes {dimension_semantics = [#tpu.dimension_semantics<core_parallel>, #tpu.dimension_semantics<subcore_parallel>], iteration_bounds = array<i64: 2, 16>, scalar_prefetch = 0 : i64, scratch_operands = 4 : i64, tpu.core_type = #tpu.core_type<sc_vector_subcore>, window_params = [{transform_indices = #map}, {transform_indices = #map}, {transform_indices = #map}]} {
    %mul3A = arith.constant 2 : i32
    %mul3A_0 = arith.muli %arg1, %mul3A : i32
    %add3A = arith.addi %mul3A_0, %arg0 : i32
    "tpu.region"() ({
      %run_scoped3A = tpu.sem_alloc : memref<!tpu.dma_semaphore, #tpu.memory_space<semaphore_mem>>
      %dma_start3A_644 = arith.constant 0 : i32
      %dma_start3A_645 = tpu.memref_slice %arg3[%add3A, %dma_start3A_644] : memref<32x6400xi32, #tpu.memory_space<hbm>> -> memref<1x6400xi32, #tpu.memory_space<hbm>>
      %dma_start3A_646 = tpu.memref_squeeze %dma_start3A_645 : memref<1x6400xi32, #tpu.memory_space<hbm>> -> memref<6400xi32, #tpu.memory_space<hbm>>
      %dma_start3A_647 = arith.constant 0 : i32
      %dma_start3A_648 = tpu.memref_slice %arg3[%add3A, %dma_start3A_647] : memref<32x6400xi32, #tpu.memory_space<hbm>> -> memref<1x6400xi32, #tpu.memory_space<hbm>>
      %dma_start3A_649 = tpu.memref_squeeze %dma_start3A_648 : memref<1x6400xi32, #tpu.memory_space<hbm>> -> memref<6400xi32, #tpu.memory_space<hbm>>
      tpu.enqueue_dma source(%dma_start3A_649 : memref<6400xi32, #tpu.memory_space<hbm>>) target(%arg5 : memref<6400xi32, #tpu.memory_space<vmem>>) target_semaphore(%run_scoped3A : memref<!tpu.dma_semaphore, #tpu.memory_space<semaphore_mem>>)
      %dma_wait3A_650 = arith.constant 0 : i32
      %dma_wait3A_651 = tpu.memref_slice %arg3[%add3A, %dma_wait3A_650] : memref<32x6400xi32, #tpu.memory_space<hbm>> -> memref<1x6400xi32, #tpu.memory_space<hbm>>
      %dma_wait3A_652 = tpu.memref_squeeze %dma_wait3A_651 : memref<1x6400xi32, #tpu.memory_space<hbm>> -> memref<6400xi32, #tpu.memory_space<hbm>>
      %dma_wait3A_653 = arith.constant 0 : i32
      %dma_wait3A_654 = tpu.memref_slice %arg3[%add3A, %dma_wait3A_653] : memref<32x6400xi32, #tpu.memory_space<hbm>> -> memref<1x6400xi32, #tpu.memory_space<hbm>>
      %dma_wait3A_655 = tpu.memref_squeeze %dma_wait3A_654 : memref<1x6400xi32, #tpu.memory_space<hbm>> -> memref<6400xi32, #tpu.memory_space<hbm>>
      tpu.wait_dma2 semaphore(%run_scoped3A : memref<!tpu.dma_semaphore, #tpu.memory_space<semaphore_mem>>) src(%dma_wait3A_655 : memref<6400xi32, #tpu.memory_space<hbm>>) dst(%arg5 : memref<6400xi32, #tpu.memory_space<vmem>>)
      tpu.yield
    }) : () -> ()
    %mul3A_1 = arith.constant 6400 : i32
    %mul3A_2 = arith.muli %add3A, %mul3A_1 : i32
    %dma_start3A = arith.constant 0 : i32
    %dma_start3A_3 = arith.constant 0 : i32
    %dma_start3A_4 = arith.constant 0 : i32
    %dma_start3A_5 = arith.constant 0 : i32
    %dma_start3A_6 = tpu.memref_slice %arg6[%dma_start3A, %dma_start3A_4, %dma_start3A_5] : memref<10x64x128xf32, #tpu.memory_space<vmem>> -> memref<1x64x128xf32, #tpu.memory_space<vmem>>
    %dma_start3A_7 = tpu.memref_squeeze %dma_start3A_6 : memref<1x64x128xf32, #tpu.memory_space<vmem>> -> memref<64x128xf32, #tpu.memory_space<vmem>>
    %dma_start3A_8 = arith.constant 0 : i32
    %dma_start3A_9 = tpu.memref_slice %arg5[%dma_start3A_8] : memref<6400xi32, #tpu.memory_space<vmem>> -> memref<64xi32, #tpu.memory_space<vmem>>
    %dma_start3A_10 = arith.constant 0 : i32
    %dma_start3A_11 = arith.constant 0 : i32
    %dma_start3A_12 = tpu.memref_slice %arg2[%dma_start3A_10, %dma_start3A_11] : memref<25600x128xf32, #tpu.memory_space<hbm>> -> memref<25600x128xf32, #tpu.memory_space<hbm>>
    %dma_start3A_13 = tpu.memref_slice %arg7[%dma_start3A_3] : memref<10x!tpu.dma_semaphore, #tpu.memory_space<semaphore_mem>> -> memref<1x!tpu.dma_semaphore, #tpu.memory_space<semaphore_mem>>
    %dma_start3A_14 = tpu.memref_squeeze %dma_start3A_13 : memref<1x!tpu.dma_semaphore, #tpu.memory_space<semaphore_mem>> -> memref<!tpu.dma_semaphore, #tpu.memory_space<semaphore_mem>>
    tpu.enqueue_indirect_dma source(%dma_start3A_12 : memref<25600x128xf32, #tpu.memory_space<hbm>>) target(%dma_start3A_7 : memref<64x128xf32, #tpu.memory_space<vmem>>) offsets(%dma_start3A_9 : memref<64xi32, #tpu.memory_space<vmem>>) semaphore(%dma_start3A_14 : memref<!tpu.dma_semaphore, #tpu.memory_space<semaphore_mem>>)
    %dma_start3A_15 = arith.constant 1 : i32
    %dma_start3A_16 = arith.constant 1 : i32
    %dma_start3A_17 = arith.constant 0 : i32
    %dma_start3A_18 = arith.constant 0 : i32
    %dma_start3A_19 = tpu.memref_slice %arg6[%dma_start3A_15, %dma_start3A_17, %dma_start3A_18] : memref<10x64x128xf32, #tpu.memory_space<vmem>> -> memref<1x64x128xf32, #tpu.memory_space<vmem>>
    %dma_start3A_20 = tpu.memref_squeeze %dma_start3A_19 : memref<1x64x128xf32, #tpu.memory_space<vmem>> -> memref<64x128xf32, #tpu.memory_space<vmem>>
    %dma_start3A_21 = arith.constant 64 : i32
    %dma_start3A_22 = tpu.memref_slice %arg5[%dma_start3A_21] : memref<6400xi32, #tpu.memory_space<vmem>> -> memref<64xi32, #tpu.memory_space<vmem>>
    %dma_start3A_23 = arith.constant 0 : i32
    %dma_start3A_24 = arith.constant 0 : i32
    %dma_start3A_25 = tpu.memref_slice %arg2[%dma_start3A_23, %dma_start3A_24] : memref<25600x128xf32, #tpu.memory_space<hbm>> -> memref<25600x128xf32, #tpu.memory_space<hbm>>
    %dma_start3A_26 = tpu.memref_slice %arg7[%dma_start3A_16] : memref<10x!tpu.dma_semaphore, #tpu.memory_space<semaphore_mem>> -> memref<1x!tpu.dma_semaphore, #tpu.memory_space<semaphore_mem>>
    %dma_start3A_27 = tpu.memref_squeeze %dma_start3A_26 : memref<1x!tpu.dma_semaphore, #tpu.memory_space<semaphore_mem>> -> memref<!tpu.dma_semaphore, #tpu.memory_space<semaphore_mem>>
    tpu.enqueue_indirect_dma source(%dma_start3A_25 : memref<25600x128xf32, #tpu.memory_space<hbm>>) target(%dma_start3A_20 : memref<64x128xf32, #tpu.memory_space<vmem>>) offsets(%dma_start3A_22 : memref<64xi32, #tpu.memory_space<vmem>>) semaphore(%dma_start3A_27 : memref<!tpu.dma_semaphore, #tpu.memory_space<semaphore_mem>>)
    %dma_start3A_28 = arith.constant 2 : i32
    %dma_start3A_29 = arith.constant 2 : i32
    %dma_start3A_30 = arith.constant 0 : i32
    %dma_start3A_31 = arith.constant 0 : i32
    %dma_start3A_32 = tpu.memref_slice %arg6[%dma_start3A_28, %dma_start3A_30, %dma_start3A_31] : memref<10x64x128xf32, #tpu.memory_space<vmem>> -> memref<1x64x128xf32, #tpu.memory_space<vmem>>
    %dma_start3A_33 = tpu.memref_squeeze %dma_start3A_32 : memref<1x64x128xf32, #tpu.memory_space<vmem>> -> memref<64x128xf32, #tpu.memory_space<vmem>>
    %dma_start3A_34 = arith.constant 128 : i32
    %dma_start3A_35 = tpu.memref_slice %arg5[%dma_start3A_34] : memref<6400xi32, #tpu.memory_space<vmem>> -> memref<64xi32, #tpu.memory_space<vmem>>
    %dma_start3A_36 = arith.constant 0 : i32
    %dma_start3A_37 = arith.constant 0 : i32
    %dma_start3A_38 = tpu.memref_slice %arg2[%dma_start3A_36, %dma_start3A_37] : memref<25600x128xf32, #tpu.memory_space<hbm>> -> memref<25600x128xf32, #tpu.memory_space<hbm>>
    %dma_start3A_39 = tpu.memref_slice %arg7[%dma_start3A_29] : memref<10x!tpu.dma_semaphore, #tpu.memory_space<semaphore_mem>> -> memref<1x!tpu.dma_semaphore, #tpu.memory_space<semaphore_mem>>
    %dma_start3A_40 = tpu.memref_squeeze %dma_start3A_39 : memref<1x!tpu.dma_semaphore, #tpu.memory_space<semaphore_mem>> -> memref<!tpu.dma_semaphore, #tpu.memory_space<semaphore_mem>>
    tpu.enqueue_indirect_dma source(%dma_start3A_38 : memref<25600x128xf32, #tpu.memory_space<hbm>>) target(%dma_start3A_33 : memref<64x128xf32, #tpu.memory_space<vmem>>) offsets(%dma_start3A_35 : memref<64xi32, #tpu.memory_space<vmem>>) semaphore(%dma_start3A_40 : memref<!tpu.dma_semaphore, #tpu.memory_space<semaphore_mem>>)
    %dma_start3A_41 = arith.constant 3 : i32
    %dma_start3A_42 = arith.constant 3 : i32
    %dma_start3A_43 = arith.constant 0 : i32
    %dma_start3A_44 = arith.constant 0 : i32
    %dma_start3A_45 = tpu.memref_slice %arg6[%dma_start3A_41, %dma_start3A_43, %dma_start3A_44] : memref<10x64x128xf32, #tpu.memory_space<vmem>> -> memref<1x64x128xf32, #tpu.memory_space<vmem>>
    %dma_start3A_46 = tpu.memref_squeeze %dma_start3A_45 : memref<1x64x128xf32, #tpu.memory_space<vmem>> -> memref<64x128xf32, #tpu.memory_space<vmem>>
    %dma_start3A_47 = arith.constant 192 : i32
    %dma_start3A_48 = tpu.memref_slice %arg5[%dma_start3A_47] : memref<6400xi32, #tpu.memory_space<vmem>> -> memref<64xi32, #tpu.memory_space<vmem>>
    %dma_start3A_49 = arith.constant 0 : i32
    %dma_start3A_50 = arith.constant 0 : i32
    %dma_start3A_51 = tpu.memref_slice %arg2[%dma_start3A_49, %dma_start3A_50] : memref<25600x128xf32, #tpu.memory_space<hbm>> -> memref<25600x128xf32, #tpu.memory_space<hbm>>
    %dma_start3A_52 = tpu.memref_slice %arg7[%dma_start3A_42] : memref<10x!tpu.dma_semaphore, #tpu.memory_space<semaphore_mem>> -> memref<1x!tpu.dma_semaphore, #tpu.memory_space<semaphore_mem>>
    %dma_start3A_53 = tpu.memref_squeeze %dma_start3A_52 : memref<1x!tpu.dma_semaphore, #tpu.memory_space<semaphore_mem>> -> memref<!tpu.dma_semaphore, #tpu.memory_space<semaphore_mem>>
    tpu.enqueue_indirect_dma source(%dma_start3A_51 : memref<25600x128xf32, #tpu.memory_space<hbm>>) target(%dma_start3A_46 : memref<64x128xf32, #tpu.memory_space<vmem>>) offsets(%dma_start3A_48 : memref<64xi32, #tpu.memory_space<vmem>>) semaphore(%dma_start3A_53 : memref<!tpu.dma_semaphore, #tpu.memory_space<semaphore_mem>>)
    %dma_start3A_54 = arith.constant 4 : i32
    %dma_start3A_55 = arith.constant 4 : i32
    %dma_start3A_56 = arith.constant 0 : i32
    %dma_start3A_57 = arith.constant 0 : i32
    %dma_start3A_58 = tpu.memref_slice %arg6[%dma_start3A_54, %dma_start3A_56, %dma_start3A_57] : memref<10x64x128xf32, #tpu.memory_space<vmem>> -> memref<1x64x128xf32, #tpu.memory_space<vmem>>
    %dma_start3A_59 = tpu.memref_squeeze %dma_start3A_58 : memref<1x64x128xf32, #tpu.memory_space<vmem>> -> memref<64x128xf32, #tpu.memory_space<vmem>>
    %dma_start3A_60 = arith.constant 256 : i32
    %dma_start3A_61 = tpu.memref_slice %arg5[%dma_start3A_60] : memref<6400xi32, #tpu.memory_space<vmem>> -> memref<64xi32, #tpu.memory_space<vmem>>
    %dma_start3A_62 = arith.constant 0 : i32
    %dma_start3A_63 = arith.constant 0 : i32
    %dma_start3A_64 = tpu.memref_slice %arg2[%dma_start3A_62, %dma_start3A_63] : memref<25600x128xf32, #tpu.memory_space<hbm>> -> memref<25600x128xf32, #tpu.memory_space<hbm>>
    %dma_start3A_65 = tpu.memref_slice %arg7[%dma_start3A_55] : memref<10x!tpu.dma_semaphore, #tpu.memory_space<semaphore_mem>> -> memref<1x!tpu.dma_semaphore, #tpu.memory_space<semaphore_mem>>
    %dma_start3A_66 = tpu.memref_squeeze %dma_start3A_65 : memref<1x!tpu.dma_semaphore, #tpu.memory_space<semaphore_mem>> -> memref<!tpu.dma_semaphore, #tpu.memory_space<semaphore_mem>>
    tpu.enqueue_indirect_dma source(%dma_start3A_64 : memref<25600x128xf32, #tpu.memory_space<hbm>>) target(%dma_start3A_59 : memref<64x128xf32, #tpu.memory_space<vmem>>) offsets(%dma_start3A_61 : memref<64xi32, #tpu.memory_space<vmem>>) semaphore(%dma_start3A_66 : memref<!tpu.dma_semaphore, #tpu.memory_space<semaphore_mem>>)
    %dma_start3A_67 = arith.constant 5 : i32
    %dma_start3A_68 = arith.constant 5 : i32
    %dma_start3A_69 = arith.constant 0 : i32
    %dma_start3A_70 = arith.constant 0 : i32
    %dma_start3A_71 = tpu.memref_slice %arg6[%dma_start3A_67, %dma_start3A_69, %dma_start3A_70] : memref<10x64x128xf32, #tpu.memory_space<vmem>> -> memref<1x64x128xf32, #tpu.memory_space<vmem>>
    %dma_start3A_72 = tpu.memref_squeeze %dma_start3A_71 : memref<1x64x128xf32, #tpu.memory_space<vmem>> -> memref<64x128xf32, #tpu.memory_space<vmem>>
    %dma_start3A_73 = arith.constant 320 : i32
    %dma_start3A_74 = tpu.memref_slice %arg5[%dma_start3A_73] : memref<6400xi32, #tpu.memory_space<vmem>> -> memref<64xi32, #tpu.memory_space<vmem>>
    %dma_start3A_75 = arith.constant 0 : i32
    %dma_start3A_76 = arith.constant 0 : i32
    %dma_start3A_77 = tpu.memref_slice %arg2[%dma_start3A_75, %dma_start3A_76] : memref<25600x128xf32, #tpu.memory_space<hbm>> -> memref<25600x128xf32, #tpu.memory_space<hbm>>
    %dma_start3A_78 = tpu.memref_slice %arg7[%dma_start3A_68] : memref<10x!tpu.dma_semaphore, #tpu.memory_space<semaphore_mem>> -> memref<1x!tpu.dma_semaphore, #tpu.memory_space<semaphore_mem>>
    %dma_start3A_79 = tpu.memref_squeeze %dma_start3A_78 : memref<1x!tpu.dma_semaphore, #tpu.memory_space<semaphore_mem>> -> memref<!tpu.dma_semaphore, #tpu.memory_space<semaphore_mem>>
    tpu.enqueue_indirect_dma source(%dma_start3A_77 : memref<25600x128xf32, #tpu.memory_space<hbm>>) target(%dma_start3A_72 : memref<64x128xf32, #tpu.memory_space<vmem>>) offsets(%dma_start3A_74 : memref<64xi32, #tpu.memory_space<vmem>>) semaphore(%dma_start3A_79 : memref<!tpu.dma_semaphore, #tpu.memory_space<semaphore_mem>>)
    %dma_start3A_80 = arith.constant 6 : i32
    %dma_start3A_81 = arith.constant 6 : i32
    %dma_start3A_82 = arith.constant 0 : i32
    %dma_start3A_83 = arith.constant 0 : i32
    %dma_start3A_84 = tpu.memref_slice %arg6[%dma_start3A_80, %dma_start3A_82, %dma_start3A_83] : memref<10x64x128xf32, #tpu.memory_space<vmem>> -> memref<1x64x128xf32, #tpu.memory_space<vmem>>
    %dma_start3A_85 = tpu.memref_squeeze %dma_start3A_84 : memref<1x64x128xf32, #tpu.memory_space<vmem>> -> memref<64x128xf32, #tpu.memory_space<vmem>>
    %dma_start3A_86 = arith.constant 384 : i32
    %dma_start3A_87 = tpu.memref_slice %arg5[%dma_start3A_86] : memref<6400xi32, #tpu.memory_space<vmem>> -> memref<64xi32, #tpu.memory_space<vmem>>
    %dma_start3A_88 = arith.constant 0 : i32
    %dma_start3A_89 = arith.constant 0 : i32
    %dma_start3A_90 = tpu.memref_slice %arg2[%dma_start3A_88, %dma_start3A_89] : memref<25600x128xf32, #tpu.memory_space<hbm>> -> memref<25600x128xf32, #tpu.memory_space<hbm>>
    %dma_start3A_91 = tpu.memref_slice %arg7[%dma_start3A_81] : memref<10x!tpu.dma_semaphore, #tpu.memory_space<semaphore_mem>> -> memref<1x!tpu.dma_semaphore, #tpu.memory_space<semaphore_mem>>
    %dma_start3A_92 = tpu.memref_squeeze %dma_start3A_91 : memref<1x!tpu.dma_semaphore, #tpu.memory_space<semaphore_mem>> -> memref<!tpu.dma_semaphore, #tpu.memory_space<semaphore_mem>>
    tpu.enqueue_indirect_dma source(%dma_start3A_90 : memref<25600x128xf32, #tpu.memory_space<hbm>>) target(%dma_start3A_85 : memref<64x128xf32, #tpu.memory_space<vmem>>) offsets(%dma_start3A_87 : memref<64xi32, #tpu.memory_space<vmem>>) semaphore(%dma_start3A_92 : memref<!tpu.dma_semaphore, #tpu.memory_space<semaphore_mem>>)
    %dma_start3A_93 = arith.constant 7 : i32
    %dma_start3A_94 = arith.constant 7 : i32
    %dma_start3A_95 = arith.constant 0 : i32
    %dma_start3A_96 = arith.constant 0 : i32
    %dma_start3A_97 = tpu.memref_slice %arg6[%dma_start3A_93, %dma_start3A_95, %dma_start3A_96] : memref<10x64x128xf32, #tpu.memory_space<vmem>> -> memref<1x64x128xf32, #tpu.memory_space<vmem>>
    %dma_start3A_98 = tpu.memref_squeeze %dma_start3A_97 : memref<1x64x128xf32, #tpu.memory_space<vmem>> -> memref<64x128xf32, #tpu.memory_space<vmem>>
    %dma_start3A_99 = arith.constant 448 : i32
    %dma_start3A_100 = tpu.memref_slice %arg5[%dma_start3A_99] : memref<6400xi32, #tpu.memory_space<vmem>> -> memref<64xi32, #tpu.memory_space<vmem>>
    %dma_start3A_101 = arith.constant 0 : i32
    %dma_start3A_102 = arith.constant 0 : i32
    %dma_start3A_103 = tpu.memref_slice %arg2[%dma_start3A_101, %dma_start3A_102] : memref<25600x128xf32, #tpu.memory_space<hbm>> -> memref<25600x128xf32, #tpu.memory_space<hbm>>
    %dma_start3A_104 = tpu.memref_slice %arg7[%dma_start3A_94] : memref<10x!tpu.dma_semaphore, #tpu.memory_space<semaphore_mem>> -> memref<1x!tpu.dma_semaphore, #tpu.memory_space<semaphore_mem>>
    %dma_start3A_105 = tpu.memref_squeeze %dma_start3A_104 : memref<1x!tpu.dma_semaphore, #tpu.memory_space<semaphore_mem>> -> memref<!tpu.dma_semaphore, #tpu.memory_space<semaphore_mem>>
    tpu.enqueue_indirect_dma source(%dma_start3A_103 : memref<25600x128xf32, #tpu.memory_space<hbm>>) target(%dma_start3A_98 : memref<64x128xf32, #tpu.memory_space<vmem>>) offsets(%dma_start3A_100 : memref<64xi32, #tpu.memory_space<vmem>>) semaphore(%dma_start3A_105 : memref<!tpu.dma_semaphore, #tpu.memory_space<semaphore_mem>>)
    %dma_start3A_106 = arith.constant 8 : i32
    %dma_start3A_107 = arith.constant 8 : i32
    %dma_start3A_108 = arith.constant 0 : i32
    %dma_start3A_109 = arith.constant 0 : i32
    %dma_start3A_110 = tpu.memref_slice %arg6[%dma_start3A_106, %dma_start3A_108, %dma_start3A_109] : memref<10x64x128xf32, #tpu.memory_space<vmem>> -> memref<1x64x128xf32, #tpu.memory_space<vmem>>
    %dma_start3A_111 = tpu.memref_squeeze %dma_start3A_110 : memref<1x64x128xf32, #tpu.memory_space<vmem>> -> memref<64x128xf32, #tpu.memory_space<vmem>>
    %dma_start3A_112 = arith.constant 512 : i32
    %dma_start3A_113 = tpu.memref_slice %arg5[%dma_start3A_112] : memref<6400xi32, #tpu.memory_space<vmem>> -> memref<64xi32, #tpu.memory_space<vmem>>
    %dma_start3A_114 = arith.constant 0 : i32
    %dma_start3A_115 = arith.constant 0 : i32
    %dma_start3A_116 = tpu.memref_slice %arg2[%dma_start3A_114, %dma_start3A_115] : memref<25600x128xf32, #tpu.memory_space<hbm>> -> memref<25600x128xf32, #tpu.memory_space<hbm>>
    %dma_start3A_117 = tpu.memref_slice %arg7[%dma_start3A_107] : memref<10x!tpu.dma_semaphore, #tpu.memory_space<semaphore_mem>> -> memref<1x!tpu.dma_semaphore, #tpu.memory_space<semaphore_mem>>
    %dma_start3A_118 = tpu.memref_squeeze %dma_start3A_117 : memref<1x!tpu.dma_semaphore, #tpu.memory_space<semaphore_mem>> -> memref<!tpu.dma_semaphore, #tpu.memory_space<semaphore_mem>>
    tpu.enqueue_indirect_dma source(%dma_start3A_116 : memref<25600x128xf32, #tpu.memory_space<hbm>>) target(%dma_start3A_111 : memref<64x128xf32, #tpu.memory_space<vmem>>) offsets(%dma_start3A_113 : memref<64xi32, #tpu.memory_space<vmem>>) semaphore(%dma_start3A_118 : memref<!tpu.dma_semaphore, #tpu.memory_space<semaphore_mem>>)
    %dma_start3A_119 = arith.constant 9 : i32
    %dma_start3A_120 = arith.constant 9 : i32
    %dma_start3A_121 = arith.constant 0 : i32
    %dma_start3A_122 = arith.constant 0 : i32
    %dma_start3A_123 = tpu.memref_slice %arg6[%dma_start3A_119, %dma_start3A_121, %dma_start3A_122] : memref<10x64x128xf32, #tpu.memory_space<vmem>> -> memref<1x64x128xf32, #tpu.memory_space<vmem>>
    %dma_start3A_124 = tpu.memref_squeeze %dma_start3A_123 : memref<1x64x128xf32, #tpu.memory_space<vmem>> -> memref<64x128xf32, #tpu.memory_space<vmem>>
    %dma_start3A_125 = arith.constant 576 : i32
    %dma_start3A_126 = tpu.memref_slice %arg5[%dma_start3A_125] : memref<6400xi32, #tpu.memory_space<vmem>> -> memref<64xi32, #tpu.memory_space<vmem>>
    %dma_start3A_127 = arith.constant 0 : i32
    %dma_start3A_128 = arith.constant 0 : i32
    %dma_start3A_129 = tpu.memref_slice %arg2[%dma_start3A_127, %dma_start3A_128] : memref<25600x128xf32, #tpu.memory_space<hbm>> -> memref<25600x128xf32, #tpu.memory_space<hbm>>
    %dma_start3A_130 = tpu.memref_slice %arg7[%dma_start3A_120] : memref<10x!tpu.dma_semaphore, #tpu.memory_space<semaphore_mem>> -> memref<1x!tpu.dma_semaphore, #tpu.memory_space<semaphore_mem>>
    %dma_start3A_131 = tpu.memref_squeeze %dma_start3A_130 : memref<1x!tpu.dma_semaphore, #tpu.memory_space<semaphore_mem>> -> memref<!tpu.dma_semaphore, #tpu.memory_space<semaphore_mem>>
    tpu.enqueue_indirect_dma source(%dma_start3A_129 : memref<25600x128xf32, #tpu.memory_space<hbm>>) target(%dma_start3A_124 : memref<64x128xf32, #tpu.memory_space<vmem>>) offsets(%dma_start3A_126 : memref<64xi32, #tpu.memory_space<vmem>>) semaphore(%dma_start3A_131 : memref<!tpu.dma_semaphore, #tpu.memory_space<semaphore_mem>>)
    %dma_wait3A = arith.constant 0 : i32
    %dma_wait3A_132 = arith.constant 0 : i32
    %dma_wait3A_133 = arith.constant 0 : i32
    %dma_wait3A_134 = arith.constant 0 : i32
    %dma_wait3A_135 = tpu.memref_slice %arg6[%dma_wait3A, %dma_wait3A_133, %dma_wait3A_134] : memref<10x64x128xf32, #tpu.memory_space<vmem>> -> memref<1x64x128xf32, #tpu.memory_space<vmem>>
    %dma_wait3A_136 = tpu.memref_squeeze %dma_wait3A_135 : memref<1x64x128xf32, #tpu.memory_space<vmem>> -> memref<64x128xf32, #tpu.memory_space<vmem>>
    %dma_wait3A_137 = arith.constant 0 : i32
    %dma_wait3A_138 = tpu.memref_slice %arg5[%dma_wait3A_137] : memref<6400xi32, #tpu.memory_space<vmem>> -> memref<64xi32, #tpu.memory_space<vmem>>
    %dma_wait3A_139 = arith.constant 0 : i32
    %dma_wait3A_140 = arith.constant 0 : i32
    %dma_wait3A_141 = tpu.memref_slice %arg2[%dma_wait3A_139, %dma_wait3A_140] : memref<25600x128xf32, #tpu.memory_space<hbm>> -> memref<25600x128xf32, #tpu.memory_space<hbm>>
    %dma_wait3A_142 = tpu.memref_slice %arg7[%dma_wait3A_132] : memref<10x!tpu.dma_semaphore, #tpu.memory_space<semaphore_mem>> -> memref<1x!tpu.dma_semaphore, #tpu.memory_space<semaphore_mem>>
    %dma_wait3A_143 = tpu.memref_squeeze %dma_wait3A_142 : memref<1x!tpu.dma_semaphore, #tpu.memory_space<semaphore_mem>> -> memref<!tpu.dma_semaphore, #tpu.memory_space<semaphore_mem>>
    tpu.wait_indirect_dma semaphore(%dma_wait3A_143 : memref<!tpu.dma_semaphore, #tpu.memory_space<semaphore_mem>>) src(%dma_wait3A_141 : memref<25600x128xf32, #tpu.memory_space<hbm>>) dst(%dma_wait3A_136 : memref<64x128xf32, #tpu.memory_space<vmem>>)
    %add3A_144 = arith.constant 0 : i32
    %add3A_145 = arith.addi %mul3A_2, %add3A_144 : i32
    %multiple_of3A = tpu.assume_multiple %add3A_145, 8 : i32
    %dma_start3A_146 = arith.constant 0 : i32
    %dma_start3A_147 = arith.constant 0 : i32
    %dma_start3A_148 = arith.constant 0 : i32
    %dma_start3A_149 = arith.constant 0 : i32
    %dma_start3A_150 = tpu.memref_slice %arg6[%dma_start3A_146, %dma_start3A_148, %dma_start3A_149] : memref<10x64x128xf32, #tpu.memory_space<vmem>> -> memref<1x64x128xf32, #tpu.memory_space<vmem>>
    %dma_start3A_151 = tpu.memref_squeeze %dma_start3A_150 : memref<1x64x128xf32, #tpu.memory_space<vmem>> -> memref<64x128xf32, #tpu.memory_space<vmem>>
    %dma_start3A_152 = arith.constant 0 : i32
    %dma_start3A_153 = tpu.memref_slice %arg4[%multiple_of3A, %dma_start3A_152] : memref<204800x128xf32, #tpu.memory_space<hbm>> -> memref<64x128xf32, #tpu.memory_space<hbm>>
    %dma_start3A_154 = tpu.memref_slice %arg8[%dma_start3A_147] : memref<10x!tpu.dma_semaphore, #tpu.memory_space<semaphore_mem>> -> memref<1x!tpu.dma_semaphore, #tpu.memory_space<semaphore_mem>>
    %dma_start3A_155 = tpu.memref_squeeze %dma_start3A_154 : memref<1x!tpu.dma_semaphore, #tpu.memory_space<semaphore_mem>> -> memref<!tpu.dma_semaphore, #tpu.memory_space<semaphore_mem>>
    %dma_start3A_156 = arith.constant 0 : i32
    %dma_start3A_157 = tpu.memref_slice %arg4[%multiple_of3A, %dma_start3A_156] : memref<204800x128xf32, #tpu.memory_space<hbm>> -> memref<64x128xf32, #tpu.memory_space<hbm>>
    %dma_start3A_158 = arith.constant 0 : i32
    %dma_start3A_159 = arith.constant 0 : i32
    %dma_start3A_160 = tpu.memref_slice %arg6[%dma_start3A_146, %dma_start3A_158, %dma_start3A_159] : memref<10x64x128xf32, #tpu.memory_space<vmem>> -> memref<1x64x128xf32, #tpu.memory_space<vmem>>
    %dma_start3A_161 = tpu.memref_squeeze %dma_start3A_160 : memref<1x64x128xf32, #tpu.memory_space<vmem>> -> memref<64x128xf32, #tpu.memory_space<vmem>>
    tpu.enqueue_dma source(%dma_start3A_161 : memref<64x128xf32, #tpu.memory_space<vmem>>) target(%dma_start3A_157 : memref<64x128xf32, #tpu.memory_space<hbm>>) target_semaphore(%dma_start3A_155 : memref<!tpu.dma_semaphore, #tpu.memory_space<semaphore_mem>>)
    %dma_wait3A_162 = arith.constant 1 : i32
    %dma_wait3A_163 = arith.constant 1 : i32
    %dma_wait3A_164 = arith.constant 0 : i32
    %dma_wait3A_165 = arith.constant 0 : i32
    %dma_wait3A_166 = tpu.memref_slice %arg6[%dma_wait3A_162, %dma_wait3A_164, %dma_wait3A_165] : memref<10x64x128xf32, #tpu.memory_space<vmem>> -> memref<1x64x128xf32, #tpu.memory_space<vmem>>
    %dma_wait3A_167 = tpu.memref_squeeze %dma_wait3A_166 : memref<1x64x128xf32, #tpu.memory_space<vmem>> -> memref<64x128xf32, #tpu.memory_space<vmem>>
    %dma_wait3A_168 = arith.constant 64 : i32
    %dma_wait3A_169 = tpu.memref_slice %arg5[%dma_wait3A_168] : memref<6400xi32, #tpu.memory_space<vmem>> -> memref<64xi32, #tpu.memory_space<vmem>>
    %dma_wait3A_170 = arith.constant 0 : i32
    %dma_wait3A_171 = arith.constant 0 : i32
    %dma_wait3A_172 = tpu.memref_slice %arg2[%dma_wait3A_170, %dma_wait3A_171] : memref<25600x128xf32, #tpu.memory_space<hbm>> -> memref<25600x128xf32, #tpu.memory_space<hbm>>
    %dma_wait3A_173 = tpu.memref_slice %arg7[%dma_wait3A_163] : memref<10x!tpu.dma_semaphore, #tpu.memory_space<semaphore_mem>> -> memref<1x!tpu.dma_semaphore, #tpu.memory_space<semaphore_mem>>
    %dma_wait3A_174 = tpu.memref_squeeze %dma_wait3A_173 : memref<1x!tpu.dma_semaphore, #tpu.memory_space<semaphore_mem>> -> memref<!tpu.dma_semaphore, #tpu.memory_space<semaphore_mem>>
    tpu.wait_indirect_dma semaphore(%dma_wait3A_174 : memref<!tpu.dma_semaphore, #tpu.memory_space<semaphore_mem>>) src(%dma_wait3A_172 : memref<25600x128xf32, #tpu.memory_space<hbm>>) dst(%dma_wait3A_167 : memref<64x128xf32, #tpu.memory_space<vmem>>)
    %add3A_175 = arith.constant 64 : i32
    %add3A_176 = arith.addi %mul3A_2, %add3A_175 : i32
    %multiple_of3A_177 = tpu.assume_multiple %add3A_176, 8 : i32
    %dma_start3A_178 = arith.constant 1 : i32
    %dma_start3A_179 = arith.constant 1 : i32
    %dma_start3A_180 = arith.constant 0 : i32
    %dma_start3A_181 = arith.constant 0 : i32
    %dma_start3A_182 = tpu.memref_slice %arg6[%dma_start3A_178, %dma_start3A_180, %dma_start3A_181] : memref<10x64x128xf32, #tpu.memory_space<vmem>> -> memref<1x64x128xf32, #tpu.memory_space<vmem>>
    %dma_start3A_183 = tpu.memref_squeeze %dma_start3A_182 : memref<1x64x128xf32, #tpu.memory_space<vmem>> -> memref<64x128xf32, #tpu.memory_space<vmem>>
    %dma_start3A_184 = arith.constant 0 : i32
    %dma_start3A_185 = tpu.memref_slice %arg4[%multiple_of3A_177, %dma_start3A_184] : memref<204800x128xf32, #tpu.memory_space<hbm>> -> memref<64x128xf32, #tpu.memory_space<hbm>>
    %dma_start3A_186 = tpu.memref_slice %arg8[%dma_start3A_179] : memref<10x!tpu.dma_semaphore, #tpu.memory_space<semaphore_mem>> -> memref<1x!tpu.dma_semaphore, #tpu.memory_space<semaphore_mem>>
    %dma_start3A_187 = tpu.memref_squeeze %dma_start3A_186 : memref<1x!tpu.dma_semaphore, #tpu.memory_space<semaphore_mem>> -> memref<!tpu.dma_semaphore, #tpu.memory_space<semaphore_mem>>
    %dma_start3A_188 = arith.constant 0 : i32
    %dma_start3A_189 = tpu.memref_slice %arg4[%multiple_of3A_177, %dma_start3A_188] : memref<204800x128xf32, #tpu.memory_space<hbm>> -> memref<64x128xf32, #tpu.memory_space<hbm>>
    %dma_start3A_190 = arith.constant 0 : i32
    %dma_start3A_191 = arith.constant 0 : i32
    %dma_start3A_192 = tpu.memref_slice %arg6[%dma_start3A_178, %dma_start3A_190, %dma_start3A_191] : memref<10x64x128xf32, #tpu.memory_space<vmem>> -> memref<1x64x128xf32, #tpu.memory_space<vmem>>
    %dma_start3A_193 = tpu.memref_squeeze %dma_start3A_192 : memref<1x64x128xf32, #tpu.memory_space<vmem>> -> memref<64x128xf32, #tpu.memory_space<vmem>>
    tpu.enqueue_dma source(%dma_start3A_193 : memref<64x128xf32, #tpu.memory_space<vmem>>) target(%dma_start3A_189 : memref<64x128xf32, #tpu.memory_space<hbm>>) target_semaphore(%dma_start3A_187 : memref<!tpu.dma_semaphore, #tpu.memory_space<semaphore_mem>>)
    %dma_wait3A_194 = arith.constant 2 : i32
    %dma_wait3A_195 = arith.constant 2 : i32
    %dma_wait3A_196 = arith.constant 0 : i32
    %dma_wait3A_197 = arith.constant 0 : i32
    %dma_wait3A_198 = tpu.memref_slice %arg6[%dma_wait3A_194, %dma_wait3A_196, %dma_wait3A_197] : memref<10x64x128xf32, #tpu.memory_space<vmem>> -> memref<1x64x128xf32, #tpu.memory_space<vmem>>
    %dma_wait3A_199 = tpu.memref_squeeze %dma_wait3A_198 : memref<1x64x128xf32, #tpu.memory_space<vmem>> -> memref<64x128xf32, #tpu.memory_space<vmem>>
    %dma_wait3A_200 = arith.constant 128 : i32
    %dma_wait3A_201 = tpu.memref_slice %arg5[%dma_wait3A_200] : memref<6400xi32, #tpu.memory_space<vmem>> -> memref<64xi32, #tpu.memory_space<vmem>>
    %dma_wait3A_202 = arith.constant 0 : i32
    %dma_wait3A_203 = arith.constant 0 : i32
    %dma_wait3A_204 = tpu.memref_slice %arg2[%dma_wait3A_202, %dma_wait3A_203] : memref<25600x128xf32, #tpu.memory_space<hbm>> -> memref<25600x128xf32, #tpu.memory_space<hbm>>
    %dma_wait3A_205 = tpu.memref_slice %arg7[%dma_wait3A_195] : memref<10x!tpu.dma_semaphore, #tpu.memory_space<semaphore_mem>> -> memref<1x!tpu.dma_semaphore, #tpu.memory_space<semaphore_mem>>
    %dma_wait3A_206 = tpu.memref_squeeze %dma_wait3A_205 : memref<1x!tpu.dma_semaphore, #tpu.memory_space<semaphore_mem>> -> memref<!tpu.dma_semaphore, #tpu.memory_space<semaphore_mem>>
    tpu.wait_indirect_dma semaphore(%dma_wait3A_206 : memref<!tpu.dma_semaphore, #tpu.memory_space<semaphore_mem>>) src(%dma_wait3A_204 : memref<25600x128xf32, #tpu.memory_space<hbm>>) dst(%dma_wait3A_199 : memref<64x128xf32, #tpu.memory_space<vmem>>)
    %add3A_207 = arith.constant 128 : i32
    %add3A_208 = arith.addi %mul3A_2, %add3A_207 : i32
    %multiple_of3A_209 = tpu.assume_multiple %add3A_208, 8 : i32
    %dma_start3A_210 = arith.constant 2 : i32
    %dma_start3A_211 = arith.constant 2 : i32
    %dma_start3A_212 = arith.constant 0 : i32
    %dma_start3A_213 = arith.constant 0 : i32
    %dma_start3A_214 = tpu.memref_slice %arg6[%dma_start3A_210, %dma_start3A_212, %dma_start3A_213] : memref<10x64x128xf32, #tpu.memory_space<vmem>> -> memref<1x64x128xf32, #tpu.memory_space<vmem>>
    %dma_start3A_215 = tpu.memref_squeeze %dma_start3A_214 : memref<1x64x128xf32, #tpu.memory_space<vmem>> -> memref<64x128xf32, #tpu.memory_space<vmem>>
    %dma_start3A_216 = arith.constant 0 : i32
    %dma_start3A_217 = tpu.memref_slice %arg4[%multiple_of3A_209, %dma_start3A_216] : memref<204800x128xf32, #tpu.memory_space<hbm>> -> memref<64x128xf32, #tpu.memory_space<hbm>>
    %dma_start3A_218 = tpu.memref_slice %arg8[%dma_start3A_211] : memref<10x!tpu.dma_semaphore, #tpu.memory_space<semaphore_mem>> -> memref<1x!tpu.dma_semaphore, #tpu.memory_space<semaphore_mem>>
    %dma_start3A_219 = tpu.memref_squeeze %dma_start3A_218 : memref<1x!tpu.dma_semaphore, #tpu.memory_space<semaphore_mem>> -> memref<!tpu.dma_semaphore, #tpu.memory_space<semaphore_mem>>
    %dma_start3A_220 = arith.constant 0 : i32
    %dma_start3A_221 = tpu.memref_slice %arg4[%multiple_of3A_209, %dma_start3A_220] : memref<204800x128xf32, #tpu.memory_space<hbm>> -> memref<64x128xf32, #tpu.memory_space<hbm>>
    %dma_start3A_222 = arith.constant 0 : i32
    %dma_start3A_223 = arith.constant 0 : i32
    %dma_start3A_224 = tpu.memref_slice %arg6[%dma_start3A_210, %dma_start3A_222, %dma_start3A_223] : memref<10x64x128xf32, #tpu.memory_space<vmem>> -> memref<1x64x128xf32, #tpu.memory_space<vmem>>
    %dma_start3A_225 = tpu.memref_squeeze %dma_start3A_224 : memref<1x64x128xf32, #tpu.memory_space<vmem>> -> memref<64x128xf32, #tpu.memory_space<vmem>>
    tpu.enqueue_dma source(%dma_start3A_225 : memref<64x128xf32, #tpu.memory_space<vmem>>) target(%dma_start3A_221 : memref<64x128xf32, #tpu.memory_space<hbm>>) target_semaphore(%dma_start3A_219 : memref<!tpu.dma_semaphore, #tpu.memory_space<semaphore_mem>>)
    %dma_wait3A_226 = arith.constant 3 : i32
    %dma_wait3A_227 = arith.constant 3 : i32
    %dma_wait3A_228 = arith.constant 0 : i32
    %dma_wait3A_229 = arith.constant 0 : i32
    %dma_wait3A_230 = tpu.memref_slice %arg6[%dma_wait3A_226, %dma_wait3A_228, %dma_wait3A_229] : memref<10x64x128xf32, #tpu.memory_space<vmem>> -> memref<1x64x128xf32, #tpu.memory_space<vmem>>
    %dma_wait3A_231 = tpu.memref_squeeze %dma_wait3A_230 : memref<1x64x128xf32, #tpu.memory_space<vmem>> -> memref<64x128xf32, #tpu.memory_space<vmem>>
    %dma_wait3A_232 = arith.constant 192 : i32
    %dma_wait3A_233 = tpu.memref_slice %arg5[%dma_wait3A_232] : memref<6400xi32, #tpu.memory_space<vmem>> -> memref<64xi32, #tpu.memory_space<vmem>>
    %dma_wait3A_234 = arith.constant 0 : i32
    %dma_wait3A_235 = arith.constant 0 : i32
    %dma_wait3A_236 = tpu.memref_slice %arg2[%dma_wait3A_234, %dma_wait3A_235] : memref<25600x128xf32, #tpu.memory_space<hbm>> -> memref<25600x128xf32, #tpu.memory_space<hbm>>
    %dma_wait3A_237 = tpu.memref_slice %arg7[%dma_wait3A_227] : memref<10x!tpu.dma_semaphore, #tpu.memory_space<semaphore_mem>> -> memref<1x!tpu.dma_semaphore, #tpu.memory_space<semaphore_mem>>
    %dma_wait3A_238 = tpu.memref_squeeze %dma_wait3A_237 : memref<1x!tpu.dma_semaphore, #tpu.memory_space<semaphore_mem>> -> memref<!tpu.dma_semaphore, #tpu.memory_space<semaphore_mem>>
    tpu.wait_indirect_dma semaphore(%dma_wait3A_238 : memref<!tpu.dma_semaphore, #tpu.memory_space<semaphore_mem>>) src(%dma_wait3A_236 : memref<25600x128xf32, #tpu.memory_space<hbm>>) dst(%dma_wait3A_231 : memref<64x128xf32, #tpu.memory_space<vmem>>)
    %add3A_239 = arith.constant 192 : i32
    %add3A_240 = arith.addi %mul3A_2, %add3A_239 : i32
    %multiple_of3A_241 = tpu.assume_multiple %add3A_240, 8 : i32
    %dma_start3A_242 = arith.constant 3 : i32
    %dma_start3A_243 = arith.constant 3 : i32
    %dma_start3A_244 = arith.constant 0 : i32
    %dma_start3A_245 = arith.constant 0 : i32
    %dma_start3A_246 = tpu.memref_slice %arg6[%dma_start3A_242, %dma_start3A_244, %dma_start3A_245] : memref<10x64x128xf32, #tpu.memory_space<vmem>> -> memref<1x64x128xf32, #tpu.memory_space<vmem>>
    %dma_start3A_247 = tpu.memref_squeeze %dma_start3A_246 : memref<1x64x128xf32, #tpu.memory_space<vmem>> -> memref<64x128xf32, #tpu.memory_space<vmem>>
    %dma_start3A_248 = arith.constant 0 : i32
    %dma_start3A_249 = tpu.memref_slice %arg4[%multiple_of3A_241, %dma_start3A_248] : memref<204800x128xf32, #tpu.memory_space<hbm>> -> memref<64x128xf32, #tpu.memory_space<hbm>>
    %dma_start3A_250 = tpu.memref_slice %arg8[%dma_start3A_243] : memref<10x!tpu.dma_semaphore, #tpu.memory_space<semaphore_mem>> -> memref<1x!tpu.dma_semaphore, #tpu.memory_space<semaphore_mem>>
    %dma_start3A_251 = tpu.memref_squeeze %dma_start3A_250 : memref<1x!tpu.dma_semaphore, #tpu.memory_space<semaphore_mem>> -> memref<!tpu.dma_semaphore, #tpu.memory_space<semaphore_mem>>
    %dma_start3A_252 = arith.constant 0 : i32
    %dma_start3A_253 = tpu.memref_slice %arg4[%multiple_of3A_241, %dma_start3A_252] : memref<204800x128xf32, #tpu.memory_space<hbm>> -> memref<64x128xf32, #tpu.memory_space<hbm>>
    %dma_start3A_254 = arith.constant 0 : i32
    %dma_start3A_255 = arith.constant 0 : i32
    %dma_start3A_256 = tpu.memref_slice %arg6[%dma_start3A_242, %dma_start3A_254, %dma_start3A_255] : memref<10x64x128xf32, #tpu.memory_space<vmem>> -> memref<1x64x128xf32, #tpu.memory_space<vmem>>
    %dma_start3A_257 = tpu.memref_squeeze %dma_start3A_256 : memref<1x64x128xf32, #tpu.memory_space<vmem>> -> memref<64x128xf32, #tpu.memory_space<vmem>>
    tpu.enqueue_dma source(%dma_start3A_257 : memref<64x128xf32, #tpu.memory_space<vmem>>) target(%dma_start3A_253 : memref<64x128xf32, #tpu.memory_space<hbm>>) target_semaphore(%dma_start3A_251 : memref<!tpu.dma_semaphore, #tpu.memory_space<semaphore_mem>>)
    %dma_wait3A_258 = arith.constant 4 : i32
    %dma_wait3A_259 = arith.constant 4 : i32
    %dma_wait3A_260 = arith.constant 0 : i32
    %dma_wait3A_261 = arith.constant 0 : i32
    %dma_wait3A_262 = tpu.memref_slice %arg6[%dma_wait3A_258, %dma_wait3A_260, %dma_wait3A_261] : memref<10x64x128xf32, #tpu.memory_space<vmem>> -> memref<1x64x128xf32, #tpu.memory_space<vmem>>
    %dma_wait3A_263 = tpu.memref_squeeze %dma_wait3A_262 : memref<1x64x128xf32, #tpu.memory_space<vmem>> -> memref<64x128xf32, #tpu.memory_space<vmem>>
    %dma_wait3A_264 = arith.constant 256 : i32
    %dma_wait3A_265 = tpu.memref_slice %arg5[%dma_wait3A_264] : memref<6400xi32, #tpu.memory_space<vmem>> -> memref<64xi32, #tpu.memory_space<vmem>>
    %dma_wait3A_266 = arith.constant 0 : i32
    %dma_wait3A_267 = arith.constant 0 : i32
    %dma_wait3A_268 = tpu.memref_slice %arg2[%dma_wait3A_266, %dma_wait3A_267] : memref<25600x128xf32, #tpu.memory_space<hbm>> -> memref<25600x128xf32, #tpu.memory_space<hbm>>
    %dma_wait3A_269 = tpu.memref_slice %arg7[%dma_wait3A_259] : memref<10x!tpu.dma_semaphore, #tpu.memory_space<semaphore_mem>> -> memref<1x!tpu.dma_semaphore, #tpu.memory_space<semaphore_mem>>
    %dma_wait3A_270 = tpu.memref_squeeze %dma_wait3A_269 : memref<1x!tpu.dma_semaphore, #tpu.memory_space<semaphore_mem>> -> memref<!tpu.dma_semaphore, #tpu.memory_space<semaphore_mem>>
    tpu.wait_indirect_dma semaphore(%dma_wait3A_270 : memref<!tpu.dma_semaphore, #tpu.memory_space<semaphore_mem>>) src(%dma_wait3A_268 : memref<25600x128xf32, #tpu.memory_space<hbm>>) dst(%dma_wait3A_263 : memref<64x128xf32, #tpu.memory_space<vmem>>)
    %add3A_271 = arith.constant 256 : i32
    %add3A_272 = arith.addi %mul3A_2, %add3A_271 : i32
    %multiple_of3A_273 = tpu.assume_multiple %add3A_272, 8 : i32
    %dma_start3A_274 = arith.constant 4 : i32
    %dma_start3A_275 = arith.constant 4 : i32
    %dma_start3A_276 = arith.constant 0 : i32
    %dma_start3A_277 = arith.constant 0 : i32
    %dma_start3A_278 = tpu.memref_slice %arg6[%dma_start3A_274, %dma_start3A_276, %dma_start3A_277] : memref<10x64x128xf32, #tpu.memory_space<vmem>> -> memref<1x64x128xf32, #tpu.memory_space<vmem>>
    %dma_start3A_279 = tpu.memref_squeeze %dma_start3A_278 : memref<1x64x128xf32, #tpu.memory_space<vmem>> -> memref<64x128xf32, #tpu.memory_space<vmem>>
    %dma_start3A_280 = arith.constant 0 : i32
    %dma_start3A_281 = tpu.memref_slice %arg4[%multiple_of3A_273, %dma_start3A_280] : memref<204800x128xf32, #tpu.memory_space<hbm>> -> memref<64x128xf32, #tpu.memory_space<hbm>>
    %dma_start3A_282 = tpu.memref_slice %arg8[%dma_start3A_275] : memref<10x!tpu.dma_semaphore, #tpu.memory_space<semaphore_mem>> -> memref<1x!tpu.dma_semaphore, #tpu.memory_space<semaphore_mem>>
    %dma_start3A_283 = tpu.memref_squeeze %dma_start3A_282 : memref<1x!tpu.dma_semaphore, #tpu.memory_space<semaphore_mem>> -> memref<!tpu.dma_semaphore, #tpu.memory_space<semaphore_mem>>
    %dma_start3A_284 = arith.constant 0 : i32
    %dma_start3A_285 = tpu.memref_slice %arg4[%multiple_of3A_273, %dma_start3A_284] : memref<204800x128xf32, #tpu.memory_space<hbm>> -> memref<64x128xf32, #tpu.memory_space<hbm>>
    %dma_start3A_286 = arith.constant 0 : i32
    %dma_start3A_287 = arith.constant 0 : i32
    %dma_start3A_288 = tpu.memref_slice %arg6[%dma_start3A_274, %dma_start3A_286, %dma_start3A_287] : memref<10x64x128xf32, #tpu.memory_space<vmem>> -> memref<1x64x128xf32, #tpu.memory_space<vmem>>
    %dma_start3A_289 = tpu.memref_squeeze %dma_start3A_288 : memref<1x64x128xf32, #tpu.memory_space<vmem>> -> memref<64x128xf32, #tpu.memory_space<vmem>>
    tpu.enqueue_dma source(%dma_start3A_289 : memref<64x128xf32, #tpu.memory_space<vmem>>) target(%dma_start3A_285 : memref<64x128xf32, #tpu.memory_space<hbm>>) target_semaphore(%dma_start3A_283 : memref<!tpu.dma_semaphore, #tpu.memory_space<semaphore_mem>>)
    %dma_wait3A_290 = arith.constant 5 : i32
    %dma_wait3A_291 = arith.constant 5 : i32
    %dma_wait3A_292 = arith.constant 0 : i32
    %dma_wait3A_293 = arith.constant 0 : i32
    %dma_wait3A_294 = tpu.memref_slice %arg6[%dma_wait3A_290, %dma_wait3A_292, %dma_wait3A_293] : memref<10x64x128xf32, #tpu.memory_space<vmem>> -> memref<1x64x128xf32, #tpu.memory_space<vmem>>
    %dma_wait3A_295 = tpu.memref_squeeze %dma_wait3A_294 : memref<1x64x128xf32, #tpu.memory_space<vmem>> -> memref<64x128xf32, #tpu.memory_space<vmem>>
    %dma_wait3A_296 = arith.constant 320 : i32
    %dma_wait3A_297 = tpu.memref_slice %arg5[%dma_wait3A_296] : memref<6400xi32, #tpu.memory_space<vmem>> -> memref<64xi32, #tpu.memory_space<vmem>>
    %dma_wait3A_298 = arith.constant 0 : i32
    %dma_wait3A_299 = arith.constant 0 : i32
    %dma_wait3A_300 = tpu.memref_slice %arg2[%dma_wait3A_298, %dma_wait3A_299] : memref<25600x128xf32, #tpu.memory_space<hbm>> -> memref<25600x128xf32, #tpu.memory_space<hbm>>
    %dma_wait3A_301 = tpu.memref_slice %arg7[%dma_wait3A_291] : memref<10x!tpu.dma_semaphore, #tpu.memory_space<semaphore_mem>> -> memref<1x!tpu.dma_semaphore, #tpu.memory_space<semaphore_mem>>
    %dma_wait3A_302 = tpu.memref_squeeze %dma_wait3A_301 : memref<1x!tpu.dma_semaphore, #tpu.memory_space<semaphore_mem>> -> memref<!tpu.dma_semaphore, #tpu.memory_space<semaphore_mem>>
    tpu.wait_indirect_dma semaphore(%dma_wait3A_302 : memref<!tpu.dma_semaphore, #tpu.memory_space<semaphore_mem>>) src(%dma_wait3A_300 : memref<25600x128xf32, #tpu.memory_space<hbm>>) dst(%dma_wait3A_295 : memref<64x128xf32, #tpu.memory_space<vmem>>)
    %add3A_303 = arith.constant 320 : i32
    %add3A_304 = arith.addi %mul3A_2, %add3A_303 : i32
    %multiple_of3A_305 = tpu.assume_multiple %add3A_304, 8 : i32
    %dma_start3A_306 = arith.constant 5 : i32
    %dma_start3A_307 = arith.constant 5 : i32
    %dma_start3A_308 = arith.constant 0 : i32
    %dma_start3A_309 = arith.constant 0 : i32
    %dma_start3A_310 = tpu.memref_slice %arg6[%dma_start3A_306, %dma_start3A_308, %dma_start3A_309] : memref<10x64x128xf32, #tpu.memory_space<vmem>> -> memref<1x64x128xf32, #tpu.memory_space<vmem>>
    %dma_start3A_311 = tpu.memref_squeeze %dma_start3A_310 : memref<1x64x128xf32, #tpu.memory_space<vmem>> -> memref<64x128xf32, #tpu.memory_space<vmem>>
    %dma_start3A_312 = arith.constant 0 : i32
    %dma_start3A_313 = tpu.memref_slice %arg4[%multiple_of3A_305, %dma_start3A_312] : memref<204800x128xf32, #tpu.memory_space<hbm>> -> memref<64x128xf32, #tpu.memory_space<hbm>>
    %dma_start3A_314 = tpu.memref_slice %arg8[%dma_start3A_307] : memref<10x!tpu.dma_semaphore, #tpu.memory_space<semaphore_mem>> -> memref<1x!tpu.dma_semaphore, #tpu.memory_space<semaphore_mem>>
    %dma_start3A_315 = tpu.memref_squeeze %dma_start3A_314 : memref<1x!tpu.dma_semaphore, #tpu.memory_space<semaphore_mem>> -> memref<!tpu.dma_semaphore, #tpu.memory_space<semaphore_mem>>
    %dma_start3A_316 = arith.constant 0 : i32
    %dma_start3A_317 = tpu.memref_slice %arg4[%multiple_of3A_305, %dma_start3A_316] : memref<204800x128xf32, #tpu.memory_space<hbm>> -> memref<64x128xf32, #tpu.memory_space<hbm>>
    %dma_start3A_318 = arith.constant 0 : i32
    %dma_start3A_319 = arith.constant 0 : i32
    %dma_start3A_320 = tpu.memref_slice %arg6[%dma_start3A_306, %dma_start3A_318, %dma_start3A_319] : memref<10x64x128xf32, #tpu.memory_space<vmem>> -> memref<1x64x128xf32, #tpu.memory_space<vmem>>
    %dma_start3A_321 = tpu.memref_squeeze %dma_start3A_320 : memref<1x64x128xf32, #tpu.memory_space<vmem>> -> memref<64x128xf32, #tpu.memory_space<vmem>>
    tpu.enqueue_dma source(%dma_start3A_321 : memref<64x128xf32, #tpu.memory_space<vmem>>) target(%dma_start3A_317 : memref<64x128xf32, #tpu.memory_space<hbm>>) target_semaphore(%dma_start3A_315 : memref<!tpu.dma_semaphore, #tpu.memory_space<semaphore_mem>>)
    %dma_wait3A_322 = arith.constant 6 : i32
    %dma_wait3A_323 = arith.constant 6 : i32
    %dma_wait3A_324 = arith.constant 0 : i32
    %dma_wait3A_325 = arith.constant 0 : i32
    %dma_wait3A_326 = tpu.memref_slice %arg6[%dma_wait3A_322, %dma_wait3A_324, %dma_wait3A_325] : memref<10x64x128xf32, #tpu.memory_space<vmem>> -> memref<1x64x128xf32, #tpu.memory_space<vmem>>
    %dma_wait3A_327 = tpu.memref_squeeze %dma_wait3A_326 : memref<1x64x128xf32, #tpu.memory_space<vmem>> -> memref<64x128xf32, #tpu.memory_space<vmem>>
    %dma_wait3A_328 = arith.constant 384 : i32
    %dma_wait3A_329 = tpu.memref_slice %arg5[%dma_wait3A_328] : memref<6400xi32, #tpu.memory_space<vmem>> -> memref<64xi32, #tpu.memory_space<vmem>>
    %dma_wait3A_330 = arith.constant 0 : i32
    %dma_wait3A_331 = arith.constant 0 : i32
    %dma_wait3A_332 = tpu.memref_slice %arg2[%dma_wait3A_330, %dma_wait3A_331] : memref<25600x128xf32, #tpu.memory_space<hbm>> -> memref<25600x128xf32, #tpu.memory_space<hbm>>
    %dma_wait3A_333 = tpu.memref_slice %arg7[%dma_wait3A_323] : memref<10x!tpu.dma_semaphore, #tpu.memory_space<semaphore_mem>> -> memref<1x!tpu.dma_semaphore, #tpu.memory_space<semaphore_mem>>
    %dma_wait3A_334 = tpu.memref_squeeze %dma_wait3A_333 : memref<1x!tpu.dma_semaphore, #tpu.memory_space<semaphore_mem>> -> memref<!tpu.dma_semaphore, #tpu.memory_space<semaphore_mem>>
    tpu.wait_indirect_dma semaphore(%dma_wait3A_334 : memref<!tpu.dma_semaphore, #tpu.memory_space<semaphore_mem>>) src(%dma_wait3A_332 : memref<25600x128xf32, #tpu.memory_space<hbm>>) dst(%dma_wait3A_327 : memref<64x128xf32, #tpu.memory_space<vmem>>)
    %add3A_335 = arith.constant 384 : i32
    %add3A_336 = arith.addi %mul3A_2, %add3A_335 : i32
    %multiple_of3A_337 = tpu.assume_multiple %add3A_336, 8 : i32
    %dma_start3A_338 = arith.constant 6 : i32
    %dma_start3A_339 = arith.constant 6 : i32
    %dma_start3A_340 = arith.constant 0 : i32
    %dma_start3A_341 = arith.constant 0 : i32
    %dma_start3A_342 = tpu.memref_slice %arg6[%dma_start3A_338, %dma_start3A_340, %dma_start3A_341] : memref<10x64x128xf32, #tpu.memory_space<vmem>> -> memref<1x64x128xf32, #tpu.memory_space<vmem>>
    %dma_start3A_343 = tpu.memref_squeeze %dma_start3A_342 : memref<1x64x128xf32, #tpu.memory_space<vmem>> -> memref<64x128xf32, #tpu.memory_space<vmem>>
    %dma_start3A_344 = arith.constant 0 : i32
    %dma_start3A_345 = tpu.memref_slice %arg4[%multiple_of3A_337, %dma_start3A_344] : memref<204800x128xf32, #tpu.memory_space<hbm>> -> memref<64x128xf32, #tpu.memory_space<hbm>>
    %dma_start3A_346 = tpu.memref_slice %arg8[%dma_start3A_339] : memref<10x!tpu.dma_semaphore, #tpu.memory_space<semaphore_mem>> -> memref<1x!tpu.dma_semaphore, #tpu.memory_space<semaphore_mem>>
    %dma_start3A_347 = tpu.memref_squeeze %dma_start3A_346 : memref<1x!tpu.dma_semaphore, #tpu.memory_space<semaphore_mem>> -> memref<!tpu.dma_semaphore, #tpu.memory_space<semaphore_mem>>
    %dma_start3A_348 = arith.constant 0 : i32
    %dma_start3A_349 = tpu.memref_slice %arg4[%multiple_of3A_337, %dma_start3A_348] : memref<204800x128xf32, #tpu.memory_space<hbm>> -> memref<64x128xf32, #tpu.memory_space<hbm>>
    %dma_start3A_350 = arith.constant 0 : i32
    %dma_start3A_351 = arith.constant 0 : i32
    %dma_start3A_352 = tpu.memref_slice %arg6[%dma_start3A_338, %dma_start3A_350, %dma_start3A_351] : memref<10x64x128xf32, #tpu.memory_space<vmem>> -> memref<1x64x128xf32, #tpu.memory_space<vmem>>
    %dma_start3A_353 = tpu.memref_squeeze %dma_start3A_352 : memref<1x64x128xf32, #tpu.memory_space<vmem>> -> memref<64x128xf32, #tpu.memory_space<vmem>>
    tpu.enqueue_dma source(%dma_start3A_353 : memref<64x128xf32, #tpu.memory_space<vmem>>) target(%dma_start3A_349 : memref<64x128xf32, #tpu.memory_space<hbm>>) target_semaphore(%dma_start3A_347 : memref<!tpu.dma_semaphore, #tpu.memory_space<semaphore_mem>>)
    %dma_wait3A_354 = arith.constant 7 : i32
    %dma_wait3A_355 = arith.constant 7 : i32
    %dma_wait3A_356 = arith.constant 0 : i32
    %dma_wait3A_357 = arith.constant 0 : i32
    %dma_wait3A_358 = tpu.memref_slice %arg6[%dma_wait3A_354, %dma_wait3A_356, %dma_wait3A_357] : memref<10x64x128xf32, #tpu.memory_space<vmem>> -> memref<1x64x128xf32, #tpu.memory_space<vmem>>
    %dma_wait3A_359 = tpu.memref_squeeze %dma_wait3A_358 : memref<1x64x128xf32, #tpu.memory_space<vmem>> -> memref<64x128xf32, #tpu.memory_space<vmem>>
    %dma_wait3A_360 = arith.constant 448 : i32
    %dma_wait3A_361 = tpu.memref_slice %arg5[%dma_wait3A_360] : memref<6400xi32, #tpu.memory_space<vmem>> -> memref<64xi32, #tpu.memory_space<vmem>>
    %dma_wait3A_362 = arith.constant 0 : i32
    %dma_wait3A_363 = arith.constant 0 : i32
    %dma_wait3A_364 = tpu.memref_slice %arg2[%dma_wait3A_362, %dma_wait3A_363] : memref<25600x128xf32, #tpu.memory_space<hbm>> -> memref<25600x128xf32, #tpu.memory_space<hbm>>
    %dma_wait3A_365 = tpu.memref_slice %arg7[%dma_wait3A_355] : memref<10x!tpu.dma_semaphore, #tpu.memory_space<semaphore_mem>> -> memref<1x!tpu.dma_semaphore, #tpu.memory_space<semaphore_mem>>
    %dma_wait3A_366 = tpu.memref_squeeze %dma_wait3A_365 : memref<1x!tpu.dma_semaphore, #tpu.memory_space<semaphore_mem>> -> memref<!tpu.dma_semaphore, #tpu.memory_space<semaphore_mem>>
    tpu.wait_indirect_dma semaphore(%dma_wait3A_366 : memref<!tpu.dma_semaphore, #tpu.memory_space<semaphore_mem>>) src(%dma_wait3A_364 : memref<25600x128xf32, #tpu.memory_space<hbm>>) dst(%dma_wait3A_359 : memref<64x128xf32, #tpu.memory_space<vmem>>)
    %add3A_367 = arith.constant 448 : i32
    %add3A_368 = arith.addi %mul3A_2, %add3A_367 : i32
    %multiple_of3A_369 = tpu.assume_multiple %add3A_368, 8 : i32
    %dma_start3A_370 = arith.constant 7 : i32
    %dma_start3A_371 = arith.constant 7 : i32
    %dma_start3A_372 = arith.constant 0 : i32
    %dma_start3A_373 = arith.constant 0 : i32
    %dma_start3A_374 = tpu.memref_slice %arg6[%dma_start3A_370, %dma_start3A_372, %dma_start3A_373] : memref<10x64x128xf32, #tpu.memory_space<vmem>> -> memref<1x64x128xf32, #tpu.memory_space<vmem>>
    %dma_start3A_375 = tpu.memref_squeeze %dma_start3A_374 : memref<1x64x128xf32, #tpu.memory_space<vmem>> -> memref<64x128xf32, #tpu.memory_space<vmem>>
    %dma_start3A_376 = arith.constant 0 : i32
    %dma_start3A_377 = tpu.memref_slice %arg4[%multiple_of3A_369, %dma_start3A_376] : memref<204800x128xf32, #tpu.memory_space<hbm>> -> memref<64x128xf32, #tpu.memory_space<hbm>>
    %dma_start3A_378 = tpu.memref_slice %arg8[%dma_start3A_371] : memref<10x!tpu.dma_semaphore, #tpu.memory_space<semaphore_mem>> -> memref<1x!tpu.dma_semaphore, #tpu.memory_space<semaphore_mem>>
    %dma_start3A_379 = tpu.memref_squeeze %dma_start3A_378 : memref<1x!tpu.dma_semaphore, #tpu.memory_space<semaphore_mem>> -> memref<!tpu.dma_semaphore, #tpu.memory_space<semaphore_mem>>
    %dma_start3A_380 = arith.constant 0 : i32
    %dma_start3A_381 = tpu.memref_slice %arg4[%multiple_of3A_369, %dma_start3A_380] : memref<204800x128xf32, #tpu.memory_space<hbm>> -> memref<64x128xf32, #tpu.memory_space<hbm>>
    %dma_start3A_382 = arith.constant 0 : i32
    %dma_start3A_383 = arith.constant 0 : i32
    %dma_start3A_384 = tpu.memref_slice %arg6[%dma_start3A_370, %dma_start3A_382, %dma_start3A_383] : memref<10x64x128xf32, #tpu.memory_space<vmem>> -> memref<1x64x128xf32, #tpu.memory_space<vmem>>
    %dma_start3A_385 = tpu.memref_squeeze %dma_start3A_384 : memref<1x64x128xf32, #tpu.memory_space<vmem>> -> memref<64x128xf32, #tpu.memory_space<vmem>>
    tpu.enqueue_dma source(%dma_start3A_385 : memref<64x128xf32, #tpu.memory_space<vmem>>) target(%dma_start3A_381 : memref<64x128xf32, #tpu.memory_space<hbm>>) target_semaphore(%dma_start3A_379 : memref<!tpu.dma_semaphore, #tpu.memory_space<semaphore_mem>>)
    %dma_wait3A_386 = arith.constant 8 : i32
    %dma_wait3A_387 = arith.constant 8 : i32
    %dma_wait3A_388 = arith.constant 0 : i32
    %dma_wait3A_389 = arith.constant 0 : i32
    %dma_wait3A_390 = tpu.memref_slice %arg6[%dma_wait3A_386, %dma_wait3A_388, %dma_wait3A_389] : memref<10x64x128xf32, #tpu.memory_space<vmem>> -> memref<1x64x128xf32, #tpu.memory_space<vmem>>
    %dma_wait3A_391 = tpu.memref_squeeze %dma_wait3A_390 : memref<1x64x128xf32, #tpu.memory_space<vmem>> -> memref<64x128xf32, #tpu.memory_space<vmem>>
    %dma_wait3A_392 = arith.constant 512 : i32
    %dma_wait3A_393 = tpu.memref_slice %arg5[%dma_wait3A_392] : memref<6400xi32, #tpu.memory_space<vmem>> -> memref<64xi32, #tpu.memory_space<vmem>>
    %dma_wait3A_394 = arith.constant 0 : i32
    %dma_wait3A_395 = arith.constant 0 : i32
    %dma_wait3A_396 = tpu.memref_slice %arg2[%dma_wait3A_394, %dma_wait3A_395] : memref<25600x128xf32, #tpu.memory_space<hbm>> -> memref<25600x128xf32, #tpu.memory_space<hbm>>
    %dma_wait3A_397 = tpu.memref_slice %arg7[%dma_wait3A_387] : memref<10x!tpu.dma_semaphore, #tpu.memory_space<semaphore_mem>> -> memref<1x!tpu.dma_semaphore, #tpu.memory_space<semaphore_mem>>
    %dma_wait3A_398 = tpu.memref_squeeze %dma_wait3A_397 : memref<1x!tpu.dma_semaphore, #tpu.memory_space<semaphore_mem>> -> memref<!tpu.dma_semaphore, #tpu.memory_space<semaphore_mem>>
    tpu.wait_indirect_dma semaphore(%dma_wait3A_398 : memref<!tpu.dma_semaphore, #tpu.memory_space<semaphore_mem>>) src(%dma_wait3A_396 : memref<25600x128xf32, #tpu.memory_space<hbm>>) dst(%dma_wait3A_391 : memref<64x128xf32, #tpu.memory_space<vmem>>)
    %add3A_399 = arith.constant 512 : i32
    %add3A_400 = arith.addi %mul3A_2, %add3A_399 : i32
    %multiple_of3A_401 = tpu.assume_multiple %add3A_400, 8 : i32
    %dma_start3A_402 = arith.constant 8 : i32
    %dma_start3A_403 = arith.constant 8 : i32
    %dma_start3A_404 = arith.constant 0 : i32
    %dma_start3A_405 = arith.constant 0 : i32
    %dma_start3A_406 = tpu.memref_slice %arg6[%dma_start3A_402, %dma_start3A_404, %dma_start3A_405] : memref<10x64x128xf32, #tpu.memory_space<vmem>> -> memref<1x64x128xf32, #tpu.memory_space<vmem>>
    %dma_start3A_407 = tpu.memref_squeeze %dma_start3A_406 : memref<1x64x128xf32, #tpu.memory_space<vmem>> -> memref<64x128xf32, #tpu.memory_space<vmem>>
    %dma_start3A_408 = arith.constant 0 : i32
    %dma_start3A_409 = tpu.memref_slice %arg4[%multiple_of3A_401, %dma_start3A_408] : memref<204800x128xf32, #tpu.memory_space<hbm>> -> memref<64x128xf32, #tpu.memory_space<hbm>>
    %dma_start3A_410 = tpu.memref_slice %arg8[%dma_start3A_403] : memref<10x!tpu.dma_semaphore, #tpu.memory_space<semaphore_mem>> -> memref<1x!tpu.dma_semaphore, #tpu.memory_space<semaphore_mem>>
    %dma_start3A_411 = tpu.memref_squeeze %dma_start3A_410 : memref<1x!tpu.dma_semaphore, #tpu.memory_space<semaphore_mem>> -> memref<!tpu.dma_semaphore, #tpu.memory_space<semaphore_mem>>
    %dma_start3A_412 = arith.constant 0 : i32
    %dma_start3A_413 = tpu.memref_slice %arg4[%multiple_of3A_401, %dma_start3A_412] : memref<204800x128xf32, #tpu.memory_space<hbm>> -> memref<64x128xf32, #tpu.memory_space<hbm>>
    %dma_start3A_414 = arith.constant 0 : i32
    %dma_start3A_415 = arith.constant 0 : i32
    %dma_start3A_416 = tpu.memref_slice %arg6[%dma_start3A_402, %dma_start3A_414, %dma_start3A_415] : memref<10x64x128xf32, #tpu.memory_space<vmem>> -> memref<1x64x128xf32, #tpu.memory_space<vmem>>
    %dma_start3A_417 = tpu.memref_squeeze %dma_start3A_416 : memref<1x64x128xf32, #tpu.memory_space<vmem>> -> memref<64x128xf32, #tpu.memory_space<vmem>>
    tpu.enqueue_dma source(%dma_start3A_417 : memref<64x128xf32, #tpu.memory_space<vmem>>) target(%dma_start3A_413 : memref<64x128xf32, #tpu.memory_space<hbm>>) target_semaphore(%dma_start3A_411 : memref<!tpu.dma_semaphore, #tpu.memory_space<semaphore_mem>>)
    %dma_wait3A_418 = arith.constant 9 : i32
    %dma_wait3A_419 = arith.constant 9 : i32
    %dma_wait3A_420 = arith.constant 0 : i32
    %dma_wait3A_421 = arith.constant 0 : i32
    %dma_wait3A_422 = tpu.memref_slice %arg6[%dma_wait3A_418, %dma_wait3A_420, %dma_wait3A_421] : memref<10x64x128xf32, #tpu.memory_space<vmem>> -> memref<1x64x128xf32, #tpu.memory_space<vmem>>
    %dma_wait3A_423 = tpu.memref_squeeze %dma_wait3A_422 : memref<1x64x128xf32, #tpu.memory_space<vmem>> -> memref<64x128xf32, #tpu.memory_space<vmem>>
    %dma_wait3A_424 = arith.constant 576 : i32
    %dma_wait3A_425 = tpu.memref_slice %arg5[%dma_wait3A_424] : memref<6400xi32, #tpu.memory_space<vmem>> -> memref<64xi32, #tpu.memory_space<vmem>>
    %dma_wait3A_426 = arith.constant 0 : i32
    %dma_wait3A_427 = arith.constant 0 : i32
    %dma_wait3A_428 = tpu.memref_slice %arg2[%dma_wait3A_426, %dma_wait3A_427] : memref<25600x128xf32, #tpu.memory_space<hbm>> -> memref<25600x128xf32, #tpu.memory_space<hbm>>
    %dma_wait3A_429 = tpu.memref_slice %arg7[%dma_wait3A_419] : memref<10x!tpu.dma_semaphore, #tpu.memory_space<semaphore_mem>> -> memref<1x!tpu.dma_semaphore, #tpu.memory_space<semaphore_mem>>
    %dma_wait3A_430 = tpu.memref_squeeze %dma_wait3A_429 : memref<1x!tpu.dma_semaphore, #tpu.memory_space<semaphore_mem>> -> memref<!tpu.dma_semaphore, #tpu.memory_space<semaphore_mem>>
    tpu.wait_indirect_dma semaphore(%dma_wait3A_430 : memref<!tpu.dma_semaphore, #tpu.memory_space<semaphore_mem>>) src(%dma_wait3A_428 : memref<25600x128xf32, #tpu.memory_space<hbm>>) dst(%dma_wait3A_423 : memref<64x128xf32, #tpu.memory_space<vmem>>)
    %add3A_431 = arith.constant 576 : i32
    %add3A_432 = arith.addi %mul3A_2, %add3A_431 : i32
    %multiple_of3A_433 = tpu.assume_multiple %add3A_432, 8 : i32
    %dma_start3A_434 = arith.constant 9 : i32
    %dma_start3A_435 = arith.constant 9 : i32
    %dma_start3A_436 = arith.constant 0 : i32
    %dma_start3A_437 = arith.constant 0 : i32
    %dma_start3A_438 = tpu.memref_slice %arg6[%dma_start3A_434, %dma_start3A_436, %dma_start3A_437] : memref<10x64x128xf32, #tpu.memory_space<vmem>> -> memref<1x64x128xf32, #tpu.memory_space<vmem>>
    %dma_start3A_439 = tpu.memref_squeeze %dma_start3A_438 : memref<1x64x128xf32, #tpu.memory_space<vmem>> -> memref<64x128xf32, #tpu.memory_space<vmem>>
    %dma_start3A_440 = arith.constant 0 : i32
    %dma_start3A_441 = tpu.memref_slice %arg4[%multiple_of3A_433, %dma_start3A_440] : memref<204800x128xf32, #tpu.memory_space<hbm>> -> memref<64x128xf32, #tpu.memory_space<hbm>>
    %dma_start3A_442 = tpu.memref_slice %arg8[%dma_start3A_435] : memref<10x!tpu.dma_semaphore, #tpu.memory_space<semaphore_mem>> -> memref<1x!tpu.dma_semaphore, #tpu.memory_space<semaphore_mem>>
    %dma_start3A_443 = tpu.memref_squeeze %dma_start3A_442 : memref<1x!tpu.dma_semaphore, #tpu.memory_space<semaphore_mem>> -> memref<!tpu.dma_semaphore, #tpu.memory_space<semaphore_mem>>
    %dma_start3A_444 = arith.constant 0 : i32
    %dma_start3A_445 = tpu.memref_slice %arg4[%multiple_of3A_433, %dma_start3A_444] : memref<204800x128xf32, #tpu.memory_space<hbm>> -> memref<64x128xf32, #tpu.memory_space<hbm>>
    %dma_start3A_446 = arith.constant 0 : i32
    %dma_start3A_447 = arith.constant 0 : i32
    %dma_start3A_448 = tpu.memref_slice %arg6[%dma_start3A_434, %dma_start3A_446, %dma_start3A_447] : memref<10x64x128xf32, #tpu.memory_space<vmem>> -> memref<1x64x128xf32, #tpu.memory_space<vmem>>
    %dma_start3A_449 = tpu.memref_squeeze %dma_start3A_448 : memref<1x64x128xf32, #tpu.memory_space<vmem>> -> memref<64x128xf32, #tpu.memory_space<vmem>>
    tpu.enqueue_dma source(%dma_start3A_449 : memref<64x128xf32, #tpu.memory_space<vmem>>) target(%dma_start3A_445 : memref<64x128xf32, #tpu.memory_space<hbm>>) target_semaphore(%dma_start3A_443 : memref<!tpu.dma_semaphore, #tpu.memory_space<semaphore_mem>>)
    %scan3A = arith.constant 0 : i32
    %scan3A_450 = arith.constant 9 : i32
    %scan3A_451 = arith.addi %scan3A, %scan3A_450 : i32
    %scan3A_452 = arith.constant 1 : i32
    scf.for %scan3A_644 = %scan3A to %scan3A_451 step %scan3A_452  : i32 {
      %mul3A_645 = arith.constant 1 : i32
      %mul3A_646 = arith.muli %scan3A_644, %mul3A_645 : i32
      %add3A_647 = arith.constant 1 : i32
      %add3A_648 = arith.addi %add3A_647, %mul3A_646 : i32
      %mul3A_649 = arith.constant 10 : i32
      %mul3A_650 = arith.muli %add3A_648, %mul3A_649 : i32
      %add3A_651 = arith.constant 0 : i32
      %add3A_652 = arith.addi %mul3A_650, %add3A_651 : i32
      %mul3A_653 = arith.constant 64 : i32
      %mul3A_654 = arith.muli %add3A_652, %mul3A_653 : i32
      %add3A_655 = arith.addi %mul3A_2, %mul3A_654 : i32
      %multiple_of3A_656 = tpu.assume_multiple %add3A_655, 8 : i32
      %dma_wait3A_657 = arith.constant 0 : i32
      %dma_wait3A_658 = arith.constant 0 : i32
      %dma_wait3A_659 = arith.constant 0 : i32
      %dma_wait3A_660 = arith.constant 0 : i32
      %dma_wait3A_661 = tpu.memref_slice %arg6[%dma_wait3A_657, %dma_wait3A_659, %dma_wait3A_660] : memref<10x64x128xf32, #tpu.memory_space<vmem>> -> memref<1x64x128xf32, #tpu.memory_space<vmem>>
      %dma_wait3A_662 = tpu.memref_squeeze %dma_wait3A_661 : memref<1x64x128xf32, #tpu.memory_space<vmem>> -> memref<64x128xf32, #tpu.memory_space<vmem>>
      %dma_wait3A_663 = arith.constant 0 : i32
      %dma_wait3A_664 = tpu.memref_slice %arg4[%multiple_of3A_656, %dma_wait3A_663] : memref<204800x128xf32, #tpu.memory_space<hbm>> -> memref<64x128xf32, #tpu.memory_space<hbm>>
      %dma_wait3A_665 = tpu.memref_slice %arg8[%dma_wait3A_658] : memref<10x!tpu.dma_semaphore, #tpu.memory_space<semaphore_mem>> -> memref<1x!tpu.dma_semaphore, #tpu.memory_space<semaphore_mem>>
      %dma_wait3A_666 = tpu.memref_squeeze %dma_wait3A_665 : memref<1x!tpu.dma_semaphore, #tpu.memory_space<semaphore_mem>> -> memref<!tpu.dma_semaphore, #tpu.memory_space<semaphore_mem>>
      %dma_wait3A_667 = arith.constant 0 : i32
      %dma_wait3A_668 = tpu.memref_slice %arg4[%multiple_of3A_656, %dma_wait3A_667] : memref<204800x128xf32, #tpu.memory_space<hbm>> -> memref<64x128xf32, #tpu.memory_space<hbm>>
      %dma_wait3A_669 = arith.constant 0 : i32
      %dma_wait3A_670 = arith.constant 0 : i32
      %dma_wait3A_671 = tpu.memref_slice %arg6[%dma_wait3A_657, %dma_wait3A_669, %dma_wait3A_670] : memref<10x64x128xf32, #tpu.memory_space<vmem>> -> memref<1x64x128xf32, #tpu.memory_space<vmem>>
      %dma_wait3A_672 = tpu.memref_squeeze %dma_wait3A_671 : memref<1x64x128xf32, #tpu.memory_space<vmem>> -> memref<64x128xf32, #tpu.memory_space<vmem>>
      tpu.wait_dma2 semaphore(%dma_wait3A_666 : memref<!tpu.dma_semaphore, #tpu.memory_space<semaphore_mem>>) src(%dma_wait3A_672 : memref<64x128xf32, #tpu.memory_space<vmem>>) dst(%dma_wait3A_668 : memref<64x128xf32, #tpu.memory_space<hbm>>)
      %add3A_673 = arith.constant 0 : i32
      %add3A_674 = arith.addi %mul3A_650, %add3A_673 : i32
      %mul3A_675 = arith.constant 64 : i32
      %mul3A_676 = arith.muli %add3A_674, %mul3A_675 : i32
      %dma_start3A_677 = arith.constant 0 : i32
      %dma_start3A_678 = arith.constant 0 : i32
      %dma_start3A_679 = arith.constant 0 : i32
      %dma_start3A_680 = arith.constant 0 : i32
      %dma_start3A_681 = tpu.memref_slice %arg6[%dma_start3A_677, %dma_start3A_679, %dma_start3A_680] : memref<10x64x128xf32, #tpu.memory_space<vmem>> -> memref<1x64x128xf32, #tpu.memory_space<vmem>>
      %dma_start3A_682 = tpu.memref_squeeze %dma_start3A_681 : memref<1x64x128xf32, #tpu.memory_space<vmem>> -> memref<64x128xf32, #tpu.memory_space<vmem>>
      %dma_start3A_683 = tpu.memref_slice %arg5[%mul3A_676] : memref<6400xi32, #tpu.memory_space<vmem>> -> memref<64xi32, #tpu.memory_space<vmem>>
      %dma_start3A_684 = arith.constant 0 : i32
      %dma_start3A_685 = arith.constant 0 : i32
      %dma_start3A_686 = tpu.memref_slice %arg2[%dma_start3A_684, %dma_start3A_685] : memref<25600x128xf32, #tpu.memory_space<hbm>> -> memref<25600x128xf32, #tpu.memory_space<hbm>>
      %dma_start3A_687 = tpu.memref_slice %arg7[%dma_start3A_678] : memref<10x!tpu.dma_semaphore, #tpu.memory_space<semaphore_mem>> -> memref<1x!tpu.dma_semaphore, #tpu.memory_space<semaphore_mem>>
      %dma_start3A_688 = tpu.memref_squeeze %dma_start3A_687 : memref<1x!tpu.dma_semaphore, #tpu.memory_space<semaphore_mem>> -> memref<!tpu.dma_semaphore, #tpu.memory_space<semaphore_mem>>
      tpu.enqueue_indirect_dma source(%dma_start3A_686 : memref<25600x128xf32, #tpu.memory_space<hbm>>) target(%dma_start3A_682 : memref<64x128xf32, #tpu.memory_space<vmem>>) offsets(%dma_start3A_683 : memref<64xi32, #tpu.memory_space<vmem>>) semaphore(%dma_start3A_688 : memref<!tpu.dma_semaphore, #tpu.memory_space<semaphore_mem>>)
      %add3A_689 = arith.constant 1 : i32
      %add3A_690 = arith.addi %mul3A_650, %add3A_689 : i32
      %mul3A_691 = arith.constant 64 : i32
      %mul3A_692 = arith.muli %add3A_690, %mul3A_691 : i32
      %add3A_693 = arith.addi %mul3A_2, %mul3A_692 : i32
      %multiple_of3A_694 = tpu.assume_multiple %add3A_693, 8 : i32
      %dma_wait3A_695 = arith.constant 1 : i32
      %dma_wait3A_696 = arith.constant 1 : i32
      %dma_wait3A_697 = arith.constant 0 : i32
      %dma_wait3A_698 = arith.constant 0 : i32
      %dma_wait3A_699 = tpu.memref_slice %arg6[%dma_wait3A_695, %dma_wait3A_697, %dma_wait3A_698] : memref<10x64x128xf32, #tpu.memory_space<vmem>> -> memref<1x64x128xf32, #tpu.memory_space<vmem>>
      %dma_wait3A_700 = tpu.memref_squeeze %dma_wait3A_699 : memref<1x64x128xf32, #tpu.memory_space<vmem>> -> memref<64x128xf32, #tpu.memory_space<vmem>>
      %dma_wait3A_701 = arith.constant 0 : i32
      %dma_wait3A_702 = tpu.memref_slice %arg4[%multiple_of3A_694, %dma_wait3A_701] : memref<204800x128xf32, #tpu.memory_space<hbm>> -> memref<64x128xf32, #tpu.memory_space<hbm>>
      %dma_wait3A_703 = tpu.memref_slice %arg8[%dma_wait3A_696] : memref<10x!tpu.dma_semaphore, #tpu.memory_space<semaphore_mem>> -> memref<1x!tpu.dma_semaphore, #tpu.memory_space<semaphore_mem>>
      %dma_wait3A_704 = tpu.memref_squeeze %dma_wait3A_703 : memref<1x!tpu.dma_semaphore, #tpu.memory_space<semaphore_mem>> -> memref<!tpu.dma_semaphore, #tpu.memory_space<semaphore_mem>>
      %dma_wait3A_705 = arith.constant 0 : i32
      %dma_wait3A_706 = tpu.memref_slice %arg4[%multiple_of3A_694, %dma_wait3A_705] : memref<204800x128xf32, #tpu.memory_space<hbm>> -> memref<64x128xf32, #tpu.memory_space<hbm>>
      %dma_wait3A_707 = arith.constant 0 : i32
      %dma_wait3A_708 = arith.constant 0 : i32
      %dma_wait3A_709 = tpu.memref_slice %arg6[%dma_wait3A_695, %dma_wait3A_707, %dma_wait3A_708] : memref<10x64x128xf32, #tpu.memory_space<vmem>> -> memref<1x64x128xf32, #tpu.memory_space<vmem>>
      %dma_wait3A_710 = tpu.memref_squeeze %dma_wait3A_709 : memref<1x64x128xf32, #tpu.memory_space<vmem>> -> memref<64x128xf32, #tpu.memory_space<vmem>>
      tpu.wait_dma2 semaphore(%dma_wait3A_704 : memref<!tpu.dma_semaphore, #tpu.memory_space<semaphore_mem>>) src(%dma_wait3A_710 : memref<64x128xf32, #tpu.memory_space<vmem>>) dst(%dma_wait3A_706 : memref<64x128xf32, #tpu.memory_space<hbm>>)
      %add3A_711 = arith.constant 1 : i32
      %add3A_712 = arith.addi %mul3A_650, %add3A_711 : i32
      %mul3A_713 = arith.constant 64 : i32
      %mul3A_714 = arith.muli %add3A_712, %mul3A_713 : i32
      %dma_start3A_715 = arith.constant 1 : i32
      %dma_start3A_716 = arith.constant 1 : i32
      %dma_start3A_717 = arith.constant 0 : i32
      %dma_start3A_718 = arith.constant 0 : i32
      %dma_start3A_719 = tpu.memref_slice %arg6[%dma_start3A_715, %dma_start3A_717, %dma_start3A_718] : memref<10x64x128xf32, #tpu.memory_space<vmem>> -> memref<1x64x128xf32, #tpu.memory_space<vmem>>
      %dma_start3A_720 = tpu.memref_squeeze %dma_start3A_719 : memref<1x64x128xf32, #tpu.memory_space<vmem>> -> memref<64x128xf32, #tpu.memory_space<vmem>>
      %dma_start3A_721 = tpu.memref_slice %arg5[%mul3A_714] : memref<6400xi32, #tpu.memory_space<vmem>> -> memref<64xi32, #tpu.memory_space<vmem>>
      %dma_start3A_722 = arith.constant 0 : i32
      %dma_start3A_723 = arith.constant 0 : i32
      %dma_start3A_724 = tpu.memref_slice %arg2[%dma_start3A_722, %dma_start3A_723] : memref<25600x128xf32, #tpu.memory_space<hbm>> -> memref<25600x128xf32, #tpu.memory_space<hbm>>
      %dma_start3A_725 = tpu.memref_slice %arg7[%dma_start3A_716] : memref<10x!tpu.dma_semaphore, #tpu.memory_space<semaphore_mem>> -> memref<1x!tpu.dma_semaphore, #tpu.memory_space<semaphore_mem>>
      %dma_start3A_726 = tpu.memref_squeeze %dma_start3A_725 : memref<1x!tpu.dma_semaphore, #tpu.memory_space<semaphore_mem>> -> memref<!tpu.dma_semaphore, #tpu.memory_space<semaphore_mem>>
      tpu.enqueue_indirect_dma source(%dma_start3A_724 : memref<25600x128xf32, #tpu.memory_space<hbm>>) target(%dma_start3A_720 : memref<64x128xf32, #tpu.memory_space<vmem>>) offsets(%dma_start3A_721 : memref<64xi32, #tpu.memory_space<vmem>>) semaphore(%dma_start3A_726 : memref<!tpu.dma_semaphore, #tpu.memory_space<semaphore_mem>>)
      %add3A_727 = arith.constant 2 : i32
      %add3A_728 = arith.addi %mul3A_650, %add3A_727 : i32
      %mul3A_729 = arith.constant 64 : i32
      %mul3A_730 = arith.muli %add3A_728, %mul3A_729 : i32
      %add3A_731 = arith.addi %mul3A_2, %mul3A_730 : i32
      %multiple_of3A_732 = tpu.assume_multiple %add3A_731, 8 : i32
      %dma_wait3A_733 = arith.constant 2 : i32
      %dma_wait3A_734 = arith.constant 2 : i32
      %dma_wait3A_735 = arith.constant 0 : i32
      %dma_wait3A_736 = arith.constant 0 : i32
      %dma_wait3A_737 = tpu.memref_slice %arg6[%dma_wait3A_733, %dma_wait3A_735, %dma_wait3A_736] : memref<10x64x128xf32, #tpu.memory_space<vmem>> -> memref<1x64x128xf32, #tpu.memory_space<vmem>>
      %dma_wait3A_738 = tpu.memref_squeeze %dma_wait3A_737 : memref<1x64x128xf32, #tpu.memory_space<vmem>> -> memref<64x128xf32, #tpu.memory_space<vmem>>
      %dma_wait3A_739 = arith.constant 0 : i32
      %dma_wait3A_740 = tpu.memref_slice %arg4[%multiple_of3A_732, %dma_wait3A_739] : memref<204800x128xf32, #tpu.memory_space<hbm>> -> memref<64x128xf32, #tpu.memory_space<hbm>>
      %dma_wait3A_741 = tpu.memref_slice %arg8[%dma_wait3A_734] : memref<10x!tpu.dma_semaphore, #tpu.memory_space<semaphore_mem>> -> memref<1x!tpu.dma_semaphore, #tpu.memory_space<semaphore_mem>>
      %dma_wait3A_742 = tpu.memref_squeeze %dma_wait3A_741 : memref<1x!tpu.dma_semaphore, #tpu.memory_space<semaphore_mem>> -> memref<!tpu.dma_semaphore, #tpu.memory_space<semaphore_mem>>
      %dma_wait3A_743 = arith.constant 0 : i32
      %dma_wait3A_744 = tpu.memref_slice %arg4[%multiple_of3A_732, %dma_wait3A_743] : memref<204800x128xf32, #tpu.memory_space<hbm>> -> memref<64x128xf32, #tpu.memory_space<hbm>>
      %dma_wait3A_745 = arith.constant 0 : i32
      %dma_wait3A_746 = arith.constant 0 : i32
      %dma_wait3A_747 = tpu.memref_slice %arg6[%dma_wait3A_733, %dma_wait3A_745, %dma_wait3A_746] : memref<10x64x128xf32, #tpu.memory_space<vmem>> -> memref<1x64x128xf32, #tpu.memory_space<vmem>>
      %dma_wait3A_748 = tpu.memref_squeeze %dma_wait3A_747 : memref<1x64x128xf32, #tpu.memory_space<vmem>> -> memref<64x128xf32, #tpu.memory_space<vmem>>
      tpu.wait_dma2 semaphore(%dma_wait3A_742 : memref<!tpu.dma_semaphore, #tpu.memory_space<semaphore_mem>>) src(%dma_wait3A_748 : memref<64x128xf32, #tpu.memory_space<vmem>>) dst(%dma_wait3A_744 : memref<64x128xf32, #tpu.memory_space<hbm>>)
      %add3A_749 = arith.constant 2 : i32
      %add3A_750 = arith.addi %mul3A_650, %add3A_749 : i32
      %mul3A_751 = arith.constant 64 : i32
      %mul3A_752 = arith.muli %add3A_750, %mul3A_751 : i32
      %dma_start3A_753 = arith.constant 2 : i32
      %dma_start3A_754 = arith.constant 2 : i32
      %dma_start3A_755 = arith.constant 0 : i32
      %dma_start3A_756 = arith.constant 0 : i32
      %dma_start3A_757 = tpu.memref_slice %arg6[%dma_start3A_753, %dma_start3A_755, %dma_start3A_756] : memref<10x64x128xf32, #tpu.memory_space<vmem>> -> memref<1x64x128xf32, #tpu.memory_space<vmem>>
      %dma_start3A_758 = tpu.memref_squeeze %dma_start3A_757 : memref<1x64x128xf32, #tpu.memory_space<vmem>> -> memref<64x128xf32, #tpu.memory_space<vmem>>
      %dma_start3A_759 = tpu.memref_slice %arg5[%mul3A_752] : memref<6400xi32, #tpu.memory_space<vmem>> -> memref<64xi32, #tpu.memory_space<vmem>>
      %dma_start3A_760 = arith.constant 0 : i32
      %dma_start3A_761 = arith.constant 0 : i32
      %dma_start3A_762 = tpu.memref_slice %arg2[%dma_start3A_760, %dma_start3A_761] : memref<25600x128xf32, #tpu.memory_space<hbm>> -> memref<25600x128xf32, #tpu.memory_space<hbm>>
      %dma_start3A_763 = tpu.memref_slice %arg7[%dma_start3A_754] : memref<10x!tpu.dma_semaphore, #tpu.memory_space<semaphore_mem>> -> memref<1x!tpu.dma_semaphore, #tpu.memory_space<semaphore_mem>>
      %dma_start3A_764 = tpu.memref_squeeze %dma_start3A_763 : memref<1x!tpu.dma_semaphore, #tpu.memory_space<semaphore_mem>> -> memref<!tpu.dma_semaphore, #tpu.memory_space<semaphore_mem>>
      tpu.enqueue_indirect_dma source(%dma_start3A_762 : memref<25600x128xf32, #tpu.memory_space<hbm>>) target(%dma_start3A_758 : memref<64x128xf32, #tpu.memory_space<vmem>>) offsets(%dma_start3A_759 : memref<64xi32, #tpu.memory_space<vmem>>) semaphore(%dma_start3A_764 : memref<!tpu.dma_semaphore, #tpu.memory_space<semaphore_mem>>)
      %add3A_765 = arith.constant 3 : i32
      %add3A_766 = arith.addi %mul3A_650, %add3A_765 : i32
      %mul3A_767 = arith.constant 64 : i32
      %mul3A_768 = arith.muli %add3A_766, %mul3A_767 : i32
      %add3A_769 = arith.addi %mul3A_2, %mul3A_768 : i32
      %multiple_of3A_770 = tpu.assume_multiple %add3A_769, 8 : i32
      %dma_wait3A_771 = arith.constant 3 : i32
      %dma_wait3A_772 = arith.constant 3 : i32
      %dma_wait3A_773 = arith.constant 0 : i32
      %dma_wait3A_774 = arith.constant 0 : i32
      %dma_wait3A_775 = tpu.memref_slice %arg6[%dma_wait3A_771, %dma_wait3A_773, %dma_wait3A_774] : memref<10x64x128xf32, #tpu.memory_space<vmem>> -> memref<1x64x128xf32, #tpu.memory_space<vmem>>
      %dma_wait3A_776 = tpu.memref_squeeze %dma_wait3A_775 : memref<1x64x128xf32, #tpu.memory_space<vmem>> -> memref<64x128xf32, #tpu.memory_space<vmem>>
      %dma_wait3A_777 = arith.constant 0 : i32
      %dma_wait3A_778 = tpu.memref_slice %arg4[%multiple_of3A_770, %dma_wait3A_777] : memref<204800x128xf32, #tpu.memory_space<hbm>> -> memref<64x128xf32, #tpu.memory_space<hbm>>
      %dma_wait3A_779 = tpu.memref_slice %arg8[%dma_wait3A_772] : memref<10x!tpu.dma_semaphore, #tpu.memory_space<semaphore_mem>> -> memref<1x!tpu.dma_semaphore, #tpu.memory_space<semaphore_mem>>
      %dma_wait3A_780 = tpu.memref_squeeze %dma_wait3A_779 : memref<1x!tpu.dma_semaphore, #tpu.memory_space<semaphore_mem>> -> memref<!tpu.dma_semaphore, #tpu.memory_space<semaphore_mem>>
      %dma_wait3A_781 = arith.constant 0 : i32
      %dma_wait3A_782 = tpu.memref_slice %arg4[%multiple_of3A_770, %dma_wait3A_781] : memref<204800x128xf32, #tpu.memory_space<hbm>> -> memref<64x128xf32, #tpu.memory_space<hbm>>
      %dma_wait3A_783 = arith.constant 0 : i32
      %dma_wait3A_784 = arith.constant 0 : i32
      %dma_wait3A_785 = tpu.memref_slice %arg6[%dma_wait3A_771, %dma_wait3A_783, %dma_wait3A_784] : memref<10x64x128xf32, #tpu.memory_space<vmem>> -> memref<1x64x128xf32, #tpu.memory_space<vmem>>
      %dma_wait3A_786 = tpu.memref_squeeze %dma_wait3A_785 : memref<1x64x128xf32, #tpu.memory_space<vmem>> -> memref<64x128xf32, #tpu.memory_space<vmem>>
      tpu.wait_dma2 semaphore(%dma_wait3A_780 : memref<!tpu.dma_semaphore, #tpu.memory_space<semaphore_mem>>) src(%dma_wait3A_786 : memref<64x128xf32, #tpu.memory_space<vmem>>) dst(%dma_wait3A_782 : memref<64x128xf32, #tpu.memory_space<hbm>>)
      %add3A_787 = arith.constant 3 : i32
      %add3A_788 = arith.addi %mul3A_650, %add3A_787 : i32
      %mul3A_789 = arith.constant 64 : i32
      %mul3A_790 = arith.muli %add3A_788, %mul3A_789 : i32
      %dma_start3A_791 = arith.constant 3 : i32
      %dma_start3A_792 = arith.constant 3 : i32
      %dma_start3A_793 = arith.constant 0 : i32
      %dma_start3A_794 = arith.constant 0 : i32
      %dma_start3A_795 = tpu.memref_slice %arg6[%dma_start3A_791, %dma_start3A_793, %dma_start3A_794] : memref<10x64x128xf32, #tpu.memory_space<vmem>> -> memref<1x64x128xf32, #tpu.memory_space<vmem>>
      %dma_start3A_796 = tpu.memref_squeeze %dma_start3A_795 : memref<1x64x128xf32, #tpu.memory_space<vmem>> -> memref<64x128xf32, #tpu.memory_space<vmem>>
      %dma_start3A_797 = tpu.memref_slice %arg5[%mul3A_790] : memref<6400xi32, #tpu.memory_space<vmem>> -> memref<64xi32, #tpu.memory_space<vmem>>
      %dma_start3A_798 = arith.constant 0 : i32
      %dma_start3A_799 = arith.constant 0 : i32
      %dma_start3A_800 = tpu.memref_slice %arg2[%dma_start3A_798, %dma_start3A_799] : memref<25600x128xf32, #tpu.memory_space<hbm>> -> memref<25600x128xf32, #tpu.memory_space<hbm>>
      %dma_start3A_801 = tpu.memref_slice %arg7[%dma_start3A_792] : memref<10x!tpu.dma_semaphore, #tpu.memory_space<semaphore_mem>> -> memref<1x!tpu.dma_semaphore, #tpu.memory_space<semaphore_mem>>
      %dma_start3A_802 = tpu.memref_squeeze %dma_start3A_801 : memref<1x!tpu.dma_semaphore, #tpu.memory_space<semaphore_mem>> -> memref<!tpu.dma_semaphore, #tpu.memory_space<semaphore_mem>>
      tpu.enqueue_indirect_dma source(%dma_start3A_800 : memref<25600x128xf32, #tpu.memory_space<hbm>>) target(%dma_start3A_796 : memref<64x128xf32, #tpu.memory_space<vmem>>) offsets(%dma_start3A_797 : memref<64xi32, #tpu.memory_space<vmem>>) semaphore(%dma_start3A_802 : memref<!tpu.dma_semaphore, #tpu.memory_space<semaphore_mem>>)
      %add3A_803 = arith.constant 4 : i32
      %add3A_804 = arith.addi %mul3A_650, %add3A_803 : i32
      %mul3A_805 = arith.constant 64 : i32
      %mul3A_806 = arith.muli %add3A_804, %mul3A_805 : i32
      %add3A_807 = arith.addi %mul3A_2, %mul3A_806 : i32
      %multiple_of3A_808 = tpu.assume_multiple %add3A_807, 8 : i32
      %dma_wait3A_809 = arith.constant 4 : i32
      %dma_wait3A_810 = arith.constant 4 : i32
      %dma_wait3A_811 = arith.constant 0 : i32
      %dma_wait3A_812 = arith.constant 0 : i32
      %dma_wait3A_813 = tpu.memref_slice %arg6[%dma_wait3A_809, %dma_wait3A_811, %dma_wait3A_812] : memref<10x64x128xf32, #tpu.memory_space<vmem>> -> memref<1x64x128xf32, #tpu.memory_space<vmem>>
      %dma_wait3A_814 = tpu.memref_squeeze %dma_wait3A_813 : memref<1x64x128xf32, #tpu.memory_space<vmem>> -> memref<64x128xf32, #tpu.memory_space<vmem>>
      %dma_wait3A_815 = arith.constant 0 : i32
      %dma_wait3A_816 = tpu.memref_slice %arg4[%multiple_of3A_808, %dma_wait3A_815] : memref<204800x128xf32, #tpu.memory_space<hbm>> -> memref<64x128xf32, #tpu.memory_space<hbm>>
      %dma_wait3A_817 = tpu.memref_slice %arg8[%dma_wait3A_810] : memref<10x!tpu.dma_semaphore, #tpu.memory_space<semaphore_mem>> -> memref<1x!tpu.dma_semaphore, #tpu.memory_space<semaphore_mem>>
      %dma_wait3A_818 = tpu.memref_squeeze %dma_wait3A_817 : memref<1x!tpu.dma_semaphore, #tpu.memory_space<semaphore_mem>> -> memref<!tpu.dma_semaphore, #tpu.memory_space<semaphore_mem>>
      %dma_wait3A_819 = arith.constant 0 : i32
      %dma_wait3A_820 = tpu.memref_slice %arg4[%multiple_of3A_808, %dma_wait3A_819] : memref<204800x128xf32, #tpu.memory_space<hbm>> -> memref<64x128xf32, #tpu.memory_space<hbm>>
      %dma_wait3A_821 = arith.constant 0 : i32
      %dma_wait3A_822 = arith.constant 0 : i32
      %dma_wait3A_823 = tpu.memref_slice %arg6[%dma_wait3A_809, %dma_wait3A_821, %dma_wait3A_822] : memref<10x64x128xf32, #tpu.memory_space<vmem>> -> memref<1x64x128xf32, #tpu.memory_space<vmem>>
      %dma_wait3A_824 = tpu.memref_squeeze %dma_wait3A_823 : memref<1x64x128xf32, #tpu.memory_space<vmem>> -> memref<64x128xf32, #tpu.memory_space<vmem>>
      tpu.wait_dma2 semaphore(%dma_wait3A_818 : memref<!tpu.dma_semaphore, #tpu.memory_space<semaphore_mem>>) src(%dma_wait3A_824 : memref<64x128xf32, #tpu.memory_space<vmem>>) dst(%dma_wait3A_820 : memref<64x128xf32, #tpu.memory_space<hbm>>)
      %add3A_825 = arith.constant 4 : i32
      %add3A_826 = arith.addi %mul3A_650, %add3A_825 : i32
      %mul3A_827 = arith.constant 64 : i32
      %mul3A_828 = arith.muli %add3A_826, %mul3A_827 : i32
      %dma_start3A_829 = arith.constant 4 : i32
      %dma_start3A_830 = arith.constant 4 : i32
      %dma_start3A_831 = arith.constant 0 : i32
      %dma_start3A_832 = arith.constant 0 : i32
      %dma_start3A_833 = tpu.memref_slice %arg6[%dma_start3A_829, %dma_start3A_831, %dma_start3A_832] : memref<10x64x128xf32, #tpu.memory_space<vmem>> -> memref<1x64x128xf32, #tpu.memory_space<vmem>>
      %dma_start3A_834 = tpu.memref_squeeze %dma_start3A_833 : memref<1x64x128xf32, #tpu.memory_space<vmem>> -> memref<64x128xf32, #tpu.memory_space<vmem>>
      %dma_start3A_835 = tpu.memref_slice %arg5[%mul3A_828] : memref<6400xi32, #tpu.memory_space<vmem>> -> memref<64xi32, #tpu.memory_space<vmem>>
      %dma_start3A_836 = arith.constant 0 : i32
      %dma_start3A_837 = arith.constant 0 : i32
      %dma_start3A_838 = tpu.memref_slice %arg2[%dma_start3A_836, %dma_start3A_837] : memref<25600x128xf32, #tpu.memory_space<hbm>> -> memref<25600x128xf32, #tpu.memory_space<hbm>>
      %dma_start3A_839 = tpu.memref_slice %arg7[%dma_start3A_830] : memref<10x!tpu.dma_semaphore, #tpu.memory_space<semaphore_mem>> -> memref<1x!tpu.dma_semaphore, #tpu.memory_space<semaphore_mem>>
      %dma_start3A_840 = tpu.memref_squeeze %dma_start3A_839 : memref<1x!tpu.dma_semaphore, #tpu.memory_space<semaphore_mem>> -> memref<!tpu.dma_semaphore, #tpu.memory_space<semaphore_mem>>
      tpu.enqueue_indirect_dma source(%dma_start3A_838 : memref<25600x128xf32, #tpu.memory_space<hbm>>) target(%dma_start3A_834 : memref<64x128xf32, #tpu.memory_space<vmem>>) offsets(%dma_start3A_835 : memref<64xi32, #tpu.memory_space<vmem>>) semaphore(%dma_start3A_840 : memref<!tpu.dma_semaphore, #tpu.memory_space<semaphore_mem>>)
      %add3A_841 = arith.constant 5 : i32
      %add3A_842 = arith.addi %mul3A_650, %add3A_841 : i32
      %mul3A_843 = arith.constant 64 : i32
      %mul3A_844 = arith.muli %add3A_842, %mul3A_843 : i32
      %add3A_845 = arith.addi %mul3A_2, %mul3A_844 : i32
      %multiple_of3A_846 = tpu.assume_multiple %add3A_845, 8 : i32
      %dma_wait3A_847 = arith.constant 5 : i32
      %dma_wait3A_848 = arith.constant 5 : i32
      %dma_wait3A_849 = arith.constant 0 : i32
      %dma_wait3A_850 = arith.constant 0 : i32
      %dma_wait3A_851 = tpu.memref_slice %arg6[%dma_wait3A_847, %dma_wait3A_849, %dma_wait3A_850] : memref<10x64x128xf32, #tpu.memory_space<vmem>> -> memref<1x64x128xf32, #tpu.memory_space<vmem>>
      %dma_wait3A_852 = tpu.memref_squeeze %dma_wait3A_851 : memref<1x64x128xf32, #tpu.memory_space<vmem>> -> memref<64x128xf32, #tpu.memory_space<vmem>>
      %dma_wait3A_853 = arith.constant 0 : i32
      %dma_wait3A_854 = tpu.memref_slice %arg4[%multiple_of3A_846, %dma_wait3A_853] : memref<204800x128xf32, #tpu.memory_space<hbm>> -> memref<64x128xf32, #tpu.memory_space<hbm>>
      %dma_wait3A_855 = tpu.memref_slice %arg8[%dma_wait3A_848] : memref<10x!tpu.dma_semaphore, #tpu.memory_space<semaphore_mem>> -> memref<1x!tpu.dma_semaphore, #tpu.memory_space<semaphore_mem>>
      %dma_wait3A_856 = tpu.memref_squeeze %dma_wait3A_855 : memref<1x!tpu.dma_semaphore, #tpu.memory_space<semaphore_mem>> -> memref<!tpu.dma_semaphore, #tpu.memory_space<semaphore_mem>>
      %dma_wait3A_857 = arith.constant 0 : i32
      %dma_wait3A_858 = tpu.memref_slice %arg4[%multiple_of3A_846, %dma_wait3A_857] : memref<204800x128xf32, #tpu.memory_space<hbm>> -> memref<64x128xf32, #tpu.memory_space<hbm>>
      %dma_wait3A_859 = arith.constant 0 : i32
      %dma_wait3A_860 = arith.constant 0 : i32
      %dma_wait3A_861 = tpu.memref_slice %arg6[%dma_wait3A_847, %dma_wait3A_859, %dma_wait3A_860] : memref<10x64x128xf32, #tpu.memory_space<vmem>> -> memref<1x64x128xf32, #tpu.memory_space<vmem>>
      %dma_wait3A_862 = tpu.memref_squeeze %dma_wait3A_861 : memref<1x64x128xf32, #tpu.memory_space<vmem>> -> memref<64x128xf32, #tpu.memory_space<vmem>>
      tpu.wait_dma2 semaphore(%dma_wait3A_856 : memref<!tpu.dma_semaphore, #tpu.memory_space<semaphore_mem>>) src(%dma_wait3A_862 : memref<64x128xf32, #tpu.memory_space<vmem>>) dst(%dma_wait3A_858 : memref<64x128xf32, #tpu.memory_space<hbm>>)
      %add3A_863 = arith.constant 5 : i32
      %add3A_864 = arith.addi %mul3A_650, %add3A_863 : i32
      %mul3A_865 = arith.constant 64 : i32
      %mul3A_866 = arith.muli %add3A_864, %mul3A_865 : i32
      %dma_start3A_867 = arith.constant 5 : i32
      %dma_start3A_868 = arith.constant 5 : i32
      %dma_start3A_869 = arith.constant 0 : i32
      %dma_start3A_870 = arith.constant 0 : i32
      %dma_start3A_871 = tpu.memref_slice %arg6[%dma_start3A_867, %dma_start3A_869, %dma_start3A_870] : memref<10x64x128xf32, #tpu.memory_space<vmem>> -> memref<1x64x128xf32, #tpu.memory_space<vmem>>
      %dma_start3A_872 = tpu.memref_squeeze %dma_start3A_871 : memref<1x64x128xf32, #tpu.memory_space<vmem>> -> memref<64x128xf32, #tpu.memory_space<vmem>>
      %dma_start3A_873 = tpu.memref_slice %arg5[%mul3A_866] : memref<6400xi32, #tpu.memory_space<vmem>> -> memref<64xi32, #tpu.memory_space<vmem>>
      %dma_start3A_874 = arith.constant 0 : i32
      %dma_start3A_875 = arith.constant 0 : i32
      %dma_start3A_876 = tpu.memref_slice %arg2[%dma_start3A_874, %dma_start3A_875] : memref<25600x128xf32, #tpu.memory_space<hbm>> -> memref<25600x128xf32, #tpu.memory_space<hbm>>
      %dma_start3A_877 = tpu.memref_slice %arg7[%dma_start3A_868] : memref<10x!tpu.dma_semaphore, #tpu.memory_space<semaphore_mem>> -> memref<1x!tpu.dma_semaphore, #tpu.memory_space<semaphore_mem>>
      %dma_start3A_878 = tpu.memref_squeeze %dma_start3A_877 : memref<1x!tpu.dma_semaphore, #tpu.memory_space<semaphore_mem>> -> memref<!tpu.dma_semaphore, #tpu.memory_space<semaphore_mem>>
      tpu.enqueue_indirect_dma source(%dma_start3A_876 : memref<25600x128xf32, #tpu.memory_space<hbm>>) target(%dma_start3A_872 : memref<64x128xf32, #tpu.memory_space<vmem>>) offsets(%dma_start3A_873 : memref<64xi32, #tpu.memory_space<vmem>>) semaphore(%dma_start3A_878 : memref<!tpu.dma_semaphore, #tpu.memory_space<semaphore_mem>>)
      %add3A_879 = arith.constant 6 : i32
      %add3A_880 = arith.addi %mul3A_650, %add3A_879 : i32
      %mul3A_881 = arith.constant 64 : i32
      %mul3A_882 = arith.muli %add3A_880, %mul3A_881 : i32
      %add3A_883 = arith.addi %mul3A_2, %mul3A_882 : i32
      %multiple_of3A_884 = tpu.assume_multiple %add3A_883, 8 : i32
      %dma_wait3A_885 = arith.constant 6 : i32
      %dma_wait3A_886 = arith.constant 6 : i32
      %dma_wait3A_887 = arith.constant 0 : i32
      %dma_wait3A_888 = arith.constant 0 : i32
      %dma_wait3A_889 = tpu.memref_slice %arg6[%dma_wait3A_885, %dma_wait3A_887, %dma_wait3A_888] : memref<10x64x128xf32, #tpu.memory_space<vmem>> -> memref<1x64x128xf32, #tpu.memory_space<vmem>>
      %dma_wait3A_890 = tpu.memref_squeeze %dma_wait3A_889 : memref<1x64x128xf32, #tpu.memory_space<vmem>> -> memref<64x128xf32, #tpu.memory_space<vmem>>
      %dma_wait3A_891 = arith.constant 0 : i32
      %dma_wait3A_892 = tpu.memref_slice %arg4[%multiple_of3A_884, %dma_wait3A_891] : memref<204800x128xf32, #tpu.memory_space<hbm>> -> memref<64x128xf32, #tpu.memory_space<hbm>>
      %dma_wait3A_893 = tpu.memref_slice %arg8[%dma_wait3A_886] : memref<10x!tpu.dma_semaphore, #tpu.memory_space<semaphore_mem>> -> memref<1x!tpu.dma_semaphore, #tpu.memory_space<semaphore_mem>>
      %dma_wait3A_894 = tpu.memref_squeeze %dma_wait3A_893 : memref<1x!tpu.dma_semaphore, #tpu.memory_space<semaphore_mem>> -> memref<!tpu.dma_semaphore, #tpu.memory_space<semaphore_mem>>
      %dma_wait3A_895 = arith.constant 0 : i32
      %dma_wait3A_896 = tpu.memref_slice %arg4[%multiple_of3A_884, %dma_wait3A_895] : memref<204800x128xf32, #tpu.memory_space<hbm>> -> memref<64x128xf32, #tpu.memory_space<hbm>>
      %dma_wait3A_897 = arith.constant 0 : i32
      %dma_wait3A_898 = arith.constant 0 : i32
      %dma_wait3A_899 = tpu.memref_slice %arg6[%dma_wait3A_885, %dma_wait3A_897, %dma_wait3A_898] : memref<10x64x128xf32, #tpu.memory_space<vmem>> -> memref<1x64x128xf32, #tpu.memory_space<vmem>>
      %dma_wait3A_900 = tpu.memref_squeeze %dma_wait3A_899 : memref<1x64x128xf32, #tpu.memory_space<vmem>> -> memref<64x128xf32, #tpu.memory_space<vmem>>
      tpu.wait_dma2 semaphore(%dma_wait3A_894 : memref<!tpu.dma_semaphore, #tpu.memory_space<semaphore_mem>>) src(%dma_wait3A_900 : memref<64x128xf32, #tpu.memory_space<vmem>>) dst(%dma_wait3A_896 : memref<64x128xf32, #tpu.memory_space<hbm>>)
      %add3A_901 = arith.constant 6 : i32
      %add3A_902 = arith.addi %mul3A_650, %add3A_901 : i32
      %mul3A_903 = arith.constant 64 : i32
      %mul3A_904 = arith.muli %add3A_902, %mul3A_903 : i32
      %dma_start3A_905 = arith.constant 6 : i32
      %dma_start3A_906 = arith.constant 6 : i32
      %dma_start3A_907 = arith.constant 0 : i32
      %dma_start3A_908 = arith.constant 0 : i32
      %dma_start3A_909 = tpu.memref_slice %arg6[%dma_start3A_905, %dma_start3A_907, %dma_start3A_908] : memref<10x64x128xf32, #tpu.memory_space<vmem>> -> memref<1x64x128xf32, #tpu.memory_space<vmem>>
      %dma_start3A_910 = tpu.memref_squeeze %dma_start3A_909 : memref<1x64x128xf32, #tpu.memory_space<vmem>> -> memref<64x128xf32, #tpu.memory_space<vmem>>
      %dma_start3A_911 = tpu.memref_slice %arg5[%mul3A_904] : memref<6400xi32, #tpu.memory_space<vmem>> -> memref<64xi32, #tpu.memory_space<vmem>>
      %dma_start3A_912 = arith.constant 0 : i32
      %dma_start3A_913 = arith.constant 0 : i32
      %dma_start3A_914 = tpu.memref_slice %arg2[%dma_start3A_912, %dma_start3A_913] : memref<25600x128xf32, #tpu.memory_space<hbm>> -> memref<25600x128xf32, #tpu.memory_space<hbm>>
      %dma_start3A_915 = tpu.memref_slice %arg7[%dma_start3A_906] : memref<10x!tpu.dma_semaphore, #tpu.memory_space<semaphore_mem>> -> memref<1x!tpu.dma_semaphore, #tpu.memory_space<semaphore_mem>>
      %dma_start3A_916 = tpu.memref_squeeze %dma_start3A_915 : memref<1x!tpu.dma_semaphore, #tpu.memory_space<semaphore_mem>> -> memref<!tpu.dma_semaphore, #tpu.memory_space<semaphore_mem>>
      tpu.enqueue_indirect_dma source(%dma_start3A_914 : memref<25600x128xf32, #tpu.memory_space<hbm>>) target(%dma_start3A_910 : memref<64x128xf32, #tpu.memory_space<vmem>>) offsets(%dma_start3A_911 : memref<64xi32, #tpu.memory_space<vmem>>) semaphore(%dma_start3A_916 : memref<!tpu.dma_semaphore, #tpu.memory_space<semaphore_mem>>)
      %add3A_917 = arith.constant 7 : i32
      %add3A_918 = arith.addi %mul3A_650, %add3A_917 : i32
      %mul3A_919 = arith.constant 64 : i32
      %mul3A_920 = arith.muli %add3A_918, %mul3A_919 : i32
      %add3A_921 = arith.addi %mul3A_2, %mul3A_920 : i32
      %multiple_of3A_922 = tpu.assume_multiple %add3A_921, 8 : i32
      %dma_wait3A_923 = arith.constant 7 : i32
      %dma_wait3A_924 = arith.constant 7 : i32
      %dma_wait3A_925 = arith.constant 0 : i32
      %dma_wait3A_926 = arith.constant 0 : i32
      %dma_wait3A_927 = tpu.memref_slice %arg6[%dma_wait3A_923, %dma_wait3A_925, %dma_wait3A_926] : memref<10x64x128xf32, #tpu.memory_space<vmem>> -> memref<1x64x128xf32, #tpu.memory_space<vmem>>
      %dma_wait3A_928 = tpu.memref_squeeze %dma_wait3A_927 : memref<1x64x128xf32, #tpu.memory_space<vmem>> -> memref<64x128xf32, #tpu.memory_space<vmem>>
      %dma_wait3A_929 = arith.constant 0 : i32
      %dma_wait3A_930 = tpu.memref_slice %arg4[%multiple_of3A_922, %dma_wait3A_929] : memref<204800x128xf32, #tpu.memory_space<hbm>> -> memref<64x128xf32, #tpu.memory_space<hbm>>
      %dma_wait3A_931 = tpu.memref_slice %arg8[%dma_wait3A_924] : memref<10x!tpu.dma_semaphore, #tpu.memory_space<semaphore_mem>> -> memref<1x!tpu.dma_semaphore, #tpu.memory_space<semaphore_mem>>
      %dma_wait3A_932 = tpu.memref_squeeze %dma_wait3A_931 : memref<1x!tpu.dma_semaphore, #tpu.memory_space<semaphore_mem>> -> memref<!tpu.dma_semaphore, #tpu.memory_space<semaphore_mem>>
      %dma_wait3A_933 = arith.constant 0 : i32
      %dma_wait3A_934 = tpu.memref_slice %arg4[%multiple_of3A_922, %dma_wait3A_933] : memref<204800x128xf32, #tpu.memory_space<hbm>> -> memref<64x128xf32, #tpu.memory_space<hbm>>
      %dma_wait3A_935 = arith.constant 0 : i32
      %dma_wait3A_936 = arith.constant 0 : i32
      %dma_wait3A_937 = tpu.memref_slice %arg6[%dma_wait3A_923, %dma_wait3A_935, %dma_wait3A_936] : memref<10x64x128xf32, #tpu.memory_space<vmem>> -> memref<1x64x128xf32, #tpu.memory_space<vmem>>
      %dma_wait3A_938 = tpu.memref_squeeze %dma_wait3A_937 : memref<1x64x128xf32, #tpu.memory_space<vmem>> -> memref<64x128xf32, #tpu.memory_space<vmem>>
      tpu.wait_dma2 semaphore(%dma_wait3A_932 : memref<!tpu.dma_semaphore, #tpu.memory_space<semaphore_mem>>) src(%dma_wait3A_938 : memref<64x128xf32, #tpu.memory_space<vmem>>) dst(%dma_wait3A_934 : memref<64x128xf32, #tpu.memory_space<hbm>>)
      %add3A_939 = arith.constant 7 : i32
      %add3A_940 = arith.addi %mul3A_650, %add3A_939 : i32
      %mul3A_941 = arith.constant 64 : i32
      %mul3A_942 = arith.muli %add3A_940, %mul3A_941 : i32
      %dma_start3A_943 = arith.constant 7 : i32
      %dma_start3A_944 = arith.constant 7 : i32
      %dma_start3A_945 = arith.constant 0 : i32
      %dma_start3A_946 = arith.constant 0 : i32
      %dma_start3A_947 = tpu.memref_slice %arg6[%dma_start3A_943, %dma_start3A_945, %dma_start3A_946] : memref<10x64x128xf32, #tpu.memory_space<vmem>> -> memref<1x64x128xf32, #tpu.memory_space<vmem>>
      %dma_start3A_948 = tpu.memref_squeeze %dma_start3A_947 : memref<1x64x128xf32, #tpu.memory_space<vmem>> -> memref<64x128xf32, #tpu.memory_space<vmem>>
      %dma_start3A_949 = tpu.memref_slice %arg5[%mul3A_942] : memref<6400xi32, #tpu.memory_space<vmem>> -> memref<64xi32, #tpu.memory_space<vmem>>
      %dma_start3A_950 = arith.constant 0 : i32
      %dma_start3A_951 = arith.constant 0 : i32
      %dma_start3A_952 = tpu.memref_slice %arg2[%dma_start3A_950, %dma_start3A_951] : memref<25600x128xf32, #tpu.memory_space<hbm>> -> memref<25600x128xf32, #tpu.memory_space<hbm>>
      %dma_start3A_953 = tpu.memref_slice %arg7[%dma_start3A_944] : memref<10x!tpu.dma_semaphore, #tpu.memory_space<semaphore_mem>> -> memref<1x!tpu.dma_semaphore, #tpu.memory_space<semaphore_mem>>
      %dma_start3A_954 = tpu.memref_squeeze %dma_start3A_953 : memref<1x!tpu.dma_semaphore, #tpu.memory_space<semaphore_mem>> -> memref<!tpu.dma_semaphore, #tpu.memory_space<semaphore_mem>>
      tpu.enqueue_indirect_dma source(%dma_start3A_952 : memref<25600x128xf32, #tpu.memory_space<hbm>>) target(%dma_start3A_948 : memref<64x128xf32, #tpu.memory_space<vmem>>) offsets(%dma_start3A_949 : memref<64xi32, #tpu.memory_space<vmem>>) semaphore(%dma_start3A_954 : memref<!tpu.dma_semaphore, #tpu.memory_space<semaphore_mem>>)
      %add3A_955 = arith.constant 8 : i32
      %add3A_956 = arith.addi %mul3A_650, %add3A_955 : i32
      %mul3A_957 = arith.constant 64 : i32
      %mul3A_958 = arith.muli %add3A_956, %mul3A_957 : i32
      %add3A_959 = arith.addi %mul3A_2, %mul3A_958 : i32
      %multiple_of3A_960 = tpu.assume_multiple %add3A_959, 8 : i32
      %dma_wait3A_961 = arith.constant 8 : i32
      %dma_wait3A_962 = arith.constant 8 : i32
      %dma_wait3A_963 = arith.constant 0 : i32
      %dma_wait3A_964 = arith.constant 0 : i32
      %dma_wait3A_965 = tpu.memref_slice %arg6[%dma_wait3A_961, %dma_wait3A_963, %dma_wait3A_964] : memref<10x64x128xf32, #tpu.memory_space<vmem>> -> memref<1x64x128xf32, #tpu.memory_space<vmem>>
      %dma_wait3A_966 = tpu.memref_squeeze %dma_wait3A_965 : memref<1x64x128xf32, #tpu.memory_space<vmem>> -> memref<64x128xf32, #tpu.memory_space<vmem>>
      %dma_wait3A_967 = arith.constant 0 : i32
      %dma_wait3A_968 = tpu.memref_slice %arg4[%multiple_of3A_960, %dma_wait3A_967] : memref<204800x128xf32, #tpu.memory_space<hbm>> -> memref<64x128xf32, #tpu.memory_space<hbm>>
      %dma_wait3A_969 = tpu.memref_slice %arg8[%dma_wait3A_962] : memref<10x!tpu.dma_semaphore, #tpu.memory_space<semaphore_mem>> -> memref<1x!tpu.dma_semaphore, #tpu.memory_space<semaphore_mem>>
      %dma_wait3A_970 = tpu.memref_squeeze %dma_wait3A_969 : memref<1x!tpu.dma_semaphore, #tpu.memory_space<semaphore_mem>> -> memref<!tpu.dma_semaphore, #tpu.memory_space<semaphore_mem>>
      %dma_wait3A_971 = arith.constant 0 : i32
      %dma_wait3A_972 = tpu.memref_slice %arg4[%multiple_of3A_960, %dma_wait3A_971] : memref<204800x128xf32, #tpu.memory_space<hbm>> -> memref<64x128xf32, #tpu.memory_space<hbm>>
      %dma_wait3A_973 = arith.constant 0 : i32
      %dma_wait3A_974 = arith.constant 0 : i32
      %dma_wait3A_975 = tpu.memref_slice %arg6[%dma_wait3A_961, %dma_wait3A_973, %dma_wait3A_974] : memref<10x64x128xf32, #tpu.memory_space<vmem>> -> memref<1x64x128xf32, #tpu.memory_space<vmem>>
      %dma_wait3A_976 = tpu.memref_squeeze %dma_wait3A_975 : memref<1x64x128xf32, #tpu.memory_space<vmem>> -> memref<64x128xf32, #tpu.memory_space<vmem>>
      tpu.wait_dma2 semaphore(%dma_wait3A_970 : memref<!tpu.dma_semaphore, #tpu.memory_space<semaphore_mem>>) src(%dma_wait3A_976 : memref<64x128xf32, #tpu.memory_space<vmem>>) dst(%dma_wait3A_972 : memref<64x128xf32, #tpu.memory_space<hbm>>)
      %add3A_977 = arith.constant 8 : i32
      %add3A_978 = arith.addi %mul3A_650, %add3A_977 : i32
      %mul3A_979 = arith.constant 64 : i32
      %mul3A_980 = arith.muli %add3A_978, %mul3A_979 : i32
      %dma_start3A_981 = arith.constant 8 : i32
      %dma_start3A_982 = arith.constant 8 : i32
      %dma_start3A_983 = arith.constant 0 : i32
      %dma_start3A_984 = arith.constant 0 : i32
      %dma_start3A_985 = tpu.memref_slice %arg6[%dma_start3A_981, %dma_start3A_983, %dma_start3A_984] : memref<10x64x128xf32, #tpu.memory_space<vmem>> -> memref<1x64x128xf32, #tpu.memory_space<vmem>>
      %dma_start3A_986 = tpu.memref_squeeze %dma_start3A_985 : memref<1x64x128xf32, #tpu.memory_space<vmem>> -> memref<64x128xf32, #tpu.memory_space<vmem>>
      %dma_start3A_987 = tpu.memref_slice %arg5[%mul3A_980] : memref<6400xi32, #tpu.memory_space<vmem>> -> memref<64xi32, #tpu.memory_space<vmem>>
      %dma_start3A_988 = arith.constant 0 : i32
      %dma_start3A_989 = arith.constant 0 : i32
      %dma_start3A_990 = tpu.memref_slice %arg2[%dma_start3A_988, %dma_start3A_989] : memref<25600x128xf32, #tpu.memory_space<hbm>> -> memref<25600x128xf32, #tpu.memory_space<hbm>>
      %dma_start3A_991 = tpu.memref_slice %arg7[%dma_start3A_982] : memref<10x!tpu.dma_semaphore, #tpu.memory_space<semaphore_mem>> -> memref<1x!tpu.dma_semaphore, #tpu.memory_space<semaphore_mem>>
      %dma_start3A_992 = tpu.memref_squeeze %dma_start3A_991 : memref<1x!tpu.dma_semaphore, #tpu.memory_space<semaphore_mem>> -> memref<!tpu.dma_semaphore, #tpu.memory_space<semaphore_mem>>
      tpu.enqueue_indirect_dma source(%dma_start3A_990 : memref<25600x128xf32, #tpu.memory_space<hbm>>) target(%dma_start3A_986 : memref<64x128xf32, #tpu.memory_space<vmem>>) offsets(%dma_start3A_987 : memref<64xi32, #tpu.memory_space<vmem>>) semaphore(%dma_start3A_992 : memref<!tpu.dma_semaphore, #tpu.memory_space<semaphore_mem>>)
      %add3A_993 = arith.constant 9 : i32
      %add3A_994 = arith.addi %mul3A_650, %add3A_993 : i32
      %mul3A_995 = arith.constant 64 : i32
      %mul3A_996 = arith.muli %add3A_994, %mul3A_995 : i32
      %add3A_997 = arith.addi %mul3A_2, %mul3A_996 : i32
      %multiple_of3A_998 = tpu.assume_multiple %add3A_997, 8 : i32
      %dma_wait3A_999 = arith.constant 9 : i32
      %dma_wait3A_1000 = arith.constant 9 : i32
      %dma_wait3A_1001 = arith.constant 0 : i32
      %dma_wait3A_1002 = arith.constant 0 : i32
      %dma_wait3A_1003 = tpu.memref_slice %arg6[%dma_wait3A_999, %dma_wait3A_1001, %dma_wait3A_1002] : memref<10x64x128xf32, #tpu.memory_space<vmem>> -> memref<1x64x128xf32, #tpu.memory_space<vmem>>
      %dma_wait3A_1004 = tpu.memref_squeeze %dma_wait3A_1003 : memref<1x64x128xf32, #tpu.memory_space<vmem>> -> memref<64x128xf32, #tpu.memory_space<vmem>>
      %dma_wait3A_1005 = arith.constant 0 : i32
      %dma_wait3A_1006 = tpu.memref_slice %arg4[%multiple_of3A_998, %dma_wait3A_1005] : memref<204800x128xf32, #tpu.memory_space<hbm>> -> memref<64x128xf32, #tpu.memory_space<hbm>>
      %dma_wait3A_1007 = tpu.memref_slice %arg8[%dma_wait3A_1000] : memref<10x!tpu.dma_semaphore, #tpu.memory_space<semaphore_mem>> -> memref<1x!tpu.dma_semaphore, #tpu.memory_space<semaphore_mem>>
      %dma_wait3A_1008 = tpu.memref_squeeze %dma_wait3A_1007 : memref<1x!tpu.dma_semaphore, #tpu.memory_space<semaphore_mem>> -> memref<!tpu.dma_semaphore, #tpu.memory_space<semaphore_mem>>
      %dma_wait3A_1009 = arith.constant 0 : i32
      %dma_wait3A_1010 = tpu.memref_slice %arg4[%multiple_of3A_998, %dma_wait3A_1009] : memref<204800x128xf32, #tpu.memory_space<hbm>> -> memref<64x128xf32, #tpu.memory_space<hbm>>
      %dma_wait3A_1011 = arith.constant 0 : i32
      %dma_wait3A_1012 = arith.constant 0 : i32
      %dma_wait3A_1013 = tpu.memref_slice %arg6[%dma_wait3A_999, %dma_wait3A_1011, %dma_wait3A_1012] : memref<10x64x128xf32, #tpu.memory_space<vmem>> -> memref<1x64x128xf32, #tpu.memory_space<vmem>>
      %dma_wait3A_1014 = tpu.memref_squeeze %dma_wait3A_1013 : memref<1x64x128xf32, #tpu.memory_space<vmem>> -> memref<64x128xf32, #tpu.memory_space<vmem>>
      tpu.wait_dma2 semaphore(%dma_wait3A_1008 : memref<!tpu.dma_semaphore, #tpu.memory_space<semaphore_mem>>) src(%dma_wait3A_1014 : memref<64x128xf32, #tpu.memory_space<vmem>>) dst(%dma_wait3A_1010 : memref<64x128xf32, #tpu.memory_space<hbm>>)
      %add3A_1015 = arith.constant 9 : i32
      %add3A_1016 = arith.addi %mul3A_650, %add3A_1015 : i32
      %mul3A_1017 = arith.constant 64 : i32
      %mul3A_1018 = arith.muli %add3A_1016, %mul3A_1017 : i32
      %dma_start3A_1019 = arith.constant 9 : i32
      %dma_start3A_1020 = arith.constant 9 : i32
      %dma_start3A_1021 = arith.constant 0 : i32
      %dma_start3A_1022 = arith.constant 0 : i32
      %dma_start3A_1023 = tpu.memref_slice %arg6[%dma_start3A_1019, %dma_start3A_1021, %dma_start3A_1022] : memref<10x64x128xf32, #tpu.memory_space<vmem>> -> memref<1x64x128xf32, #tpu.memory_space<vmem>>
      %dma_start3A_1024 = tpu.memref_squeeze %dma_start3A_1023 : memref<1x64x128xf32, #tpu.memory_space<vmem>> -> memref<64x128xf32, #tpu.memory_space<vmem>>
      %dma_start3A_1025 = tpu.memref_slice %arg5[%mul3A_1018] : memref<6400xi32, #tpu.memory_space<vmem>> -> memref<64xi32, #tpu.memory_space<vmem>>
      %dma_start3A_1026 = arith.constant 0 : i32
      %dma_start3A_1027 = arith.constant 0 : i32
      %dma_start3A_1028 = tpu.memref_slice %arg2[%dma_start3A_1026, %dma_start3A_1027] : memref<25600x128xf32, #tpu.memory_space<hbm>> -> memref<25600x128xf32, #tpu.memory_space<hbm>>
      %dma_start3A_1029 = tpu.memref_slice %arg7[%dma_start3A_1020] : memref<10x!tpu.dma_semaphore, #tpu.memory_space<semaphore_mem>> -> memref<1x!tpu.dma_semaphore, #tpu.memory_space<semaphore_mem>>
      %dma_start3A_1030 = tpu.memref_squeeze %dma_start3A_1029 : memref<1x!tpu.dma_semaphore, #tpu.memory_space<semaphore_mem>> -> memref<!tpu.dma_semaphore, #tpu.memory_space<semaphore_mem>>
      tpu.enqueue_indirect_dma source(%dma_start3A_1028 : memref<25600x128xf32, #tpu.memory_space<hbm>>) target(%dma_start3A_1024 : memref<64x128xf32, #tpu.memory_space<vmem>>) offsets(%dma_start3A_1025 : memref<64xi32, #tpu.memory_space<vmem>>) semaphore(%dma_start3A_1030 : memref<!tpu.dma_semaphore, #tpu.memory_space<semaphore_mem>>)
      %dma_wait3A_1031 = arith.constant 0 : i32
      %dma_wait3A_1032 = arith.constant 0 : i32
      %dma_wait3A_1033 = arith.constant 0 : i32
      %dma_wait3A_1034 = arith.constant 0 : i32
      %dma_wait3A_1035 = tpu.memref_slice %arg6[%dma_wait3A_1031, %dma_wait3A_1033, %dma_wait3A_1034] : memref<10x64x128xf32, #tpu.memory_space<vmem>> -> memref<1x64x128xf32, #tpu.memory_space<vmem>>
      %dma_wait3A_1036 = tpu.memref_squeeze %dma_wait3A_1035 : memref<1x64x128xf32, #tpu.memory_space<vmem>> -> memref<64x128xf32, #tpu.memory_space<vmem>>
      %dma_wait3A_1037 = tpu.memref_slice %arg5[%mul3A_676] : memref<6400xi32, #tpu.memory_space<vmem>> -> memref<64xi32, #tpu.memory_space<vmem>>
      %dma_wait3A_1038 = arith.constant 0 : i32
      %dma_wait3A_1039 = arith.constant 0 : i32
      %dma_wait3A_1040 = tpu.memref_slice %arg2[%dma_wait3A_1038, %dma_wait3A_1039] : memref<25600x128xf32, #tpu.memory_space<hbm>> -> memref<25600x128xf32, #tpu.memory_space<hbm>>
      %dma_wait3A_1041 = tpu.memref_slice %arg7[%dma_wait3A_1032] : memref<10x!tpu.dma_semaphore, #tpu.memory_space<semaphore_mem>> -> memref<1x!tpu.dma_semaphore, #tpu.memory_space<semaphore_mem>>
      %dma_wait3A_1042 = tpu.memref_squeeze %dma_wait3A_1041 : memref<1x!tpu.dma_semaphore, #tpu.memory_space<semaphore_mem>> -> memref<!tpu.dma_semaphore, #tpu.memory_space<semaphore_mem>>
      tpu.wait_indirect_dma semaphore(%dma_wait3A_1042 : memref<!tpu.dma_semaphore, #tpu.memory_space<semaphore_mem>>) src(%dma_wait3A_1040 : memref<25600x128xf32, #tpu.memory_space<hbm>>) dst(%dma_wait3A_1036 : memref<64x128xf32, #tpu.memory_space<vmem>>)
      %add3A_1043 = arith.constant 0 : i32
      %add3A_1044 = arith.addi %mul3A_650, %add3A_1043 : i32
      %mul3A_1045 = arith.constant 64 : i32
      %mul3A_1046 = arith.muli %add3A_1044, %mul3A_1045 : i32
      %add3A_1047 = arith.addi %mul3A_2, %mul3A_1046 : i32
      %multiple_of3A_1048 = tpu.assume_multiple %add3A_1047, 8 : i32
      %dma_start3A_1049 = arith.constant 0 : i32
      %dma_start3A_1050 = arith.constant 0 : i32
      %dma_start3A_1051 = arith.constant 0 : i32
      %dma_start3A_1052 = arith.constant 0 : i32
      %dma_start3A_1053 = tpu.memref_slice %arg6[%dma_start3A_1049, %dma_start3A_1051, %dma_start3A_1052] : memref<10x64x128xf32, #tpu.memory_space<vmem>> -> memref<1x64x128xf32, #tpu.memory_space<vmem>>
      %dma_start3A_1054 = tpu.memref_squeeze %dma_start3A_1053 : memref<1x64x128xf32, #tpu.memory_space<vmem>> -> memref<64x128xf32, #tpu.memory_space<vmem>>
      %dma_start3A_1055 = arith.constant 0 : i32
      %dma_start3A_1056 = tpu.memref_slice %arg4[%multiple_of3A_1048, %dma_start3A_1055] : memref<204800x128xf32, #tpu.memory_space<hbm>> -> memref<64x128xf32, #tpu.memory_space<hbm>>
      %dma_start3A_1057 = tpu.memref_slice %arg8[%dma_start3A_1050] : memref<10x!tpu.dma_semaphore, #tpu.memory_space<semaphore_mem>> -> memref<1x!tpu.dma_semaphore, #tpu.memory_space<semaphore_mem>>
      %dma_start3A_1058 = tpu.memref_squeeze %dma_start3A_1057 : memref<1x!tpu.dma_semaphore, #tpu.memory_space<semaphore_mem>> -> memref<!tpu.dma_semaphore, #tpu.memory_space<semaphore_mem>>
      %dma_start3A_1059 = arith.constant 0 : i32
      %dma_start3A_1060 = tpu.memref_slice %arg4[%multiple_of3A_1048, %dma_start3A_1059] : memref<204800x128xf32, #tpu.memory_space<hbm>> -> memref<64x128xf32, #tpu.memory_space<hbm>>
      %dma_start3A_1061 = arith.constant 0 : i32
      %dma_start3A_1062 = arith.constant 0 : i32
      %dma_start3A_1063 = tpu.memref_slice %arg6[%dma_start3A_1049, %dma_start3A_1061, %dma_start3A_1062] : memref<10x64x128xf32, #tpu.memory_space<vmem>> -> memref<1x64x128xf32, #tpu.memory_space<vmem>>
      %dma_start3A_1064 = tpu.memref_squeeze %dma_start3A_1063 : memref<1x64x128xf32, #tpu.memory_space<vmem>> -> memref<64x128xf32, #tpu.memory_space<vmem>>
      tpu.enqueue_dma source(%dma_start3A_1064 : memref<64x128xf32, #tpu.memory_space<vmem>>) target(%dma_start3A_1060 : memref<64x128xf32, #tpu.memory_space<hbm>>) target_semaphore(%dma_start3A_1058 : memref<!tpu.dma_semaphore, #tpu.memory_space<semaphore_mem>>)
      %dma_wait3A_1065 = arith.constant 1 : i32
      %dma_wait3A_1066 = arith.constant 1 : i32
      %dma_wait3A_1067 = arith.constant 0 : i32
      %dma_wait3A_1068 = arith.constant 0 : i32
      %dma_wait3A_1069 = tpu.memref_slice %arg6[%dma_wait3A_1065, %dma_wait3A_1067, %dma_wait3A_1068] : memref<10x64x128xf32, #tpu.memory_space<vmem>> -> memref<1x64x128xf32, #tpu.memory_space<vmem>>
      %dma_wait3A_1070 = tpu.memref_squeeze %dma_wait3A_1069 : memref<1x64x128xf32, #tpu.memory_space<vmem>> -> memref<64x128xf32, #tpu.memory_space<vmem>>
      %dma_wait3A_1071 = tpu.memref_slice %arg5[%mul3A_714] : memref<6400xi32, #tpu.memory_space<vmem>> -> memref<64xi32, #tpu.memory_space<vmem>>
      %dma_wait3A_1072 = arith.constant 0 : i32
      %dma_wait3A_1073 = arith.constant 0 : i32
      %dma_wait3A_1074 = tpu.memref_slice %arg2[%dma_wait3A_1072, %dma_wait3A_1073] : memref<25600x128xf32, #tpu.memory_space<hbm>> -> memref<25600x128xf32, #tpu.memory_space<hbm>>
      %dma_wait3A_1075 = tpu.memref_slice %arg7[%dma_wait3A_1066] : memref<10x!tpu.dma_semaphore, #tpu.memory_space<semaphore_mem>> -> memref<1x!tpu.dma_semaphore, #tpu.memory_space<semaphore_mem>>
      %dma_wait3A_1076 = tpu.memref_squeeze %dma_wait3A_1075 : memref<1x!tpu.dma_semaphore, #tpu.memory_space<semaphore_mem>> -> memref<!tpu.dma_semaphore, #tpu.memory_space<semaphore_mem>>
      tpu.wait_indirect_dma semaphore(%dma_wait3A_1076 : memref<!tpu.dma_semaphore, #tpu.memory_space<semaphore_mem>>) src(%dma_wait3A_1074 : memref<25600x128xf32, #tpu.memory_space<hbm>>) dst(%dma_wait3A_1070 : memref<64x128xf32, #tpu.memory_space<vmem>>)
      %add3A_1077 = arith.constant 1 : i32
      %add3A_1078 = arith.addi %mul3A_650, %add3A_1077 : i32
      %mul3A_1079 = arith.constant 64 : i32
      %mul3A_1080 = arith.muli %add3A_1078, %mul3A_1079 : i32
      %add3A_1081 = arith.addi %mul3A_2, %mul3A_1080 : i32
      %multiple_of3A_1082 = tpu.assume_multiple %add3A_1081, 8 : i32
      %dma_start3A_1083 = arith.constant 1 : i32
      %dma_start3A_1084 = arith.constant 1 : i32
      %dma_start3A_1085 = arith.constant 0 : i32
      %dma_start3A_1086 = arith.constant 0 : i32
      %dma_start3A_1087 = tpu.memref_slice %arg6[%dma_start3A_1083, %dma_start3A_1085, %dma_start3A_1086] : memref<10x64x128xf32, #tpu.memory_space<vmem>> -> memref<1x64x128xf32, #tpu.memory_space<vmem>>
      %dma_start3A_1088 = tpu.memref_squeeze %dma_start3A_1087 : memref<1x64x128xf32, #tpu.memory_space<vmem>> -> memref<64x128xf32, #tpu.memory_space<vmem>>
      %dma_start3A_1089 = arith.constant 0 : i32
      %dma_start3A_1090 = tpu.memref_slice %arg4[%multiple_of3A_1082, %dma_start3A_1089] : memref<204800x128xf32, #tpu.memory_space<hbm>> -> memref<64x128xf32, #tpu.memory_space<hbm>>
      %dma_start3A_1091 = tpu.memref_slice %arg8[%dma_start3A_1084] : memref<10x!tpu.dma_semaphore, #tpu.memory_space<semaphore_mem>> -> memref<1x!tpu.dma_semaphore, #tpu.memory_space<semaphore_mem>>
      %dma_start3A_1092 = tpu.memref_squeeze %dma_start3A_1091 : memref<1x!tpu.dma_semaphore, #tpu.memory_space<semaphore_mem>> -> memref<!tpu.dma_semaphore, #tpu.memory_space<semaphore_mem>>
      %dma_start3A_1093 = arith.constant 0 : i32
      %dma_start3A_1094 = tpu.memref_slice %arg4[%multiple_of3A_1082, %dma_start3A_1093] : memref<204800x128xf32, #tpu.memory_space<hbm>> -> memref<64x128xf32, #tpu.memory_space<hbm>>
      %dma_start3A_1095 = arith.constant 0 : i32
      %dma_start3A_1096 = arith.constant 0 : i32
      %dma_start3A_1097 = tpu.memref_slice %arg6[%dma_start3A_1083, %dma_start3A_1095, %dma_start3A_1096] : memref<10x64x128xf32, #tpu.memory_space<vmem>> -> memref<1x64x128xf32, #tpu.memory_space<vmem>>
      %dma_start3A_1098 = tpu.memref_squeeze %dma_start3A_1097 : memref<1x64x128xf32, #tpu.memory_space<vmem>> -> memref<64x128xf32, #tpu.memory_space<vmem>>
      tpu.enqueue_dma source(%dma_start3A_1098 : memref<64x128xf32, #tpu.memory_space<vmem>>) target(%dma_start3A_1094 : memref<64x128xf32, #tpu.memory_space<hbm>>) target_semaphore(%dma_start3A_1092 : memref<!tpu.dma_semaphore, #tpu.memory_space<semaphore_mem>>)
      %dma_wait3A_1099 = arith.constant 2 : i32
      %dma_wait3A_1100 = arith.constant 2 : i32
      %dma_wait3A_1101 = arith.constant 0 : i32
      %dma_wait3A_1102 = arith.constant 0 : i32
      %dma_wait3A_1103 = tpu.memref_slice %arg6[%dma_wait3A_1099, %dma_wait3A_1101, %dma_wait3A_1102] : memref<10x64x128xf32, #tpu.memory_space<vmem>> -> memref<1x64x128xf32, #tpu.memory_space<vmem>>
      %dma_wait3A_1104 = tpu.memref_squeeze %dma_wait3A_1103 : memref<1x64x128xf32, #tpu.memory_space<vmem>> -> memref<64x128xf32, #tpu.memory_space<vmem>>
      %dma_wait3A_1105 = tpu.memref_slice %arg5[%mul3A_752] : memref<6400xi32, #tpu.memory_space<vmem>> -> memref<64xi32, #tpu.memory_space<vmem>>
      %dma_wait3A_1106 = arith.constant 0 : i32
      %dma_wait3A_1107 = arith.constant 0 : i32
      %dma_wait3A_1108 = tpu.memref_slice %arg2[%dma_wait3A_1106, %dma_wait3A_1107] : memref<25600x128xf32, #tpu.memory_space<hbm>> -> memref<25600x128xf32, #tpu.memory_space<hbm>>
      %dma_wait3A_1109 = tpu.memref_slice %arg7[%dma_wait3A_1100] : memref<10x!tpu.dma_semaphore, #tpu.memory_space<semaphore_mem>> -> memref<1x!tpu.dma_semaphore, #tpu.memory_space<semaphore_mem>>
      %dma_wait3A_1110 = tpu.memref_squeeze %dma_wait3A_1109 : memref<1x!tpu.dma_semaphore, #tpu.memory_space<semaphore_mem>> -> memref<!tpu.dma_semaphore, #tpu.memory_space<semaphore_mem>>
      tpu.wait_indirect_dma semaphore(%dma_wait3A_1110 : memref<!tpu.dma_semaphore, #tpu.memory_space<semaphore_mem>>) src(%dma_wait3A_1108 : memref<25600x128xf32, #tpu.memory_space<hbm>>) dst(%dma_wait3A_1104 : memref<64x128xf32, #tpu.memory_space<vmem>>)
      %add3A_1111 = arith.constant 2 : i32
      %add3A_1112 = arith.addi %mul3A_650, %add3A_1111 : i32
      %mul3A_1113 = arith.constant 64 : i32
      %mul3A_1114 = arith.muli %add3A_1112, %mul3A_1113 : i32
      %add3A_1115 = arith.addi %mul3A_2, %mul3A_1114 : i32
      %multiple_of3A_1116 = tpu.assume_multiple %add3A_1115, 8 : i32
      %dma_start3A_1117 = arith.constant 2 : i32
      %dma_start3A_1118 = arith.constant 2 : i32
      %dma_start3A_1119 = arith.constant 0 : i32
      %dma_start3A_1120 = arith.constant 0 : i32
      %dma_start3A_1121 = tpu.memref_slice %arg6[%dma_start3A_1117, %dma_start3A_1119, %dma_start3A_1120] : memref<10x64x128xf32, #tpu.memory_space<vmem>> -> memref<1x64x128xf32, #tpu.memory_space<vmem>>
      %dma_start3A_1122 = tpu.memref_squeeze %dma_start3A_1121 : memref<1x64x128xf32, #tpu.memory_space<vmem>> -> memref<64x128xf32, #tpu.memory_space<vmem>>
      %dma_start3A_1123 = arith.constant 0 : i32
      %dma_start3A_1124 = tpu.memref_slice %arg4[%multiple_of3A_1116, %dma_start3A_1123] : memref<204800x128xf32, #tpu.memory_space<hbm>> -> memref<64x128xf32, #tpu.memory_space<hbm>>
      %dma_start3A_1125 = tpu.memref_slice %arg8[%dma_start3A_1118] : memref<10x!tpu.dma_semaphore, #tpu.memory_space<semaphore_mem>> -> memref<1x!tpu.dma_semaphore, #tpu.memory_space<semaphore_mem>>
      %dma_start3A_1126 = tpu.memref_squeeze %dma_start3A_1125 : memref<1x!tpu.dma_semaphore, #tpu.memory_space<semaphore_mem>> -> memref<!tpu.dma_semaphore, #tpu.memory_space<semaphore_mem>>
      %dma_start3A_1127 = arith.constant 0 : i32
      %dma_start3A_1128 = tpu.memref_slice %arg4[%multiple_of3A_1116, %dma_start3A_1127] : memref<204800x128xf32, #tpu.memory_space<hbm>> -> memref<64x128xf32, #tpu.memory_space<hbm>>
      %dma_start3A_1129 = arith.constant 0 : i32
      %dma_start3A_1130 = arith.constant 0 : i32
      %dma_start3A_1131 = tpu.memref_slice %arg6[%dma_start3A_1117, %dma_start3A_1129, %dma_start3A_1130] : memref<10x64x128xf32, #tpu.memory_space<vmem>> -> memref<1x64x128xf32, #tpu.memory_space<vmem>>
      %dma_start3A_1132 = tpu.memref_squeeze %dma_start3A_1131 : memref<1x64x128xf32, #tpu.memory_space<vmem>> -> memref<64x128xf32, #tpu.memory_space<vmem>>
      tpu.enqueue_dma source(%dma_start3A_1132 : memref<64x128xf32, #tpu.memory_space<vmem>>) target(%dma_start3A_1128 : memref<64x128xf32, #tpu.memory_space<hbm>>) target_semaphore(%dma_start3A_1126 : memref<!tpu.dma_semaphore, #tpu.memory_space<semaphore_mem>>)
      %dma_wait3A_1133 = arith.constant 3 : i32
      %dma_wait3A_1134 = arith.constant 3 : i32
      %dma_wait3A_1135 = arith.constant 0 : i32
      %dma_wait3A_1136 = arith.constant 0 : i32
      %dma_wait3A_1137 = tpu.memref_slice %arg6[%dma_wait3A_1133, %dma_wait3A_1135, %dma_wait3A_1136] : memref<10x64x128xf32, #tpu.memory_space<vmem>> -> memref<1x64x128xf32, #tpu.memory_space<vmem>>
      %dma_wait3A_1138 = tpu.memref_squeeze %dma_wait3A_1137 : memref<1x64x128xf32, #tpu.memory_space<vmem>> -> memref<64x128xf32, #tpu.memory_space<vmem>>
      %dma_wait3A_1139 = tpu.memref_slice %arg5[%mul3A_790] : memref<6400xi32, #tpu.memory_space<vmem>> -> memref<64xi32, #tpu.memory_space<vmem>>
      %dma_wait3A_1140 = arith.constant 0 : i32
      %dma_wait3A_1141 = arith.constant 0 : i32
      %dma_wait3A_1142 = tpu.memref_slice %arg2[%dma_wait3A_1140, %dma_wait3A_1141] : memref<25600x128xf32, #tpu.memory_space<hbm>> -> memref<25600x128xf32, #tpu.memory_space<hbm>>
      %dma_wait3A_1143 = tpu.memref_slice %arg7[%dma_wait3A_1134] : memref<10x!tpu.dma_semaphore, #tpu.memory_space<semaphore_mem>> -> memref<1x!tpu.dma_semaphore, #tpu.memory_space<semaphore_mem>>
      %dma_wait3A_1144 = tpu.memref_squeeze %dma_wait3A_1143 : memref<1x!tpu.dma_semaphore, #tpu.memory_space<semaphore_mem>> -> memref<!tpu.dma_semaphore, #tpu.memory_space<semaphore_mem>>
      tpu.wait_indirect_dma semaphore(%dma_wait3A_1144 : memref<!tpu.dma_semaphore, #tpu.memory_space<semaphore_mem>>) src(%dma_wait3A_1142 : memref<25600x128xf32, #tpu.memory_space<hbm>>) dst(%dma_wait3A_1138 : memref<64x128xf32, #tpu.memory_space<vmem>>)
      %add3A_1145 = arith.constant 3 : i32
      %add3A_1146 = arith.addi %mul3A_650, %add3A_1145 : i32
      %mul3A_1147 = arith.constant 64 : i32
      %mul3A_1148 = arith.muli %add3A_1146, %mul3A_1147 : i32
      %add3A_1149 = arith.addi %mul3A_2, %mul3A_1148 : i32
      %multiple_of3A_1150 = tpu.assume_multiple %add3A_1149, 8 : i32
      %dma_start3A_1151 = arith.constant 3 : i32
      %dma_start3A_1152 = arith.constant 3 : i32
      %dma_start3A_1153 = arith.constant 0 : i32
      %dma_start3A_1154 = arith.constant 0 : i32
      %dma_start3A_1155 = tpu.memref_slice %arg6[%dma_start3A_1151, %dma_start3A_1153, %dma_start3A_1154] : memref<10x64x128xf32, #tpu.memory_space<vmem>> -> memref<1x64x128xf32, #tpu.memory_space<vmem>>
      %dma_start3A_1156 = tpu.memref_squeeze %dma_start3A_1155 : memref<1x64x128xf32, #tpu.memory_space<vmem>> -> memref<64x128xf32, #tpu.memory_space<vmem>>
      %dma_start3A_1157 = arith.constant 0 : i32
      %dma_start3A_1158 = tpu.memref_slice %arg4[%multiple_of3A_1150, %dma_start3A_1157] : memref<204800x128xf32, #tpu.memory_space<hbm>> -> memref<64x128xf32, #tpu.memory_space<hbm>>
      %dma_start3A_1159 = tpu.memref_slice %arg8[%dma_start3A_1152] : memref<10x!tpu.dma_semaphore, #tpu.memory_space<semaphore_mem>> -> memref<1x!tpu.dma_semaphore, #tpu.memory_space<semaphore_mem>>
      %dma_start3A_1160 = tpu.memref_squeeze %dma_start3A_1159 : memref<1x!tpu.dma_semaphore, #tpu.memory_space<semaphore_mem>> -> memref<!tpu.dma_semaphore, #tpu.memory_space<semaphore_mem>>
      %dma_start3A_1161 = arith.constant 0 : i32
      %dma_start3A_1162 = tpu.memref_slice %arg4[%multiple_of3A_1150, %dma_start3A_1161] : memref<204800x128xf32, #tpu.memory_space<hbm>> -> memref<64x128xf32, #tpu.memory_space<hbm>>
      %dma_start3A_1163 = arith.constant 0 : i32
      %dma_start3A_1164 = arith.constant 0 : i32
      %dma_start3A_1165 = tpu.memref_slice %arg6[%dma_start3A_1151, %dma_start3A_1163, %dma_start3A_1164] : memref<10x64x128xf32, #tpu.memory_space<vmem>> -> memref<1x64x128xf32, #tpu.memory_space<vmem>>
      %dma_start3A_1166 = tpu.memref_squeeze %dma_start3A_1165 : memref<1x64x128xf32, #tpu.memory_space<vmem>> -> memref<64x128xf32, #tpu.memory_space<vmem>>
      tpu.enqueue_dma source(%dma_start3A_1166 : memref<64x128xf32, #tpu.memory_space<vmem>>) target(%dma_start3A_1162 : memref<64x128xf32, #tpu.memory_space<hbm>>) target_semaphore(%dma_start3A_1160 : memref<!tpu.dma_semaphore, #tpu.memory_space<semaphore_mem>>)
      %dma_wait3A_1167 = arith.constant 4 : i32
      %dma_wait3A_1168 = arith.constant 4 : i32
      %dma_wait3A_1169 = arith.constant 0 : i32
      %dma_wait3A_1170 = arith.constant 0 : i32
      %dma_wait3A_1171 = tpu.memref_slice %arg6[%dma_wait3A_1167, %dma_wait3A_1169, %dma_wait3A_1170] : memref<10x64x128xf32, #tpu.memory_space<vmem>> -> memref<1x64x128xf32, #tpu.memory_space<vmem>>
      %dma_wait3A_1172 = tpu.memref_squeeze %dma_wait3A_1171 : memref<1x64x128xf32, #tpu.memory_space<vmem>> -> memref<64x128xf32, #tpu.memory_space<vmem>>
      %dma_wait3A_1173 = tpu.memref_slice %arg5[%mul3A_828] : memref<6400xi32, #tpu.memory_space<vmem>> -> memref<64xi32, #tpu.memory_space<vmem>>
      %dma_wait3A_1174 = arith.constant 0 : i32
      %dma_wait3A_1175 = arith.constant 0 : i32
      %dma_wait3A_1176 = tpu.memref_slice %arg2[%dma_wait3A_1174, %dma_wait3A_1175] : memref<25600x128xf32, #tpu.memory_space<hbm>> -> memref<25600x128xf32, #tpu.memory_space<hbm>>
      %dma_wait3A_1177 = tpu.memref_slice %arg7[%dma_wait3A_1168] : memref<10x!tpu.dma_semaphore, #tpu.memory_space<semaphore_mem>> -> memref<1x!tpu.dma_semaphore, #tpu.memory_space<semaphore_mem>>
      %dma_wait3A_1178 = tpu.memref_squeeze %dma_wait3A_1177 : memref<1x!tpu.dma_semaphore, #tpu.memory_space<semaphore_mem>> -> memref<!tpu.dma_semaphore, #tpu.memory_space<semaphore_mem>>
      tpu.wait_indirect_dma semaphore(%dma_wait3A_1178 : memref<!tpu.dma_semaphore, #tpu.memory_space<semaphore_mem>>) src(%dma_wait3A_1176 : memref<25600x128xf32, #tpu.memory_space<hbm>>) dst(%dma_wait3A_1172 : memref<64x128xf32, #tpu.memory_space<vmem>>)
      %add3A_1179 = arith.constant 4 : i32
      %add3A_1180 = arith.addi %mul3A_650, %add3A_1179 : i32
      %mul3A_1181 = arith.constant 64 : i32
      %mul3A_1182 = arith.muli %add3A_1180, %mul3A_1181 : i32
      %add3A_1183 = arith.addi %mul3A_2, %mul3A_1182 : i32
      %multiple_of3A_1184 = tpu.assume_multiple %add3A_1183, 8 : i32
      %dma_start3A_1185 = arith.constant 4 : i32
      %dma_start3A_1186 = arith.constant 4 : i32
      %dma_start3A_1187 = arith.constant 0 : i32
      %dma_start3A_1188 = arith.constant 0 : i32
      %dma_start3A_1189 = tpu.memref_slice %arg6[%dma_start3A_1185, %dma_start3A_1187, %dma_start3A_1188] : memref<10x64x128xf32, #tpu.memory_space<vmem>> -> memref<1x64x128xf32, #tpu.memory_space<vmem>>
      %dma_start3A_1190 = tpu.memref_squeeze %dma_start3A_1189 : memref<1x64x128xf32, #tpu.memory_space<vmem>> -> memref<64x128xf32, #tpu.memory_space<vmem>>
      %dma_start3A_1191 = arith.constant 0 : i32
      %dma_start3A_1192 = tpu.memref_slice %arg4[%multiple_of3A_1184, %dma_start3A_1191] : memref<204800x128xf32, #tpu.memory_space<hbm>> -> memref<64x128xf32, #tpu.memory_space<hbm>>
      %dma_start3A_1193 = tpu.memref_slice %arg8[%dma_start3A_1186] : memref<10x!tpu.dma_semaphore, #tpu.memory_space<semaphore_mem>> -> memref<1x!tpu.dma_semaphore, #tpu.memory_space<semaphore_mem>>
      %dma_start3A_1194 = tpu.memref_squeeze %dma_start3A_1193 : memref<1x!tpu.dma_semaphore, #tpu.memory_space<semaphore_mem>> -> memref<!tpu.dma_semaphore, #tpu.memory_space<semaphore_mem>>
      %dma_start3A_1195 = arith.constant 0 : i32
      %dma_start3A_1196 = tpu.memref_slice %arg4[%multiple_of3A_1184, %dma_start3A_1195] : memref<204800x128xf32, #tpu.memory_space<hbm>> -> memref<64x128xf32, #tpu.memory_space<hbm>>
      %dma_start3A_1197 = arith.constant 0 : i32
      %dma_start3A_1198 = arith.constant 0 : i32
      %dma_start3A_1199 = tpu.memref_slice %arg6[%dma_start3A_1185, %dma_start3A_1197, %dma_start3A_1198] : memref<10x64x128xf32, #tpu.memory_space<vmem>> -> memref<1x64x128xf32, #tpu.memory_space<vmem>>
      %dma_start3A_1200 = tpu.memref_squeeze %dma_start3A_1199 : memref<1x64x128xf32, #tpu.memory_space<vmem>> -> memref<64x128xf32, #tpu.memory_space<vmem>>
      tpu.enqueue_dma source(%dma_start3A_1200 : memref<64x128xf32, #tpu.memory_space<vmem>>) target(%dma_start3A_1196 : memref<64x128xf32, #tpu.memory_space<hbm>>) target_semaphore(%dma_start3A_1194 : memref<!tpu.dma_semaphore, #tpu.memory_space<semaphore_mem>>)
      %dma_wait3A_1201 = arith.constant 5 : i32
      %dma_wait3A_1202 = arith.constant 5 : i32
      %dma_wait3A_1203 = arith.constant 0 : i32
      %dma_wait3A_1204 = arith.constant 0 : i32
      %dma_wait3A_1205 = tpu.memref_slice %arg6[%dma_wait3A_1201, %dma_wait3A_1203, %dma_wait3A_1204] : memref<10x64x128xf32, #tpu.memory_space<vmem>> -> memref<1x64x128xf32, #tpu.memory_space<vmem>>
      %dma_wait3A_1206 = tpu.memref_squeeze %dma_wait3A_1205 : memref<1x64x128xf32, #tpu.memory_space<vmem>> -> memref<64x128xf32, #tpu.memory_space<vmem>>
      %dma_wait3A_1207 = tpu.memref_slice %arg5[%mul3A_866] : memref<6400xi32, #tpu.memory_space<vmem>> -> memref<64xi32, #tpu.memory_space<vmem>>
      %dma_wait3A_1208 = arith.constant 0 : i32
      %dma_wait3A_1209 = arith.constant 0 : i32
      %dma_wait3A_1210 = tpu.memref_slice %arg2[%dma_wait3A_1208, %dma_wait3A_1209] : memref<25600x128xf32, #tpu.memory_space<hbm>> -> memref<25600x128xf32, #tpu.memory_space<hbm>>
      %dma_wait3A_1211 = tpu.memref_slice %arg7[%dma_wait3A_1202] : memref<10x!tpu.dma_semaphore, #tpu.memory_space<semaphore_mem>> -> memref<1x!tpu.dma_semaphore, #tpu.memory_space<semaphore_mem>>
      %dma_wait3A_1212 = tpu.memref_squeeze %dma_wait3A_1211 : memref<1x!tpu.dma_semaphore, #tpu.memory_space<semaphore_mem>> -> memref<!tpu.dma_semaphore, #tpu.memory_space<semaphore_mem>>
      tpu.wait_indirect_dma semaphore(%dma_wait3A_1212 : memref<!tpu.dma_semaphore, #tpu.memory_space<semaphore_mem>>) src(%dma_wait3A_1210 : memref<25600x128xf32, #tpu.memory_space<hbm>>) dst(%dma_wait3A_1206 : memref<64x128xf32, #tpu.memory_space<vmem>>)
      %add3A_1213 = arith.constant 5 : i32
      %add3A_1214 = arith.addi %mul3A_650, %add3A_1213 : i32
      %mul3A_1215 = arith.constant 64 : i32
      %mul3A_1216 = arith.muli %add3A_1214, %mul3A_1215 : i32
      %add3A_1217 = arith.addi %mul3A_2, %mul3A_1216 : i32
      %multiple_of3A_1218 = tpu.assume_multiple %add3A_1217, 8 : i32
      %dma_start3A_1219 = arith.constant 5 : i32
      %dma_start3A_1220 = arith.constant 5 : i32
      %dma_start3A_1221 = arith.constant 0 : i32
      %dma_start3A_1222 = arith.constant 0 : i32
      %dma_start3A_1223 = tpu.memref_slice %arg6[%dma_start3A_1219, %dma_start3A_1221, %dma_start3A_1222] : memref<10x64x128xf32, #tpu.memory_space<vmem>> -> memref<1x64x128xf32, #tpu.memory_space<vmem>>
      %dma_start3A_1224 = tpu.memref_squeeze %dma_start3A_1223 : memref<1x64x128xf32, #tpu.memory_space<vmem>> -> memref<64x128xf32, #tpu.memory_space<vmem>>
      %dma_start3A_1225 = arith.constant 0 : i32
      %dma_start3A_1226 = tpu.memref_slice %arg4[%multiple_of3A_1218, %dma_start3A_1225] : memref<204800x128xf32, #tpu.memory_space<hbm>> -> memref<64x128xf32, #tpu.memory_space<hbm>>
      %dma_start3A_1227 = tpu.memref_slice %arg8[%dma_start3A_1220] : memref<10x!tpu.dma_semaphore, #tpu.memory_space<semaphore_mem>> -> memref<1x!tpu.dma_semaphore, #tpu.memory_space<semaphore_mem>>
      %dma_start3A_1228 = tpu.memref_squeeze %dma_start3A_1227 : memref<1x!tpu.dma_semaphore, #tpu.memory_space<semaphore_mem>> -> memref<!tpu.dma_semaphore, #tpu.memory_space<semaphore_mem>>
      %dma_start3A_1229 = arith.constant 0 : i32
      %dma_start3A_1230 = tpu.memref_slice %arg4[%multiple_of3A_1218, %dma_start3A_1229] : memref<204800x128xf32, #tpu.memory_space<hbm>> -> memref<64x128xf32, #tpu.memory_space<hbm>>
      %dma_start3A_1231 = arith.constant 0 : i32
      %dma_start3A_1232 = arith.constant 0 : i32
      %dma_start3A_1233 = tpu.memref_slice %arg6[%dma_start3A_1219, %dma_start3A_1231, %dma_start3A_1232] : memref<10x64x128xf32, #tpu.memory_space<vmem>> -> memref<1x64x128xf32, #tpu.memory_space<vmem>>
      %dma_start3A_1234 = tpu.memref_squeeze %dma_start3A_1233 : memref<1x64x128xf32, #tpu.memory_space<vmem>> -> memref<64x128xf32, #tpu.memory_space<vmem>>
      tpu.enqueue_dma source(%dma_start3A_1234 : memref<64x128xf32, #tpu.memory_space<vmem>>) target(%dma_start3A_1230 : memref<64x128xf32, #tpu.memory_space<hbm>>) target_semaphore(%dma_start3A_1228 : memref<!tpu.dma_semaphore, #tpu.memory_space<semaphore_mem>>)
      %dma_wait3A_1235 = arith.constant 6 : i32
      %dma_wait3A_1236 = arith.constant 6 : i32
      %dma_wait3A_1237 = arith.constant 0 : i32
      %dma_wait3A_1238 = arith.constant 0 : i32
      %dma_wait3A_1239 = tpu.memref_slice %arg6[%dma_wait3A_1235, %dma_wait3A_1237, %dma_wait3A_1238] : memref<10x64x128xf32, #tpu.memory_space<vmem>> -> memref<1x64x128xf32, #tpu.memory_space<vmem>>
      %dma_wait3A_1240 = tpu.memref_squeeze %dma_wait3A_1239 : memref<1x64x128xf32, #tpu.memory_space<vmem>> -> memref<64x128xf32, #tpu.memory_space<vmem>>
      %dma_wait3A_1241 = tpu.memref_slice %arg5[%mul3A_904] : memref<6400xi32, #tpu.memory_space<vmem>> -> memref<64xi32, #tpu.memory_space<vmem>>
      %dma_wait3A_1242 = arith.constant 0 : i32
      %dma_wait3A_1243 = arith.constant 0 : i32
      %dma_wait3A_1244 = tpu.memref_slice %arg2[%dma_wait3A_1242, %dma_wait3A_1243] : memref<25600x128xf32, #tpu.memory_space<hbm>> -> memref<25600x128xf32, #tpu.memory_space<hbm>>
      %dma_wait3A_1245 = tpu.memref_slice %arg7[%dma_wait3A_1236] : memref<10x!tpu.dma_semaphore, #tpu.memory_space<semaphore_mem>> -> memref<1x!tpu.dma_semaphore, #tpu.memory_space<semaphore_mem>>
      %dma_wait3A_1246 = tpu.memref_squeeze %dma_wait3A_1245 : memref<1x!tpu.dma_semaphore, #tpu.memory_space<semaphore_mem>> -> memref<!tpu.dma_semaphore, #tpu.memory_space<semaphore_mem>>
      tpu.wait_indirect_dma semaphore(%dma_wait3A_1246 : memref<!tpu.dma_semaphore, #tpu.memory_space<semaphore_mem>>) src(%dma_wait3A_1244 : memref<25600x128xf32, #tpu.memory_space<hbm>>) dst(%dma_wait3A_1240 : memref<64x128xf32, #tpu.memory_space<vmem>>)
      %add3A_1247 = arith.constant 6 : i32
      %add3A_1248 = arith.addi %mul3A_650, %add3A_1247 : i32
      %mul3A_1249 = arith.constant 64 : i32
      %mul3A_1250 = arith.muli %add3A_1248, %mul3A_1249 : i32
      %add3A_1251 = arith.addi %mul3A_2, %mul3A_1250 : i32
      %multiple_of3A_1252 = tpu.assume_multiple %add3A_1251, 8 : i32
      %dma_start3A_1253 = arith.constant 6 : i32
      %dma_start3A_1254 = arith.constant 6 : i32
      %dma_start3A_1255 = arith.constant 0 : i32
      %dma_start3A_1256 = arith.constant 0 : i32
      %dma_start3A_1257 = tpu.memref_slice %arg6[%dma_start3A_1253, %dma_start3A_1255, %dma_start3A_1256] : memref<10x64x128xf32, #tpu.memory_space<vmem>> -> memref<1x64x128xf32, #tpu.memory_space<vmem>>
      %dma_start3A_1258 = tpu.memref_squeeze %dma_start3A_1257 : memref<1x64x128xf32, #tpu.memory_space<vmem>> -> memref<64x128xf32, #tpu.memory_space<vmem>>
      %dma_start3A_1259 = arith.constant 0 : i32
      %dma_start3A_1260 = tpu.memref_slice %arg4[%multiple_of3A_1252, %dma_start3A_1259] : memref<204800x128xf32, #tpu.memory_space<hbm>> -> memref<64x128xf32, #tpu.memory_space<hbm>>
      %dma_start3A_1261 = tpu.memref_slice %arg8[%dma_start3A_1254] : memref<10x!tpu.dma_semaphore, #tpu.memory_space<semaphore_mem>> -> memref<1x!tpu.dma_semaphore, #tpu.memory_space<semaphore_mem>>
      %dma_start3A_1262 = tpu.memref_squeeze %dma_start3A_1261 : memref<1x!tpu.dma_semaphore, #tpu.memory_space<semaphore_mem>> -> memref<!tpu.dma_semaphore, #tpu.memory_space<semaphore_mem>>
      %dma_start3A_1263 = arith.constant 0 : i32
      %dma_start3A_1264 = tpu.memref_slice %arg4[%multiple_of3A_1252, %dma_start3A_1263] : memref<204800x128xf32, #tpu.memory_space<hbm>> -> memref<64x128xf32, #tpu.memory_space<hbm>>
      %dma_start3A_1265 = arith.constant 0 : i32
      %dma_start3A_1266 = arith.constant 0 : i32
      %dma_start3A_1267 = tpu.memref_slice %arg6[%dma_start3A_1253, %dma_start3A_1265, %dma_start3A_1266] : memref<10x64x128xf32, #tpu.memory_space<vmem>> -> memref<1x64x128xf32, #tpu.memory_space<vmem>>
      %dma_start3A_1268 = tpu.memref_squeeze %dma_start3A_1267 : memref<1x64x128xf32, #tpu.memory_space<vmem>> -> memref<64x128xf32, #tpu.memory_space<vmem>>
      tpu.enqueue_dma source(%dma_start3A_1268 : memref<64x128xf32, #tpu.memory_space<vmem>>) target(%dma_start3A_1264 : memref<64x128xf32, #tpu.memory_space<hbm>>) target_semaphore(%dma_start3A_1262 : memref<!tpu.dma_semaphore, #tpu.memory_space<semaphore_mem>>)
      %dma_wait3A_1269 = arith.constant 7 : i32
      %dma_wait3A_1270 = arith.constant 7 : i32
      %dma_wait3A_1271 = arith.constant 0 : i32
      %dma_wait3A_1272 = arith.constant 0 : i32
      %dma_wait3A_1273 = tpu.memref_slice %arg6[%dma_wait3A_1269, %dma_wait3A_1271, %dma_wait3A_1272] : memref<10x64x128xf32, #tpu.memory_space<vmem>> -> memref<1x64x128xf32, #tpu.memory_space<vmem>>
      %dma_wait3A_1274 = tpu.memref_squeeze %dma_wait3A_1273 : memref<1x64x128xf32, #tpu.memory_space<vmem>> -> memref<64x128xf32, #tpu.memory_space<vmem>>
      %dma_wait3A_1275 = tpu.memref_slice %arg5[%mul3A_942] : memref<6400xi32, #tpu.memory_space<vmem>> -> memref<64xi32, #tpu.memory_space<vmem>>
      %dma_wait3A_1276 = arith.constant 0 : i32
      %dma_wait3A_1277 = arith.constant 0 : i32
      %dma_wait3A_1278 = tpu.memref_slice %arg2[%dma_wait3A_1276, %dma_wait3A_1277] : memref<25600x128xf32, #tpu.memory_space<hbm>> -> memref<25600x128xf32, #tpu.memory_space<hbm>>
      %dma_wait3A_1279 = tpu.memref_slice %arg7[%dma_wait3A_1270] : memref<10x!tpu.dma_semaphore, #tpu.memory_space<semaphore_mem>> -> memref<1x!tpu.dma_semaphore, #tpu.memory_space<semaphore_mem>>
      %dma_wait3A_1280 = tpu.memref_squeeze %dma_wait3A_1279 : memref<1x!tpu.dma_semaphore, #tpu.memory_space<semaphore_mem>> -> memref<!tpu.dma_semaphore, #tpu.memory_space<semaphore_mem>>
      tpu.wait_indirect_dma semaphore(%dma_wait3A_1280 : memref<!tpu.dma_semaphore, #tpu.memory_space<semaphore_mem>>) src(%dma_wait3A_1278 : memref<25600x128xf32, #tpu.memory_space<hbm>>) dst(%dma_wait3A_1274 : memref<64x128xf32, #tpu.memory_space<vmem>>)
      %add3A_1281 = arith.constant 7 : i32
      %add3A_1282 = arith.addi %mul3A_650, %add3A_1281 : i32
      %mul3A_1283 = arith.constant 64 : i32
      %mul3A_1284 = arith.muli %add3A_1282, %mul3A_1283 : i32
      %add3A_1285 = arith.addi %mul3A_2, %mul3A_1284 : i32
      %multiple_of3A_1286 = tpu.assume_multiple %add3A_1285, 8 : i32
      %dma_start3A_1287 = arith.constant 7 : i32
      %dma_start3A_1288 = arith.constant 7 : i32
      %dma_start3A_1289 = arith.constant 0 : i32
      %dma_start3A_1290 = arith.constant 0 : i32
      %dma_start3A_1291 = tpu.memref_slice %arg6[%dma_start3A_1287, %dma_start3A_1289, %dma_start3A_1290] : memref<10x64x128xf32, #tpu.memory_space<vmem>> -> memref<1x64x128xf32, #tpu.memory_space<vmem>>
      %dma_start3A_1292 = tpu.memref_squeeze %dma_start3A_1291 : memref<1x64x128xf32, #tpu.memory_space<vmem>> -> memref<64x128xf32, #tpu.memory_space<vmem>>
      %dma_start3A_1293 = arith.constant 0 : i32
      %dma_start3A_1294 = tpu.memref_slice %arg4[%multiple_of3A_1286, %dma_start3A_1293] : memref<204800x128xf32, #tpu.memory_space<hbm>> -> memref<64x128xf32, #tpu.memory_space<hbm>>
      %dma_start3A_1295 = tpu.memref_slice %arg8[%dma_start3A_1288] : memref<10x!tpu.dma_semaphore, #tpu.memory_space<semaphore_mem>> -> memref<1x!tpu.dma_semaphore, #tpu.memory_space<semaphore_mem>>
      %dma_start3A_1296 = tpu.memref_squeeze %dma_start3A_1295 : memref<1x!tpu.dma_semaphore, #tpu.memory_space<semaphore_mem>> -> memref<!tpu.dma_semaphore, #tpu.memory_space<semaphore_mem>>
      %dma_start3A_1297 = arith.constant 0 : i32
      %dma_start3A_1298 = tpu.memref_slice %arg4[%multiple_of3A_1286, %dma_start3A_1297] : memref<204800x128xf32, #tpu.memory_space<hbm>> -> memref<64x128xf32, #tpu.memory_space<hbm>>
      %dma_start3A_1299 = arith.constant 0 : i32
      %dma_start3A_1300 = arith.constant 0 : i32
      %dma_start3A_1301 = tpu.memref_slice %arg6[%dma_start3A_1287, %dma_start3A_1299, %dma_start3A_1300] : memref<10x64x128xf32, #tpu.memory_space<vmem>> -> memref<1x64x128xf32, #tpu.memory_space<vmem>>
      %dma_start3A_1302 = tpu.memref_squeeze %dma_start3A_1301 : memref<1x64x128xf32, #tpu.memory_space<vmem>> -> memref<64x128xf32, #tpu.memory_space<vmem>>
      tpu.enqueue_dma source(%dma_start3A_1302 : memref<64x128xf32, #tpu.memory_space<vmem>>) target(%dma_start3A_1298 : memref<64x128xf32, #tpu.memory_space<hbm>>) target_semaphore(%dma_start3A_1296 : memref<!tpu.dma_semaphore, #tpu.memory_space<semaphore_mem>>)
      %dma_wait3A_1303 = arith.constant 8 : i32
      %dma_wait3A_1304 = arith.constant 8 : i32
      %dma_wait3A_1305 = arith.constant 0 : i32
      %dma_wait3A_1306 = arith.constant 0 : i32
      %dma_wait3A_1307 = tpu.memref_slice %arg6[%dma_wait3A_1303, %dma_wait3A_1305, %dma_wait3A_1306] : memref<10x64x128xf32, #tpu.memory_space<vmem>> -> memref<1x64x128xf32, #tpu.memory_space<vmem>>
      %dma_wait3A_1308 = tpu.memref_squeeze %dma_wait3A_1307 : memref<1x64x128xf32, #tpu.memory_space<vmem>> -> memref<64x128xf32, #tpu.memory_space<vmem>>
      %dma_wait3A_1309 = tpu.memref_slice %arg5[%mul3A_980] : memref<6400xi32, #tpu.memory_space<vmem>> -> memref<64xi32, #tpu.memory_space<vmem>>
      %dma_wait3A_1310 = arith.constant 0 : i32
      %dma_wait3A_1311 = arith.constant 0 : i32
      %dma_wait3A_1312 = tpu.memref_slice %arg2[%dma_wait3A_1310, %dma_wait3A_1311] : memref<25600x128xf32, #tpu.memory_space<hbm>> -> memref<25600x128xf32, #tpu.memory_space<hbm>>
      %dma_wait3A_1313 = tpu.memref_slice %arg7[%dma_wait3A_1304] : memref<10x!tpu.dma_semaphore, #tpu.memory_space<semaphore_mem>> -> memref<1x!tpu.dma_semaphore, #tpu.memory_space<semaphore_mem>>
      %dma_wait3A_1314 = tpu.memref_squeeze %dma_wait3A_1313 : memref<1x!tpu.dma_semaphore, #tpu.memory_space<semaphore_mem>> -> memref<!tpu.dma_semaphore, #tpu.memory_space<semaphore_mem>>
      tpu.wait_indirect_dma semaphore(%dma_wait3A_1314 : memref<!tpu.dma_semaphore, #tpu.memory_space<semaphore_mem>>) src(%dma_wait3A_1312 : memref<25600x128xf32, #tpu.memory_space<hbm>>) dst(%dma_wait3A_1308 : memref<64x128xf32, #tpu.memory_space<vmem>>)
      %add3A_1315 = arith.constant 8 : i32
      %add3A_1316 = arith.addi %mul3A_650, %add3A_1315 : i32
      %mul3A_1317 = arith.constant 64 : i32
      %mul3A_1318 = arith.muli %add3A_1316, %mul3A_1317 : i32
      %add3A_1319 = arith.addi %mul3A_2, %mul3A_1318 : i32
      %multiple_of3A_1320 = tpu.assume_multiple %add3A_1319, 8 : i32
      %dma_start3A_1321 = arith.constant 8 : i32
      %dma_start3A_1322 = arith.constant 8 : i32
      %dma_start3A_1323 = arith.constant 0 : i32
      %dma_start3A_1324 = arith.constant 0 : i32
      %dma_start3A_1325 = tpu.memref_slice %arg6[%dma_start3A_1321, %dma_start3A_1323, %dma_start3A_1324] : memref<10x64x128xf32, #tpu.memory_space<vmem>> -> memref<1x64x128xf32, #tpu.memory_space<vmem>>
      %dma_start3A_1326 = tpu.memref_squeeze %dma_start3A_1325 : memref<1x64x128xf32, #tpu.memory_space<vmem>> -> memref<64x128xf32, #tpu.memory_space<vmem>>
      %dma_start3A_1327 = arith.constant 0 : i32
      %dma_start3A_1328 = tpu.memref_slice %arg4[%multiple_of3A_1320, %dma_start3A_1327] : memref<204800x128xf32, #tpu.memory_space<hbm>> -> memref<64x128xf32, #tpu.memory_space<hbm>>
      %dma_start3A_1329 = tpu.memref_slice %arg8[%dma_start3A_1322] : memref<10x!tpu.dma_semaphore, #tpu.memory_space<semaphore_mem>> -> memref<1x!tpu.dma_semaphore, #tpu.memory_space<semaphore_mem>>
      %dma_start3A_1330 = tpu.memref_squeeze %dma_start3A_1329 : memref<1x!tpu.dma_semaphore, #tpu.memory_space<semaphore_mem>> -> memref<!tpu.dma_semaphore, #tpu.memory_space<semaphore_mem>>
      %dma_start3A_1331 = arith.constant 0 : i32
      %dma_start3A_1332 = tpu.memref_slice %arg4[%multiple_of3A_1320, %dma_start3A_1331] : memref<204800x128xf32, #tpu.memory_space<hbm>> -> memref<64x128xf32, #tpu.memory_space<hbm>>
      %dma_start3A_1333 = arith.constant 0 : i32
      %dma_start3A_1334 = arith.constant 0 : i32
      %dma_start3A_1335 = tpu.memref_slice %arg6[%dma_start3A_1321, %dma_start3A_1333, %dma_start3A_1334] : memref<10x64x128xf32, #tpu.memory_space<vmem>> -> memref<1x64x128xf32, #tpu.memory_space<vmem>>
      %dma_start3A_1336 = tpu.memref_squeeze %dma_start3A_1335 : memref<1x64x128xf32, #tpu.memory_space<vmem>> -> memref<64x128xf32, #tpu.memory_space<vmem>>
      tpu.enqueue_dma source(%dma_start3A_1336 : memref<64x128xf32, #tpu.memory_space<vmem>>) target(%dma_start3A_1332 : memref<64x128xf32, #tpu.memory_space<hbm>>) target_semaphore(%dma_start3A_1330 : memref<!tpu.dma_semaphore, #tpu.memory_space<semaphore_mem>>)
      %dma_wait3A_1337 = arith.constant 9 : i32
      %dma_wait3A_1338 = arith.constant 9 : i32
      %dma_wait3A_1339 = arith.constant 0 : i32
      %dma_wait3A_1340 = arith.constant 0 : i32
      %dma_wait3A_1341 = tpu.memref_slice %arg6[%dma_wait3A_1337, %dma_wait3A_1339, %dma_wait3A_1340] : memref<10x64x128xf32, #tpu.memory_space<vmem>> -> memref<1x64x128xf32, #tpu.memory_space<vmem>>
      %dma_wait3A_1342 = tpu.memref_squeeze %dma_wait3A_1341 : memref<1x64x128xf32, #tpu.memory_space<vmem>> -> memref<64x128xf32, #tpu.memory_space<vmem>>
      %dma_wait3A_1343 = tpu.memref_slice %arg5[%mul3A_1018] : memref<6400xi32, #tpu.memory_space<vmem>> -> memref<64xi32, #tpu.memory_space<vmem>>
      %dma_wait3A_1344 = arith.constant 0 : i32
      %dma_wait3A_1345 = arith.constant 0 : i32
      %dma_wait3A_1346 = tpu.memref_slice %arg2[%dma_wait3A_1344, %dma_wait3A_1345] : memref<25600x128xf32, #tpu.memory_space<hbm>> -> memref<25600x128xf32, #tpu.memory_space<hbm>>
      %dma_wait3A_1347 = tpu.memref_slice %arg7[%dma_wait3A_1338] : memref<10x!tpu.dma_semaphore, #tpu.memory_space<semaphore_mem>> -> memref<1x!tpu.dma_semaphore, #tpu.memory_space<semaphore_mem>>
      %dma_wait3A_1348 = tpu.memref_squeeze %dma_wait3A_1347 : memref<1x!tpu.dma_semaphore, #tpu.memory_space<semaphore_mem>> -> memref<!tpu.dma_semaphore, #tpu.memory_space<semaphore_mem>>
      tpu.wait_indirect_dma semaphore(%dma_wait3A_1348 : memref<!tpu.dma_semaphore, #tpu.memory_space<semaphore_mem>>) src(%dma_wait3A_1346 : memref<25600x128xf32, #tpu.memory_space<hbm>>) dst(%dma_wait3A_1342 : memref<64x128xf32, #tpu.memory_space<vmem>>)
      %add3A_1349 = arith.constant 9 : i32
      %add3A_1350 = arith.addi %mul3A_650, %add3A_1349 : i32
      %mul3A_1351 = arith.constant 64 : i32
      %mul3A_1352 = arith.muli %add3A_1350, %mul3A_1351 : i32
      %add3A_1353 = arith.addi %mul3A_2, %mul3A_1352 : i32
      %multiple_of3A_1354 = tpu.assume_multiple %add3A_1353, 8 : i32
      %dma_start3A_1355 = arith.constant 9 : i32
      %dma_start3A_1356 = arith.constant 9 : i32
      %dma_start3A_1357 = arith.constant 0 : i32
      %dma_start3A_1358 = arith.constant 0 : i32
      %dma_start3A_1359 = tpu.memref_slice %arg6[%dma_start3A_1355, %dma_start3A_1357, %dma_start3A_1358] : memref<10x64x128xf32, #tpu.memory_space<vmem>> -> memref<1x64x128xf32, #tpu.memory_space<vmem>>
      %dma_start3A_1360 = tpu.memref_squeeze %dma_start3A_1359 : memref<1x64x128xf32, #tpu.memory_space<vmem>> -> memref<64x128xf32, #tpu.memory_space<vmem>>
      %dma_start3A_1361 = arith.constant 0 : i32
      %dma_start3A_1362 = tpu.memref_slice %arg4[%multiple_of3A_1354, %dma_start3A_1361] : memref<204800x128xf32, #tpu.memory_space<hbm>> -> memref<64x128xf32, #tpu.memory_space<hbm>>
      %dma_start3A_1363 = tpu.memref_slice %arg8[%dma_start3A_1356] : memref<10x!tpu.dma_semaphore, #tpu.memory_space<semaphore_mem>> -> memref<1x!tpu.dma_semaphore, #tpu.memory_space<semaphore_mem>>
      %dma_start3A_1364 = tpu.memref_squeeze %dma_start3A_1363 : memref<1x!tpu.dma_semaphore, #tpu.memory_space<semaphore_mem>> -> memref<!tpu.dma_semaphore, #tpu.memory_space<semaphore_mem>>
      %dma_start3A_1365 = arith.constant 0 : i32
      %dma_start3A_1366 = tpu.memref_slice %arg4[%multiple_of3A_1354, %dma_start3A_1365] : memref<204800x128xf32, #tpu.memory_space<hbm>> -> memref<64x128xf32, #tpu.memory_space<hbm>>
      %dma_start3A_1367 = arith.constant 0 : i32
      %dma_start3A_1368 = arith.constant 0 : i32
      %dma_start3A_1369 = tpu.memref_slice %arg6[%dma_start3A_1355, %dma_start3A_1367, %dma_start3A_1368] : memref<10x64x128xf32, #tpu.memory_space<vmem>> -> memref<1x64x128xf32, #tpu.memory_space<vmem>>
      %dma_start3A_1370 = tpu.memref_squeeze %dma_start3A_1369 : memref<1x64x128xf32, #tpu.memory_space<vmem>> -> memref<64x128xf32, #tpu.memory_space<vmem>>
      tpu.enqueue_dma source(%dma_start3A_1370 : memref<64x128xf32, #tpu.memory_space<vmem>>) target(%dma_start3A_1366 : memref<64x128xf32, #tpu.memory_space<hbm>>) target_semaphore(%dma_start3A_1364 : memref<!tpu.dma_semaphore, #tpu.memory_space<semaphore_mem>>)
    }
    %scan3A_453 = arith.constant 9 : i32
    %add3A_454 = arith.constant 5760 : i32
    %add3A_455 = arith.addi %mul3A_2, %add3A_454 : i32
    %multiple_of3A_456 = tpu.assume_multiple %add3A_455, 8 : i32
    %dma_wait3A_457 = arith.constant 0 : i32
    %dma_wait3A_458 = arith.constant 0 : i32
    %dma_wait3A_459 = arith.constant 0 : i32
    %dma_wait3A_460 = arith.constant 0 : i32
    %dma_wait3A_461 = tpu.memref_slice %arg6[%dma_wait3A_457, %dma_wait3A_459, %dma_wait3A_460] : memref<10x64x128xf32, #tpu.memory_space<vmem>> -> memref<1x64x128xf32, #tpu.memory_space<vmem>>
    %dma_wait3A_462 = tpu.memref_squeeze %dma_wait3A_461 : memref<1x64x128xf32, #tpu.memory_space<vmem>> -> memref<64x128xf32, #tpu.memory_space<vmem>>
    %dma_wait3A_463 = arith.constant 0 : i32
    %dma_wait3A_464 = tpu.memref_slice %arg4[%multiple_of3A_456, %dma_wait3A_463] : memref<204800x128xf32, #tpu.memory_space<hbm>> -> memref<64x128xf32, #tpu.memory_space<hbm>>
    %dma_wait3A_465 = tpu.memref_slice %arg8[%dma_wait3A_458] : memref<10x!tpu.dma_semaphore, #tpu.memory_space<semaphore_mem>> -> memref<1x!tpu.dma_semaphore, #tpu.memory_space<semaphore_mem>>
    %dma_wait3A_466 = tpu.memref_squeeze %dma_wait3A_465 : memref<1x!tpu.dma_semaphore, #tpu.memory_space<semaphore_mem>> -> memref<!tpu.dma_semaphore, #tpu.memory_space<semaphore_mem>>
    %dma_wait3A_467 = arith.constant 0 : i32
    %dma_wait3A_468 = tpu.memref_slice %arg4[%multiple_of3A_456, %dma_wait3A_467] : memref<204800x128xf32, #tpu.memory_space<hbm>> -> memref<64x128xf32, #tpu.memory_space<hbm>>
    %dma_wait3A_469 = arith.constant 0 : i32
    %dma_wait3A_470 = arith.constant 0 : i32
    %dma_wait3A_471 = tpu.memref_slice %arg6[%dma_wait3A_457, %dma_wait3A_469, %dma_wait3A_470] : memref<10x64x128xf32, #tpu.memory_space<vmem>> -> memref<1x64x128xf32, #tpu.memory_space<vmem>>
    %dma_wait3A_472 = tpu.memref_squeeze %dma_wait3A_471 : memref<1x64x128xf32, #tpu.memory_space<vmem>> -> memref<64x128xf32, #tpu.memory_space<vmem>>
    tpu.wait_dma2 semaphore(%dma_wait3A_466 : memref<!tpu.dma_semaphore, #tpu.memory_space<semaphore_mem>>) src(%dma_wait3A_472 : memref<64x128xf32, #tpu.memory_space<vmem>>) dst(%dma_wait3A_468 : memref<64x128xf32, #tpu.memory_space<hbm>>)
    %add3A_473 = arith.constant 5824 : i32
    %add3A_474 = arith.addi %mul3A_2, %add3A_473 : i32
    %multiple_of3A_475 = tpu.assume_multiple %add3A_474, 8 : i32
    %dma_wait3A_476 = arith.constant 1 : i32
    %dma_wait3A_477 = arith.constant 1 : i32
    %dma_wait3A_478 = arith.constant 0 : i32
    %dma_wait3A_479 = arith.constant 0 : i32
    %dma_wait3A_480 = tpu.memref_slice %arg6[%dma_wait3A_476, %dma_wait3A_478, %dma_wait3A_479] : memref<10x64x128xf32, #tpu.memory_space<vmem>> -> memref<1x64x128xf32, #tpu.memory_space<vmem>>
    %dma_wait3A_481 = tpu.memref_squeeze %dma_wait3A_480 : memref<1x64x128xf32, #tpu.memory_space<vmem>> -> memref<64x128xf32, #tpu.memory_space<vmem>>
    %dma_wait3A_482 = arith.constant 0 : i32
    %dma_wait3A_483 = tpu.memref_slice %arg4[%multiple_of3A_475, %dma_wait3A_482] : memref<204800x128xf32, #tpu.memory_space<hbm>> -> memref<64x128xf32, #tpu.memory_space<hbm>>
    %dma_wait3A_484 = tpu.memref_slice %arg8[%dma_wait3A_477] : memref<10x!tpu.dma_semaphore, #tpu.memory_space<semaphore_mem>> -> memref<1x!tpu.dma_semaphore, #tpu.memory_space<semaphore_mem>>
    %dma_wait3A_485 = tpu.memref_squeeze %dma_wait3A_484 : memref<1x!tpu.dma_semaphore, #tpu.memory_space<semaphore_mem>> -> memref<!tpu.dma_semaphore, #tpu.memory_space<semaphore_mem>>
    %dma_wait3A_486 = arith.constant 0 : i32
    %dma_wait3A_487 = tpu.memref_slice %arg4[%multiple_of3A_475, %dma_wait3A_486] : memref<204800x128xf32, #tpu.memory_space<hbm>> -> memref<64x128xf32, #tpu.memory_space<hbm>>
    %dma_wait3A_488 = arith.constant 0 : i32
    %dma_wait3A_489 = arith.constant 0 : i32
    %dma_wait3A_490 = tpu.memref_slice %arg6[%dma_wait3A_476, %dma_wait3A_488, %dma_wait3A_489] : memref<10x64x128xf32, #tpu.memory_space<vmem>> -> memref<1x64x128xf32, #tpu.memory_space<vmem>>
    %dma_wait3A_491 = tpu.memref_squeeze %dma_wait3A_490 : memref<1x64x128xf32, #tpu.memory_space<vmem>> -> memref<64x128xf32, #tpu.memory_space<vmem>>
    tpu.wait_dma2 semaphore(%dma_wait3A_485 : memref<!tpu.dma_semaphore, #tpu.memory_space<semaphore_mem>>) src(%dma_wait3A_491 : memref<64x128xf32, #tpu.memory_space<vmem>>) dst(%dma_wait3A_487 : memref<64x128xf32, #tpu.memory_space<hbm>>)
    %add3A_492 = arith.constant 5888 : i32
    %add3A_493 = arith.addi %mul3A_2, %add3A_492 : i32
    %multiple_of3A_494 = tpu.assume_multiple %add3A_493, 8 : i32
    %dma_wait3A_495 = arith.constant 2 : i32
    %dma_wait3A_496 = arith.constant 2 : i32
    %dma_wait3A_497 = arith.constant 0 : i32
    %dma_wait3A_498 = arith.constant 0 : i32
    %dma_wait3A_499 = tpu.memref_slice %arg6[%dma_wait3A_495, %dma_wait3A_497, %dma_wait3A_498] : memref<10x64x128xf32, #tpu.memory_space<vmem>> -> memref<1x64x128xf32, #tpu.memory_space<vmem>>
    %dma_wait3A_500 = tpu.memref_squeeze %dma_wait3A_499 : memref<1x64x128xf32, #tpu.memory_space<vmem>> -> memref<64x128xf32, #tpu.memory_space<vmem>>
    %dma_wait3A_501 = arith.constant 0 : i32
    %dma_wait3A_502 = tpu.memref_slice %arg4[%multiple_of3A_494, %dma_wait3A_501] : memref<204800x128xf32, #tpu.memory_space<hbm>> -> memref<64x128xf32, #tpu.memory_space<hbm>>
    %dma_wait3A_503 = tpu.memref_slice %arg8[%dma_wait3A_496] : memref<10x!tpu.dma_semaphore, #tpu.memory_space<semaphore_mem>> -> memref<1x!tpu.dma_semaphore, #tpu.memory_space<semaphore_mem>>
    %dma_wait3A_504 = tpu.memref_squeeze %dma_wait3A_503 : memref<1x!tpu.dma_semaphore, #tpu.memory_space<semaphore_mem>> -> memref<!tpu.dma_semaphore, #tpu.memory_space<semaphore_mem>>
    %dma_wait3A_505 = arith.constant 0 : i32
    %dma_wait3A_506 = tpu.memref_slice %arg4[%multiple_of3A_494, %dma_wait3A_505] : memref<204800x128xf32, #tpu.memory_space<hbm>> -> memref<64x128xf32, #tpu.memory_space<hbm>>
    %dma_wait3A_507 = arith.constant 0 : i32
    %dma_wait3A_508 = arith.constant 0 : i32
    %dma_wait3A_509 = tpu.memref_slice %arg6[%dma_wait3A_495, %dma_wait3A_507, %dma_wait3A_508] : memref<10x64x128xf32, #tpu.memory_space<vmem>> -> memref<1x64x128xf32, #tpu.memory_space<vmem>>
    %dma_wait3A_510 = tpu.memref_squeeze %dma_wait3A_509 : memref<1x64x128xf32, #tpu.memory_space<vmem>> -> memref<64x128xf32, #tpu.memory_space<vmem>>
    tpu.wait_dma2 semaphore(%dma_wait3A_504 : memref<!tpu.dma_semaphore, #tpu.memory_space<semaphore_mem>>) src(%dma_wait3A_510 : memref<64x128xf32, #tpu.memory_space<vmem>>) dst(%dma_wait3A_506 : memref<64x128xf32, #tpu.memory_space<hbm>>)
    %add3A_511 = arith.constant 5952 : i32
    %add3A_512 = arith.addi %mul3A_2, %add3A_511 : i32
    %multiple_of3A_513 = tpu.assume_multiple %add3A_512, 8 : i32
    %dma_wait3A_514 = arith.constant 3 : i32
    %dma_wait3A_515 = arith.constant 3 : i32
    %dma_wait3A_516 = arith.constant 0 : i32
    %dma_wait3A_517 = arith.constant 0 : i32
    %dma_wait3A_518 = tpu.memref_slice %arg6[%dma_wait3A_514, %dma_wait3A_516, %dma_wait3A_517] : memref<10x64x128xf32, #tpu.memory_space<vmem>> -> memref<1x64x128xf32, #tpu.memory_space<vmem>>
    %dma_wait3A_519 = tpu.memref_squeeze %dma_wait3A_518 : memref<1x64x128xf32, #tpu.memory_space<vmem>> -> memref<64x128xf32, #tpu.memory_space<vmem>>
    %dma_wait3A_520 = arith.constant 0 : i32
    %dma_wait3A_521 = tpu.memref_slice %arg4[%multiple_of3A_513, %dma_wait3A_520] : memref<204800x128xf32, #tpu.memory_space<hbm>> -> memref<64x128xf32, #tpu.memory_space<hbm>>
    %dma_wait3A_522 = tpu.memref_slice %arg8[%dma_wait3A_515] : memref<10x!tpu.dma_semaphore, #tpu.memory_space<semaphore_mem>> -> memref<1x!tpu.dma_semaphore, #tpu.memory_space<semaphore_mem>>
    %dma_wait3A_523 = tpu.memref_squeeze %dma_wait3A_522 : memref<1x!tpu.dma_semaphore, #tpu.memory_space<semaphore_mem>> -> memref<!tpu.dma_semaphore, #tpu.memory_space<semaphore_mem>>
    %dma_wait3A_524 = arith.constant 0 : i32
    %dma_wait3A_525 = tpu.memref_slice %arg4[%multiple_of3A_513, %dma_wait3A_524] : memref<204800x128xf32, #tpu.memory_space<hbm>> -> memref<64x128xf32, #tpu.memory_space<hbm>>
    %dma_wait3A_526 = arith.constant 0 : i32
    %dma_wait3A_527 = arith.constant 0 : i32
    %dma_wait3A_528 = tpu.memref_slice %arg6[%dma_wait3A_514, %dma_wait3A_526, %dma_wait3A_527] : memref<10x64x128xf32, #tpu.memory_space<vmem>> -> memref<1x64x128xf32, #tpu.memory_space<vmem>>
    %dma_wait3A_529 = tpu.memref_squeeze %dma_wait3A_528 : memref<1x64x128xf32, #tpu.memory_space<vmem>> -> memref<64x128xf32, #tpu.memory_space<vmem>>
    tpu.wait_dma2 semaphore(%dma_wait3A_523 : memref<!tpu.dma_semaphore, #tpu.memory_space<semaphore_mem>>) src(%dma_wait3A_529 : memref<64x128xf32, #tpu.memory_space<vmem>>) dst(%dma_wait3A_525 : memref<64x128xf32, #tpu.memory_space<hbm>>)
    %add3A_530 = arith.constant 6016 : i32
    %add3A_531 = arith.addi %mul3A_2, %add3A_530 : i32
    %multiple_of3A_532 = tpu.assume_multiple %add3A_531, 8 : i32
    %dma_wait3A_533 = arith.constant 4 : i32
    %dma_wait3A_534 = arith.constant 4 : i32
    %dma_wait3A_535 = arith.constant 0 : i32
    %dma_wait3A_536 = arith.constant 0 : i32
    %dma_wait3A_537 = tpu.memref_slice %arg6[%dma_wait3A_533, %dma_wait3A_535, %dma_wait3A_536] : memref<10x64x128xf32, #tpu.memory_space<vmem>> -> memref<1x64x128xf32, #tpu.memory_space<vmem>>
    %dma_wait3A_538 = tpu.memref_squeeze %dma_wait3A_537 : memref<1x64x128xf32, #tpu.memory_space<vmem>> -> memref<64x128xf32, #tpu.memory_space<vmem>>
    %dma_wait3A_539 = arith.constant 0 : i32
    %dma_wait3A_540 = tpu.memref_slice %arg4[%multiple_of3A_532, %dma_wait3A_539] : memref<204800x128xf32, #tpu.memory_space<hbm>> -> memref<64x128xf32, #tpu.memory_space<hbm>>
    %dma_wait3A_541 = tpu.memref_slice %arg8[%dma_wait3A_534] : memref<10x!tpu.dma_semaphore, #tpu.memory_space<semaphore_mem>> -> memref<1x!tpu.dma_semaphore, #tpu.memory_space<semaphore_mem>>
    %dma_wait3A_542 = tpu.memref_squeeze %dma_wait3A_541 : memref<1x!tpu.dma_semaphore, #tpu.memory_space<semaphore_mem>> -> memref<!tpu.dma_semaphore, #tpu.memory_space<semaphore_mem>>
    %dma_wait3A_543 = arith.constant 0 : i32
    %dma_wait3A_544 = tpu.memref_slice %arg4[%multiple_of3A_532, %dma_wait3A_543] : memref<204800x128xf32, #tpu.memory_space<hbm>> -> memref<64x128xf32, #tpu.memory_space<hbm>>
    %dma_wait3A_545 = arith.constant 0 : i32
    %dma_wait3A_546 = arith.constant 0 : i32
    %dma_wait3A_547 = tpu.memref_slice %arg6[%dma_wait3A_533, %dma_wait3A_545, %dma_wait3A_546] : memref<10x64x128xf32, #tpu.memory_space<vmem>> -> memref<1x64x128xf32, #tpu.memory_space<vmem>>
    %dma_wait3A_548 = tpu.memref_squeeze %dma_wait3A_547 : memref<1x64x128xf32, #tpu.memory_space<vmem>> -> memref<64x128xf32, #tpu.memory_space<vmem>>
    tpu.wait_dma2 semaphore(%dma_wait3A_542 : memref<!tpu.dma_semaphore, #tpu.memory_space<semaphore_mem>>) src(%dma_wait3A_548 : memref<64x128xf32, #tpu.memory_space<vmem>>) dst(%dma_wait3A_544 : memref<64x128xf32, #tpu.memory_space<hbm>>)
    %add3A_549 = arith.constant 6080 : i32
    %add3A_550 = arith.addi %mul3A_2, %add3A_549 : i32
    %multiple_of3A_551 = tpu.assume_multiple %add3A_550, 8 : i32
    %dma_wait3A_552 = arith.constant 5 : i32
    %dma_wait3A_553 = arith.constant 5 : i32
    %dma_wait3A_554 = arith.constant 0 : i32
    %dma_wait3A_555 = arith.constant 0 : i32
    %dma_wait3A_556 = tpu.memref_slice %arg6[%dma_wait3A_552, %dma_wait3A_554, %dma_wait3A_555] : memref<10x64x128xf32, #tpu.memory_space<vmem>> -> memref<1x64x128xf32, #tpu.memory_space<vmem>>
    %dma_wait3A_557 = tpu.memref_squeeze %dma_wait3A_556 : memref<1x64x128xf32, #tpu.memory_space<vmem>> -> memref<64x128xf32, #tpu.memory_space<vmem>>
    %dma_wait3A_558 = arith.constant 0 : i32
    %dma_wait3A_559 = tpu.memref_slice %arg4[%multiple_of3A_551, %dma_wait3A_558] : memref<204800x128xf32, #tpu.memory_space<hbm>> -> memref<64x128xf32, #tpu.memory_space<hbm>>
    %dma_wait3A_560 = tpu.memref_slice %arg8[%dma_wait3A_553] : memref<10x!tpu.dma_semaphore, #tpu.memory_space<semaphore_mem>> -> memref<1x!tpu.dma_semaphore, #tpu.memory_space<semaphore_mem>>
    %dma_wait3A_561 = tpu.memref_squeeze %dma_wait3A_560 : memref<1x!tpu.dma_semaphore, #tpu.memory_space<semaphore_mem>> -> memref<!tpu.dma_semaphore, #tpu.memory_space<semaphore_mem>>
    %dma_wait3A_562 = arith.constant 0 : i32
    %dma_wait3A_563 = tpu.memref_slice %arg4[%multiple_of3A_551, %dma_wait3A_562] : memref<204800x128xf32, #tpu.memory_space<hbm>> -> memref<64x128xf32, #tpu.memory_space<hbm>>
    %dma_wait3A_564 = arith.constant 0 : i32
    %dma_wait3A_565 = arith.constant 0 : i32
    %dma_wait3A_566 = tpu.memref_slice %arg6[%dma_wait3A_552, %dma_wait3A_564, %dma_wait3A_565] : memref<10x64x128xf32, #tpu.memory_space<vmem>> -> memref<1x64x128xf32, #tpu.memory_space<vmem>>
    %dma_wait3A_567 = tpu.memref_squeeze %dma_wait3A_566 : memref<1x64x128xf32, #tpu.memory_space<vmem>> -> memref<64x128xf32, #tpu.memory_space<vmem>>
    tpu.wait_dma2 semaphore(%dma_wait3A_561 : memref<!tpu.dma_semaphore, #tpu.memory_space<semaphore_mem>>) src(%dma_wait3A_567 : memref<64x128xf32, #tpu.memory_space<vmem>>) dst(%dma_wait3A_563 : memref<64x128xf32, #tpu.memory_space<hbm>>)
    %add3A_568 = arith.constant 6144 : i32
    %add3A_569 = arith.addi %mul3A_2, %add3A_568 : i32
    %multiple_of3A_570 = tpu.assume_multiple %add3A_569, 8 : i32
    %dma_wait3A_571 = arith.constant 6 : i32
    %dma_wait3A_572 = arith.constant 6 : i32
    %dma_wait3A_573 = arith.constant 0 : i32
    %dma_wait3A_574 = arith.constant 0 : i32
    %dma_wait3A_575 = tpu.memref_slice %arg6[%dma_wait3A_571, %dma_wait3A_573, %dma_wait3A_574] : memref<10x64x128xf32, #tpu.memory_space<vmem>> -> memref<1x64x128xf32, #tpu.memory_space<vmem>>
    %dma_wait3A_576 = tpu.memref_squeeze %dma_wait3A_575 : memref<1x64x128xf32, #tpu.memory_space<vmem>> -> memref<64x128xf32, #tpu.memory_space<vmem>>
    %dma_wait3A_577 = arith.constant 0 : i32
    %dma_wait3A_578 = tpu.memref_slice %arg4[%multiple_of3A_570, %dma_wait3A_577] : memref<204800x128xf32, #tpu.memory_space<hbm>> -> memref<64x128xf32, #tpu.memory_space<hbm>>
    %dma_wait3A_579 = tpu.memref_slice %arg8[%dma_wait3A_572] : memref<10x!tpu.dma_semaphore, #tpu.memory_space<semaphore_mem>> -> memref<1x!tpu.dma_semaphore, #tpu.memory_space<semaphore_mem>>
    %dma_wait3A_580 = tpu.memref_squeeze %dma_wait3A_579 : memref<1x!tpu.dma_semaphore, #tpu.memory_space<semaphore_mem>> -> memref<!tpu.dma_semaphore, #tpu.memory_space<semaphore_mem>>
    %dma_wait3A_581 = arith.constant 0 : i32
    %dma_wait3A_582 = tpu.memref_slice %arg4[%multiple_of3A_570, %dma_wait3A_581] : memref<204800x128xf32, #tpu.memory_space<hbm>> -> memref<64x128xf32, #tpu.memory_space<hbm>>
    %dma_wait3A_583 = arith.constant 0 : i32
    %dma_wait3A_584 = arith.constant 0 : i32
    %dma_wait3A_585 = tpu.memref_slice %arg6[%dma_wait3A_571, %dma_wait3A_583, %dma_wait3A_584] : memref<10x64x128xf32, #tpu.memory_space<vmem>> -> memref<1x64x128xf32, #tpu.memory_space<vmem>>
    %dma_wait3A_586 = tpu.memref_squeeze %dma_wait3A_585 : memref<1x64x128xf32, #tpu.memory_space<vmem>> -> memref<64x128xf32, #tpu.memory_space<vmem>>
    tpu.wait_dma2 semaphore(%dma_wait3A_580 : memref<!tpu.dma_semaphore, #tpu.memory_space<semaphore_mem>>) src(%dma_wait3A_586 : memref<64x128xf32, #tpu.memory_space<vmem>>) dst(%dma_wait3A_582 : memref<64x128xf32, #tpu.memory_space<hbm>>)
    %add3A_587 = arith.constant 6208 : i32
    %add3A_588 = arith.addi %mul3A_2, %add3A_587 : i32
    %multiple_of3A_589 = tpu.assume_multiple %add3A_588, 8 : i32
    %dma_wait3A_590 = arith.constant 7 : i32
    %dma_wait3A_591 = arith.constant 7 : i32
    %dma_wait3A_592 = arith.constant 0 : i32
    %dma_wait3A_593 = arith.constant 0 : i32
    %dma_wait3A_594 = tpu.memref_slice %arg6[%dma_wait3A_590, %dma_wait3A_592, %dma_wait3A_593] : memref<10x64x128xf32, #tpu.memory_space<vmem>> -> memref<1x64x128xf32, #tpu.memory_space<vmem>>
    %dma_wait3A_595 = tpu.memref_squeeze %dma_wait3A_594 : memref<1x64x128xf32, #tpu.memory_space<vmem>> -> memref<64x128xf32, #tpu.memory_space<vmem>>
    %dma_wait3A_596 = arith.constant 0 : i32
    %dma_wait3A_597 = tpu.memref_slice %arg4[%multiple_of3A_589, %dma_wait3A_596] : memref<204800x128xf32, #tpu.memory_space<hbm>> -> memref<64x128xf32, #tpu.memory_space<hbm>>
    %dma_wait3A_598 = tpu.memref_slice %arg8[%dma_wait3A_591] : memref<10x!tpu.dma_semaphore, #tpu.memory_space<semaphore_mem>> -> memref<1x!tpu.dma_semaphore, #tpu.memory_space<semaphore_mem>>
    %dma_wait3A_599 = tpu.memref_squeeze %dma_wait3A_598 : memref<1x!tpu.dma_semaphore, #tpu.memory_space<semaphore_mem>> -> memref<!tpu.dma_semaphore, #tpu.memory_space<semaphore_mem>>
    %dma_wait3A_600 = arith.constant 0 : i32
    %dma_wait3A_601 = tpu.memref_slice %arg4[%multiple_of3A_589, %dma_wait3A_600] : memref<204800x128xf32, #tpu.memory_space<hbm>> -> memref<64x128xf32, #tpu.memory_space<hbm>>
    %dma_wait3A_602 = arith.constant 0 : i32
    %dma_wait3A_603 = arith.constant 0 : i32
    %dma_wait3A_604 = tpu.memref_slice %arg6[%dma_wait3A_590, %dma_wait3A_602, %dma_wait3A_603] : memref<10x64x128xf32, #tpu.memory_space<vmem>> -> memref<1x64x128xf32, #tpu.memory_space<vmem>>
    %dma_wait3A_605 = tpu.memref_squeeze %dma_wait3A_604 : memref<1x64x128xf32, #tpu.memory_space<vmem>> -> memref<64x128xf32, #tpu.memory_space<vmem>>
    tpu.wait_dma2 semaphore(%dma_wait3A_599 : memref<!tpu.dma_semaphore, #tpu.memory_space<semaphore_mem>>) src(%dma_wait3A_605 : memref<64x128xf32, #tpu.memory_space<vmem>>) dst(%dma_wait3A_601 : memref<64x128xf32, #tpu.memory_space<hbm>>)
    %add3A_606 = arith.constant 6272 : i32
    %add3A_607 = arith.addi %mul3A_2, %add3A_606 : i32
    %multiple_of3A_608 = tpu.assume_multiple %add3A_607, 8 : i32
    %dma_wait3A_609 = arith.constant 8 : i32
    %dma_wait3A_610 = arith.constant 8 : i32
    %dma_wait3A_611 = arith.constant 0 : i32
    %dma_wait3A_612 = arith.constant 0 : i32
    %dma_wait3A_613 = tpu.memref_slice %arg6[%dma_wait3A_609, %dma_wait3A_611, %dma_wait3A_612] : memref<10x64x128xf32, #tpu.memory_space<vmem>> -> memref<1x64x128xf32, #tpu.memory_space<vmem>>
    %dma_wait3A_614 = tpu.memref_squeeze %dma_wait3A_613 : memref<1x64x128xf32, #tpu.memory_space<vmem>> -> memref<64x128xf32, #tpu.memory_space<vmem>>
    %dma_wait3A_615 = arith.constant 0 : i32
    %dma_wait3A_616 = tpu.memref_slice %arg4[%multiple_of3A_608, %dma_wait3A_615] : memref<204800x128xf32, #tpu.memory_space<hbm>> -> memref<64x128xf32, #tpu.memory_space<hbm>>
    %dma_wait3A_617 = tpu.memref_slice %arg8[%dma_wait3A_610] : memref<10x!tpu.dma_semaphore, #tpu.memory_space<semaphore_mem>> -> memref<1x!tpu.dma_semaphore, #tpu.memory_space<semaphore_mem>>
    %dma_wait3A_618 = tpu.memref_squeeze %dma_wait3A_617 : memref<1x!tpu.dma_semaphore, #tpu.memory_space<semaphore_mem>> -> memref<!tpu.dma_semaphore, #tpu.memory_space<semaphore_mem>>
    %dma_wait3A_619 = arith.constant 0 : i32
    %dma_wait3A_620 = tpu.memref_slice %arg4[%multiple_of3A_608, %dma_wait3A_619] : memref<204800x128xf32, #tpu.memory_space<hbm>> -> memref<64x128xf32, #tpu.memory_space<hbm>>
    %dma_wait3A_621 = arith.constant 0 : i32
    %dma_wait3A_622 = arith.constant 0 : i32
    %dma_wait3A_623 = tpu.memref_slice %arg6[%dma_wait3A_609, %dma_wait3A_621, %dma_wait3A_622] : memref<10x64x128xf32, #tpu.memory_space<vmem>> -> memref<1x64x128xf32, #tpu.memory_space<vmem>>
    %dma_wait3A_624 = tpu.memref_squeeze %dma_wait3A_623 : memref<1x64x128xf32, #tpu.memory_space<vmem>> -> memref<64x128xf32, #tpu.memory_space<vmem>>
    tpu.wait_dma2 semaphore(%dma_wait3A_618 : memref<!tpu.dma_semaphore, #tpu.memory_space<semaphore_mem>>) src(%dma_wait3A_624 : memref<64x128xf32, #tpu.memory_space<vmem>>) dst(%dma_wait3A_620 : memref<64x128xf32, #tpu.memory_space<hbm>>)
    %add3A_625 = arith.constant 6336 : i32
    %add3A_626 = arith.addi %mul3A_2, %add3A_625 : i32
    %multiple_of3A_627 = tpu.assume_multiple %add3A_626, 8 : i32
    %dma_wait3A_628 = arith.constant 9 : i32
    %dma_wait3A_629 = arith.constant 9 : i32
    %dma_wait3A_630 = arith.constant 0 : i32
    %dma_wait3A_631 = arith.constant 0 : i32
    %dma_wait3A_632 = tpu.memref_slice %arg6[%dma_wait3A_628, %dma_wait3A_630, %dma_wait3A_631] : memref<10x64x128xf32, #tpu.memory_space<vmem>> -> memref<1x64x128xf32, #tpu.memory_space<vmem>>
    %dma_wait3A_633 = tpu.memref_squeeze %dma_wait3A_632 : memref<1x64x128xf32, #tpu.memory_space<vmem>> -> memref<64x128xf32, #tpu.memory_space<vmem>>
    %dma_wait3A_634 = arith.constant 0 : i32
    %dma_wait3A_635 = tpu.memref_slice %arg4[%multiple_of3A_627, %dma_wait3A_634] : memref<204800x128xf32, #tpu.memory_space<hbm>> -> memref<64x128xf32, #tpu.memory_space<hbm>>
    %dma_wait3A_636 = tpu.memref_slice %arg8[%dma_wait3A_629] : memref<10x!tpu.dma_semaphore, #tpu.memory_space<semaphore_mem>> -> memref<1x!tpu.dma_semaphore, #tpu.memory_space<semaphore_mem>>
    %dma_wait3A_637 = tpu.memref_squeeze %dma_wait3A_636 : memref<1x!tpu.dma_semaphore, #tpu.memory_space<semaphore_mem>> -> memref<!tpu.dma_semaphore, #tpu.memory_space<semaphore_mem>>
    %dma_wait3A_638 = arith.constant 0 : i32
    %dma_wait3A_639 = tpu.memref_slice %arg4[%multiple_of3A_627, %dma_wait3A_638] : memref<204800x128xf32, #tpu.memory_space<hbm>> -> memref<64x128xf32, #tpu.memory_space<hbm>>
    %dma_wait3A_640 = arith.constant 0 : i32
    %dma_wait3A_641 = arith.constant 0 : i32
    %dma_wait3A_642 = tpu.memref_slice %arg6[%dma_wait3A_628, %dma_wait3A_640, %dma_wait3A_641] : memref<10x64x128xf32, #tpu.memory_space<vmem>> -> memref<1x64x128xf32, #tpu.memory_space<vmem>>
    %dma_wait3A_643 = tpu.memref_squeeze %dma_wait3A_642 : memref<1x64x128xf32, #tpu.memory_space<vmem>> -> memref<64x128xf32, #tpu.memory_space<vmem>>
    tpu.wait_dma2 semaphore(%dma_wait3A_637 : memref<!tpu.dma_semaphore, #tpu.memory_space<semaphore_mem>>) src(%dma_wait3A_643 : memref<64x128xf32, #tpu.memory_space<vmem>>) dst(%dma_wait3A_639 : memref<64x128xf32, #tpu.memory_space<hbm>>)
    return
  }
}

module attributes {stable_mosaic.version = 14 : i64} {
  func.func @_fuse_body(%arg0: memref<128x128xf32, #tpu.memory_space<vmem>>, %arg1: memref<200x128xf32, #tpu.memory_space<vmem>>, %arg2: memref<32x6400xi32, #tpu.memory_space<vmem>>, %arg3: memref<200x128x128xf32, #tpu.memory_space<vmem>>, %arg4: memref<32x6400xi32, #tpu.memory_space<vmem>>) attributes {dimension_semantics = [], scalar_prefetch = 0 : i64, scratch_operands = 0 : i64, tpu.core_type = #tpu.core_type<tc>} {
    %get3A = arith.constant 0 : index
    %get3A_0 = arith.constant 0 : index
    %get3A_1 = vector.load %arg1[%get3A, %get3A_0] : memref<200x128xf32, #tpu.memory_space<vmem>>, vector<200x128xf32>
    %broadcast_in_dim3A = vector.shape_cast %get3A_1 : vector<200x128xf32> to vector<200x1x128xf32>
    %get3A_2 = arith.constant 0 : index
    %get3A_3 = arith.constant 0 : index
    %get3A_4 = vector.load %arg0[%get3A_2, %get3A_3] : memref<128x128xf32, #tpu.memory_space<vmem>>, vector<128x128xf32>
    %broadcast_in_dim3A_5 = vector.shape_cast %get3A_4 : vector<128x128xf32> to vector<1x128x128xf32>
    %add3A = vector.broadcast %broadcast_in_dim3A : vector<200x1x128xf32> to vector<200x128x128xf32>
    %add3A_6 = vector.broadcast %broadcast_in_dim3A_5 : vector<1x128x128xf32> to vector<200x128x128xf32>
    %add3A_7 = arith.addf %add3A, %add3A_6 : vector<200x128x128xf32>
    %swap3A = arith.constant 0 : index
    %swap3A_8 = arith.constant 0 : index
    %swap3A_9 = arith.constant 0 : index
    %swap3A_10 = vector.load %arg3[%swap3A, %swap3A_8, %swap3A_9] : memref<200x128x128xf32, #tpu.memory_space<vmem>>, vector<200x128x128xf32>
    tpu.vector_store %arg3[%swap3A, %swap3A_8, %swap3A_9], %add3A_7 {strides = array<i32>} : memref<200x128x128xf32, #tpu.memory_space<vmem>>, vector<200x128x128xf32>,
    %iota3A = tpu.iota {dimensions = array<i32: 1>} : vector<32x6400xi32>
    %get3A_11 = arith.constant 0 : index
    %get3A_12 = arith.constant 0 : index
    %get3A_13 = vector.load %arg2[%get3A_11, %get3A_12] : memref<32x6400xi32, #tpu.memory_space<vmem>>, vector<32x6400xi32>
    %rem3A = arith.constant 200 : i32
    %rem3A_14 = vector.broadcast %rem3A : i32 to vector<32x6400xi32>
    %rem3A_15 = arith.remsi %iota3A, %rem3A_14 : vector<32x6400xi32>
    %mul3A = arith.constant 128 : i32
    %mul3A_16 = vector.broadcast %mul3A : i32 to vector<32x6400xi32>
    %mul3A_17 = arith.muli %rem3A_15, %mul3A_16 : vector<32x6400xi32>
    %add3A_18 = arith.addi %get3A_13, %mul3A_17 : vector<32x6400xi32>
    %swap3A_19 = arith.constant 0 : index
    %swap3A_20 = arith.constant 0 : index
    %swap3A_21 = vector.load %arg4[%swap3A_19, %swap3A_20] : memref<32x6400xi32, #tpu.memory_space<vmem>>, vector<32x6400xi32>
    tpu.vector_store %arg4[%swap3A_19, %swap3A_20], %add3A_18 {strides = array<i32>} : memref<32x6400xi32, #tpu.memory_space<vmem>>, vector<32x6400xi32>,
    return
  }
}

</mosaic_0001>

<sc_bundles>
// kernel: kernel.4.cloned.1.call-start
scs
__scs_entry_jumppad:
0x0: {  	(pc) =	sbr.rel $0x88, $3  }
0x1: {  	(tag) =	ssettag $0x0;
	lr =	simm.s32 $0x1  }
0x2: {  	[smem:$0x3F9F] =	sst lr;
	_ =	strace $0xD0000000  }
0x3: {  	_ = 	snop  }
0x4: {  	_ = 	snop  }
0x5: {  	_ = 	snop  }
0x6: {  	_ = 	snop  }
0x7: {  	_ = 	snop  }
__scs_overlays_trampoline_lowered:
0x8: {  	[smem:$0x3FAE] =	sst s0  }
0x9: {  	[smem:$0x3FAF] =	sst s1  }
0xa: {  	[smem:$0x3FB0] =	sst s2  }
0xb: {  	[smem:$0x3FB1] =	sst s3  }
0xc: {  	[smem:$0x3FB2] =	sst s4  }
0xd: {  	[smem:$0x3FB3] =	sst s5  }
0xe: {  	[smem:$0x3FB4] =	sst s6  }
0xf: {  	[smem:$0x3FB5] =	sst s7  }
0x10: {  	[smem:$0x3FB6] =	sst s8  }
0x11: {  	[smem:$0x3FB7] =	sst s9;
	s0 =	simm.s32 @!p0 $0x0  }
0x12: {  	s1 =	sld [smem:$0x3F9D];
	s0 =	simm.s32 @p0 $0x1  }
0x13: {  	[smem:$0x3FB8] =	sst s0;
	s0 =	simm.s32 @!p1 $0x0  }
0x14: {  	s2 =	sld [smem:$0x3F9C];
	s0 =	simm.s32 @p1 $0x1  }
0x15: {  	[smem:$0x3FB9] =	sst s0;
	s0 =	simm.s32 @!p2 $0x0  }
0x16: {  	s3 =	sld [smem:$0x3FDB];
	s0 =	simm.s32 @p2 $0x1  }
0x17: {  	s4 =	simm.s32 $0x1BF5;
	[smem:$0x3FBB] =	sst s0  }
0x18: {  	s0 =	sld [smem:$0x3F9E];
	_ =	swait.ge [sflag:s4], $0x0  }
0x19: {  	s7 =	sld [smem:$0x3F9F]  }
0x1a: {  	s8 =	sadd.s32 $0xFFFFE003, lr  }
0x1b: {  	s9 =	sadd.s32 $0xFFFFFEF7, lr;
	s5 =	simm.s32 $0xFFFFFFFF;
	p2 =	slt.u32 s8, $0xFFFFF086  }
0x1c: {  	p1 =	slt.u32 s9, $0xF7A;
	s5 =	simm.s32 @!p2 $0x0  }
0x1d: {  	s5 =	simm.s32 @p1 $0x1;
	p0 =	seq.s32 s7, s2  }
0x1e: {  	s7 =	smul.u32 @!p0 $0xF7A, s2;
	p2 =	seq.s32 @!p0 s5, $0x0  }
0x1f: {  	s9 =	smul.u32 $0xF7A, s1;
	s8 =	simm.s32 @!p0 $0x1BF5;
	p2 =	por !p2, p0  }
0x20: {  	[sflag:s8] =	ssyncset.s32 @!p0 $0xFFFFF086;
	s6 =	sadd.s32 @!p0 s3, s7;
	s7 =	simm.s32 @!p0 $0x108  }
0x21: {  	s3 =	sadd.s32 s3, s9;
	s6 =	sadd.s32 @!p0 $0x88, s6;
	s7 =	simm.s32 @p2 $0x1082  }
0x22: {  	[simem:s7], [sflag:s8] =	dma.local @!p0 [hbm:s6], $0xF7A  }
0x23: {  	s9 =	sor.u32 $0xD0000000, s2;
	s6 =	simm.s32 $0x108;
	_ =	swait.ge @!p0 [sflag:s8], $0x0  }
0x24: {  	s3 =	sadd.s32 $0x88, s3;
	s6 =	simm.s32 @!p1 $0x1082;
	[sflag:s4] =	ssyncset.s32 $0xFFFFF086  }
0x25: {  	[simem:s6], [sflag:s4] =	dma.local [hbm:s3], $0xF7A  }
0x26: {  	[smem:$0x3F9F] =	sst s1;
	(tag) =	ssettag s2;
	_ =	strace s9  }
0x27: {  	s1 =	sld [smem:$0x3FAF]  }
0x28: {  	s2 =	sld [smem:$0x3FB0]  }
0x29: {  	s4 =	sld [smem:$0x3FB2]  }
0x2a: {  	p0 =	seq.s32 s5, $0x0;
	s5 =	sld [smem:$0x3FB3]  }
0x2b: {  	s6 =	sld [smem:$0x3FB4]  }
0x2c: {  	s7 =	sld [smem:$0x3FB5]  }
0x2d: {  	s3 =	simm.s32 $0x108;
	s8 =	sld [smem:$0x3FB6]  }
0x2e: {  	s3 =	simm.s32 @!p0 $0x1082;
	s9 =	sld [smem:$0x3FB7]  }
0x2f: {  	lr =	sadd.s32 s0, s3;
	s0 =	sld [smem:$0x3FAE]  }
0x30: {  	s3 =	sld [smem:$0x3FB1]  }
0x31: {  	[smem:$0x3FBA] =	sst s10  }
0x32: {  	s10 =	sld [smem:$0x3FB8];
	_ =	sdelay $0x3  }
0x33: {  	p0 =	seq.s32 s10, $0x1;
	s10 =	sld [smem:$0x3FBA];
	_ =	sdelay $0x3  }
0x34: {  	[smem:$0x3FBA] =	sst s10  }
0x35: {  	s10 =	sld [smem:$0x3FB9];
	_ =	sdelay $0x3  }
0x36: {  	p1 =	seq.s32 s10, $0x1;
	s10 =	sld [smem:$0x3FBA];
	_ =	sdelay $0x3  }
0x37: {  	[smem:$0x3FBA] =	sst s10  }
0x38: {  	s10 =	sld [smem:$0x3FBB]  }
0x39: {  	_ = 	snop;
	(pc) =	sbr.ind lr, $3  }
0x3a: {  	_ = 	snop  }
0x3b: {  	_ = 	snop  }
0x3c: {  	p2 =	seq.s32 s10, $0x1;
	s10 =	sld [smem:$0x3FBA]  }
0x3d: {  	_ =	shalt  }
0x3e: {  	_ =	shalt  }
0x3f: {  	_ =	shalt  }
0x40: {  	_ =	shalt  }
0x41: {  	_ =	shalt  }
0x42: {  	_ =	shalt  }
0x43: {  	_ =	shalt  }
0x44: {  	_ =	shalt  }
0x45: {  	_ =	shalt  }
0x46: {  	_ =	shalt  }
0x47: {  	_ =	shalt  }
0x48: {  	_ =	shalt  }
0x49: {  	_ =	shalt  }
0x4a: {  	_ =	shalt  }
0x4b: {  	_ =	shalt  }
0x4c: {  	_ =	shalt  }
0x4d: {  	_ =	shalt  }
0x4e: {  	_ =	shalt  }
0x4f: {  	_ =	shalt  }
0x50: {  	_ =	shalt  }
0x51: {  	_ =	shalt  }
0x52: {  	_ =	shalt  }
0x53: {  	_ =	shalt  }
0x54: {  	_ =	shalt  }
0x55: {  	_ =	shalt  }
0x56: {  	_ =	shalt  }
0x57: {  	_ =	shalt  }
0x58: {  	_ =	shalt  }
0x59: {  	_ =	shalt  }
0x5a: {  	_ =	shalt  }
0x5b: {  	_ =	shalt  }
0x5c: {  	_ =	shalt  }
0x5d: {  	_ =	shalt  }
0x5e: {  	_ =	shalt  }
0x5f: {  	_ =	shalt  }
0x60: {  	_ =	shalt  }
0x61: {  	_ =	shalt  }
0x62: {  	_ =	shalt  }
0x63: {  	_ =	shalt  }
0x64: {  	_ =	shalt  }
0x65: {  	_ =	shalt  }
0x66: {  	_ =	shalt  }
0x67: {  	_ =	shalt  }
0x68: {  	_ =	shalt  }
0x69: {  	_ =	shalt  }
0x6a: {  	_ =	shalt  }
0x6b: {  	_ =	shalt  }
0x6c: {  	_ =	shalt  }
0x6d: {  	_ =	shalt  }
0x6e: {  	_ =	shalt  }
0x6f: {  	_ =	shalt  }
0x70: {  	_ =	shalt  }
0x71: {  	_ =	shalt  }
0x72: {  	_ =	shalt  }
0x73: {  	_ =	shalt  }
0x74: {  	_ =	shalt  }
0x75: {  	_ =	shalt  }
0x76: {  	_ =	shalt  }
0x77: {  	_ =	shalt  }
0x78: {  	_ =	shalt  }
0x79: {  	_ =	shalt  }
0x7a: {  	_ =	shalt  }
0x7b: {  	_ =	shalt  }
0x7c: {  	_ =	shalt  }
0x7d: {  	_ =	shalt  }
0x7e: {  	_ =	shalt  }
0x7f: {  	_ =	shalt  }
0x80: {  	_ =	shalt  }
0x81: {  	_ =	shalt  }
0x82: {  	_ =	shalt  }
0x83: {  	_ =	shalt  }
0x84: {  	_ =	shalt  }
0x85: {  	_ =	shalt  }
0x86: {  	_ =	shalt  }
0x87: {  	_ =	shalt  }
.Lfunc_end0:
.L_simem_size_0:
called_computation_lowered:
.L_overlay_start_0:
0x88: {  	s2 =	sld [smem:$0x3FD9]  }
0x89: {  	s3 =	sld [smem:$0x3FFE];
	_ =	sdelay $0x1  }
0x8a: {  	s1 =	srdreg.scid  }
0x8b: {  	s0 =	sand.u32 $0x1, s1  }
0x8c: {  	s17 =	sshll.u32 s0, $0xA;
	s2 =	sadd.s32 s3, s2  }
0x8d: {  	s2 =	sadd.s32 s2, s17  }
0x8e: {  	[smem:$0x3FC6] =	sst s2  }
0x8f: {  	_ = 	snop  }
0x90: {  	s2 =	sld [smem:$0x3FD0];
	(tm) =	ssettm $0x1  }
0x91: {  	s18 =	sld [smem:$0x3FFB];
	_ =	sdelay $0x3  }
0x92: {  	_ =	strace s18  }
0x93: {  	s3 =	sld [smem:$0x3FFC];
	_ =	sdelay $0x3  }
0x94: {  	_ =	strace s3  }
0x95: {  	s3 =	sld [smem:$0x3FFD];
	_ =	sdelay $0x3  }
0x96: {  	_ =	strace s3  }
0x97: {  	_ =	strace $0x8FFFFFFF  }
0x98: {  	s19 =	sld [smem:$0x3FDB];
	_ =	sdelay $0x1  }
0x99: {  	s4 =	simm.s32 $_scs_section_size  }
0x9a: {  	s5 =	simm.s32 $_size__tile_overlayer_lowered;
	s6 =	simm.s32 $_tile_overlayer_lowered  }
0x9b: {  	s22 =	simm.s32 $0x1BFF;
	s21 =	sshll.u32 s6, $0x1;
	s3 =	sadd.s32 s4, s19  }
0x9c: {  	s7 =	simm.s32 $0x0;
	s20 =	sshll.u32 s5, $0x1;
	s5 =	sadd.s32 s21, s3  }
0x9d: {  	[timem:s7], [sflag:s22] =	dma.local [hbm:s5], s20  }
0x9e: {  	_ =	swait.ge [sflag:s22], s20  }
0x9f: {  	s4 =	ssub.s32 $0x0, s20;
	[sflag:s22] =	ssyncset.done $0x0  }
0xa0: {  	[sflag:s22] =	ssyncadd.s32 s4;
	_ =	sdelay $0x1  }
0xa1: {  	s23 =	simm.s32 $0x1B8B  }
0xa2: {  	_ =	swait.ge [sflag:s23], $0x1  }
0xa3: {  	[sflag:s23] =	ssyncset.done $0x0  }
0xa4: {  	s25 =	simm.s32 $0x1B8E;
	s24 =	sld [smem:$0x3FFE];
	[sflag:s23] =	ssyncadd.s32 $0xFFFFFFFF  }
0xa5: {  	s26 =	simm.s32 $execute0_lowered;
	[smem:$0x3FD2] =	sst s25  }
0xa6: {  	s5 =	sshll.u32 s26, $0x1;
	_ =	strace $0x80000046;
	[dreg:$0x1] =	wrdreg $0xFFFFFFFF  }
0xa7: {  	s28 =	simm.s32 $_size_execute0_lowered;
	s3 =	sadd.s32 s3, s5;
	[dreg:$0x0] =	wrdreg $0x0  }
0xa8: {  	s5 =	sshll.u32 s28, $0x1;
	[dreg:$0x2] =	wrdreg s3  }
0xa9: {  	[dreg:$0x3] =	wrdreg s5  }
0xaa: {  	[dreg:$0x4] =	wrdreg $0xC0  }
0xab: {  	_ =	task [dreg:s7], $0x5FFFF  }
0xac: {  	[dreg:$0x1] =	wrdreg $0xFFFFFFFF  }
0xad: {  	[dreg:$0x0] =	wrdreg $0x60  }
0xae: {  	[dreg:$0x2] =	wrdreg s24  }
0xaf: {  	[dreg:$0x3] =	wrdreg s2  }
0xb0: {  	[dreg:$0x4] =	wrdreg $0x9  }
0xb1: {  	_ =	task.clear_ibuf [dreg:s7], $0x5FFFF;
	_ =	strace $0x90000046  }
0xb2: {  	s29 =	simm.s32 $0x9;
	_ =	strace $0x80000048  }
0xb3: {  	_ =	swait.ge [sflag:s29], $0x1  }
0xb4: {  	[sflag:s29] =	ssyncadd.s32 $0xFFFFFFFF  }
0xb5: {  	_ =	strace $0x90000048  }
0xb6: {  	_ =	sfence  }
0xb7: {  	s30 =	sld [smem:$0x0];
	_ =	sdelay $0x2  }
0xb8: {  	s31 =	sshll.u32 s1, $0xD;
	s1 =	sshrl.u32 s1, $0x2  }
0xb9: {  	s3 =	sand.u32 $0x4000, s31;
	s1 =	sadd.s32 s1, s30  }
0xba: {  	s0 =	sor.u32 s3, s0;
	s1 =	sshll.u32 s1, $0x11  }
0xbb: {  	s0 =	sor.u32 s1, s0  }
0xbc: {  	s0 =	sadd.s32 $0x8F2B, s0  }
0xbd: {  	[sflag:s0] =	ssyncadd.remote.s32 $0x1  }
0xbe: {  	_ =	sfence.sel $0xFFFF  }
0xbf: {  	[dreg:$0x0] =	wrdreg $0xFFFFFFFF;
	(pc) =	sbr.abs _section_cstart, $3  }
0xc0: {  	[dreg:$0x1] =	wrdreg $0xFFFFFFFF  }
0xc1: {  	_ =	task.clear_ibuf [dreg:s7], $0x2FFFF;
	_ =	strace $0x9FFFFFFF  }
0xc2: {  	(tm) =	ssettm $0x7FFFFFFF  }
0xc3: {  	_ =	shalt  }
tec
execute0_lowered:
.L_overlay_start_1:
0x0: {  	(tag) =	ssettag $0x1  }
0x1: {  	s0 =	rddreg [dreg:$0x0]  }
0x2: {  	s1 =	rddreg [dreg:$0x1]  }
0x3: {  	s2 =	srdreg.scid;
	s10 =	stileid.u32;
	s28 =	simm.s32 $0x5900  }
0x4: {  	s29 =	simm.s32 $0xB900;
	s11 =	simm.s32 $0x3;
	s12 =	simm.s32 $0x5  }
0x5: {  	s31 =	simm.s32 $0x5900;
	s4 =	sand.u32 $0x1, s2;
	s3 =	sshll.u32 s10, $0x1  }
0x6: {  	s2 =	simm.s32 $0x0;
	s13 =	sshrl.u32 s10, $0x2;
	s20 =	smul.u32 $0x32000, s10  }
0x7: {  	s10 =	simm.s32 $0x2;
	s5 =	sor.u32 s4, s3;
	[smem:$0x7FF] =	sst s2  }
0x8: {  	s6 =	smul.u32 $0xC800, s13;
	s3 =	sadd.s32 $0x600, s0;
	s14 =	ssub.s32 $0x2, s4  }
0x9: {  	s4 =	smul.u32 $0x19000, s4;
	s13 =	simm.s32 $0x6;
	s7 =	sshll.u32 s5, $0x7  }
0xa: {  	_ =	strace $0x80000047;
	s8 =	smul.u32 $0x19000, s5;
	s9 =	sshrl.u32 s14, $0x1  }
0xb: {  	s5 =	smul.u32 $0xC8000, s5;
	s7 =	sand.u32 $0x380, s7;
	s15 =	ssub.s32 s14, s9  }
0xc: {  	s9 =	simm.s32 $0x1;
	s14 =	simm.s32 $0x7;
	s6 =	sor.u32 s6, s7  }
0xd: {  	s16 =	sadd.s32 s1, s8;
	s18 =	sshrl.u32 s5, $0x3;
	s26 =	smax.u32 s15, $0x1  }
0xe: {  	s5 =	simm.s32 $0xD900;
	s15 =	simm.s32 $0x8;
	[dreg:$0x3] =	wrdreg s16  }
0xf: {  	s8 =	simm.s32 $0x0;
	s17 =	sadd.s32 $0x400, s16;
	[dreg:$0xe] =	wrdreg s26  }
0x10: {  	s6 =	sshrl.u32 s6, $0x3;
	s19 =	sadd.s32 $0x800, s16;
	[dreg:$0x5] =	wrdreg s17  }
0x11: {  	s7 =	sadd.s32 $0xC00, s16;
	s0 =	sadd.s32 s6, s0;
	[dreg:$0x6] =	wrdreg s19  }
0x12: {  	s26 =	simm.s32 $0x3900;
	[dreg:$0x7] =	wrdreg s7;
	s0 =	sadd.s32 $0x64600, s0  }
0x13: {  	s16 =	simm.s32 $0x12;
	[dreg:$0x4] =	wrdreg s0;
	s0 =	sadd.s32 s1, s18  }
0x14: {  	s6 =	simm.s32 $0xF900;
	s7 =	simm.s32 $0x11900;
	s21 =	sadd.s32 $0x1000, s0  }
0x15: {  	s17 =	simm.s32 $0x4;
	s22 =	sadd.s32 $0x1400, s0;
	[dreg:$0x8] =	wrdreg s21  }
0x16: {  	s19 =	simm.s32 $0xA;
	s23 =	sadd.s32 $0x1800, s0;
	[dreg:$0x9] =	wrdreg s22  }
0x17: {  	s1 =	sadd.s32 s20, s1;
	s24 =	sadd.s32 $0x1C00, s0;
	[dreg:$0xa] =	wrdreg s23  }
0x18: {  	s20 =	simm.s32 $0x40;
	s25 =	sadd.s32 $0x2000, s0;
	[dreg:$0xb] =	wrdreg s24  }
0x19: {  	s18 =	simm.s32 $0x1900;
	s0 =	sadd.s32 $0x2400, s0;
	[dreg:$0xc] =	wrdreg s25  }
0x1a: {  	s1 =	sadd.s32 s4, s1;
	s4 =	simm.s32 $0x9;
	[dreg:$0xd] =	wrdreg s0  }
0x1b: {  	s30 =	sadd.s32 $0x4C00, s1;
	s1 =	simm.s32 $0x7900;
	s24 =	simm.s32 $0x9900  }
0x1c: {  	s21 =	simm.s32 $0x13;
	s22 =	simm.s32 $0x14;
	[dreg:$0xf] =	wrdreg s30  }
.LBB2_1:
0x1d: {  	[dreg:$0x10] =	wrdreg s8  }
0x1e: {  	s0 =	rddreg [dreg:$0x4]  }
0x1f: {  	s23 =	simm.s32 $0x80;
	s25 =	simm.s32 $0x400;
	s30 =	simm.s32 $0x15  }
0x20: {  	[tilespmem:s2], [sflag:$0x15] =	stream.strided.gather [hbm4b:s0+s23], $0x1900, s25, s23, $0x38;
	[tilespmem:$0x15900] =	vst v63  }
0x21: {  	_ =	swait.ge [sflag:s30], $0x1900  }
0x22: {  	[sflag:s30] =	ssyncset.done $0x0  }
0x23: {  	[sflag:s30] =	ssyncadd.s32 $0xFFFFE700  }
0x24: {  	[tilespmem:s18], [sflag:$0x1] =	stream.indirect.gather [hbm4b:s3+s20], $0x80, s2, s20, $0xb8;
	[tilespmem:$0x15900] =	vst v63  }
0x25: {  	_ = 	snop  }
0x26: {  	[tilespmem:s26], [sflag:$0x2] =	stream.indirect.gather [hbm4b:s3+s20], $0x80, s20, s20, $0xb8;
	[tilespmem:$0x15900] =	vst v63  }
0x27: {  	_ = 	snop  }
0x28: {  	[tilespmem:s28], [sflag:$0x3] =	stream.indirect.gather [hbm4b:s3+s20], $0x80, s23, s20, $0xb8;
	[tilespmem:$0x15900] =	vst v63  }
0x29: {  	s8 =	simm.s32 $0xC0  }
0x2a: {  	[tilespmem:s1], [sflag:$0x4] =	stream.indirect.gather [hbm4b:s3+s20], $0x80, s8, s20, $0xb8;
	[tilespmem:$0x15900] =	vst v63  }
0x2b: {  	s23 =	simm.s32 $0x100  }
0x2c: {  	[tilespmem:s24], [sflag:$0x5] =	stream.indirect.gather [hbm4b:s3+s20], $0x80, s23, s20, $0xb8;
	[tilespmem:$0x15900] =	vst v63  }
0x2d: {  	s25 =	simm.s32 $0x140  }
0x2e: {  	[tilespmem:s29], [sflag:$0x6] =	stream.indirect.gather [hbm4b:s3+s20], $0x80, s25, s20, $0xb8;
	[tilespmem:$0x15900] =	vst v63  }
0x2f: {  	s30 =	simm.s32 $0x180  }
0x30: {  	[tilespmem:s5], [sflag:$0x7] =	stream.indirect.gather [hbm4b:s3+s20], $0x80, s30, s20, $0xb8;
	[tilespmem:$0x15900] =	vst v63  }
0x31: {  	s8 =	simm.s32 $0x1C0  }
0x32: {  	[tilespmem:s6], [sflag:$0x8] =	stream.indirect.gather [hbm4b:s3+s20], $0x80, s8, s20, $0xb8;
	[tilespmem:$0x15900] =	vst v63  }
0x33: {  	s23 =	simm.s32 $0x200  }
0x34: {  	[tilespmem:s7], [sflag:$0x9] =	stream.indirect.gather [hbm4b:s3+s20], $0x80, s23, s20, $0xb8;
	[tilespmem:$0x15900] =	vst v63  }
0x35: {  	s25 =	simm.s32 $0x240;
	s8 =	simm.s32 $0x13900  }
0x36: {  	[tilespmem:s8], [sflag:$0xA] =	stream.indirect.gather [hbm4b:s3+s20], $0x80, s25, s20, $0xb8;
	[tilespmem:$0x15900] =	vst v63  }
0x37: {  	_ =	swait.ge [sflag:s9], $0x2000  }
0x38: {  	[sflag:s9] =	ssyncset.done $0x0  }
0x39: {  	s30 =	rddreg [dreg:$0x3];
	[sflag:s9] =	ssyncadd.s32 $0xFFFFE000  }
0x3a: {  	[hbm4b:s30+s2] =	stream.linear.scatter [tilespmem:s18], [sflag:$0xB], $0x2000, $0x38;
	[tilespmem:$0x15900] =	vst v63  }
0x3b: {  	_ =	swait.ge [sflag:s10], $0x2000  }
0x3c: {  	[sflag:s10] =	ssyncset.done $0x0  }
0x3d: {  	s23 =	rddreg [dreg:$0x5];
	[sflag:s10] =	ssyncadd.s32 $0xFFFFE000  }
0x3e: {  	[hbm4b:s23+s2] =	stream.linear.scatter [tilespmem:s26], [sflag:$0xC], $0x2000, $0x38;
	[tilespmem:$0x15900] =	vst v63  }
0x3f: {  	_ =	swait.ge [sflag:s11], $0x2000  }
0x40: {  	[sflag:s11] =	ssyncset.done $0x0  }
0x41: {  	s25 =	rddreg [dreg:$0x6];
	[sflag:s11] =	ssyncadd.s32 $0xFFFFE000  }
0x42: {  	[hbm4b:s25+s2] =	stream.linear.scatter [tilespmem:s28], [sflag:$0xD], $0x2000, $0x38;
	[tilespmem:$0x15900] =	vst v63  }
0x43: {  	_ =	swait.ge [sflag:s17], $0x2000  }
0x44: {  	[sflag:s17] =	ssyncset.done $0x0  }
0x45: {  	s30 =	rddreg [dreg:$0x7];
	[sflag:s17] =	ssyncadd.s32 $0xFFFFE000  }
0x46: {  	[hbm4b:s30+s2] =	stream.linear.scatter [tilespmem:s1], [sflag:$0xE], $0x2000, $0x38;
	[tilespmem:$0x15900] =	vst v63  }
0x47: {  	_ =	swait.ge [sflag:s12], $0x2000  }
0x48: {  	[sflag:s12] =	ssyncset.done $0x0  }
0x49: {  	s23 =	rddreg [dreg:$0x8];
	[sflag:s12] =	ssyncadd.s32 $0xFFFFE000  }
0x4a: {  	[hbm4b:s23+s2] =	stream.linear.scatter [tilespmem:s24], [sflag:$0xF], $0x2000, $0x38;
	[tilespmem:$0x15900] =	vst v63  }
0x4b: {  	_ =	swait.ge [sflag:s13], $0x2000  }
0x4c: {  	[sflag:s13] =	ssyncset.done $0x0  }
0x4d: {  	s25 =	rddreg [dreg:$0x9];
	[sflag:s13] =	ssyncadd.s32 $0xFFFFE000  }
0x4e: {  	[hbm4b:s25+s2] =	stream.linear.scatter [tilespmem:s29], [sflag:$0x10], $0x2000, $0x38;
	[tilespmem:$0x15900] =	vst v63  }
0x4f: {  	_ =	swait.ge [sflag:s14], $0x2000  }
0x50: {  	[sflag:s14] =	ssyncset.done $0x0  }
0x51: {  	s30 =	rddreg [dreg:$0xa];
	[sflag:s14] =	ssyncadd.s32 $0xFFFFE000  }
0x52: {  	[hbm4b:s30+s2] =	stream.linear.scatter [tilespmem:s5], [sflag:$0x11], $0x2000, $0x38;
	[tilespmem:$0x15900] =	vst v63  }
0x53: {  	_ =	swait.ge [sflag:s15], $0x2000  }
0x54: {  	[sflag:s15] =	ssyncset.done $0x0  }
0x55: {  	s23 =	rddreg [dreg:$0xb];
	[sflag:s15] =	ssyncadd.s32 $0xFFFFE000  }
0x56: {  	[hbm4b:s23+s2] =	stream.linear.scatter [tilespmem:s6], [sflag:$0x12], $0x2000, $0x38;
	[tilespmem:$0x15900] =	vst v63  }
0x57: {  	_ =	swait.ge [sflag:s4], $0x2000  }
0x58: {  	[sflag:s4] =	ssyncset.done $0x0  }
0x59: {  	s25 =	rddreg [dreg:$0xc];
	[sflag:s4] =	ssyncadd.s32 $0xFFFFE000  }
0x5a: {  	[hbm4b:s25+s2] =	stream.linear.scatter [tilespmem:s7], [sflag:$0x13], $0x2000, $0x38;
	[tilespmem:$0x15900] =	vst v63  }
0x5b: {  	_ =	swait.ge [sflag:s19], $0x2000  }
0x5c: {  	[sflag:s19] =	ssyncset.done $0x0  }
0x5d: {  	s23 =	simm.s32 $0xB;
	s30 =	rddreg [dreg:$0xd];
	[sflag:s19] =	ssyncadd.s32 $0xFFFFE000  }
0x5e: {  	[hbm4b:s30+s2] =	stream.linear.scatter [tilespmem:s8], [sflag:$0x14], $0x2000, $0x38;
	[tilespmem:$0x15900] =	vst v63  }
0x5f: {  	_ =	swait.ge [sflag:s23], $0x2000  }
0x60: {  	[sflag:s23] =	ssyncset.done $0x0  }
0x61: {  	s25 =	simm.s32 $0x280;
	s30 =	simm.s32 $0xC;
	[sflag:s23] =	ssyncadd.s32 $0xFFFFE000  }
0x62: {  	[tilespmem:s18], [sflag:$0x1] =	stream.indirect.gather [hbm4b:s3+s20], $0x80, s25, s20, $0xb8;
	[tilespmem:$0x15900] =	vst v63  }
0x63: {  	_ =	swait.ge [sflag:s30], $0x2000  }
0x64: {  	[sflag:s30] =	ssyncset.done $0x0  }
0x65: {  	s18 =	simm.s32 $0x2C0;
	s25 =	simm.s32 $0xD;
	[sflag:s30] =	ssyncadd.s32 $0xFFFFE000  }
0x66: {  	[tilespmem:s26], [sflag:$0x2] =	stream.indirect.gather [hbm4b:s3+s20], $0x80, s18, s20, $0xb8;
	[tilespmem:$0x15900] =	vst v63  }
0x67: {  	_ =	swait.ge [sflag:s25], $0x2000  }
0x68: {  	[sflag:s25] =	ssyncset.done $0x0  }
0x69: {  	s30 =	simm.s32 $0xE;
	s26 =	simm.s32 $0x300;
	[sflag:s25] =	ssyncadd.s32 $0xFFFFE000  }
0x6a: {  	[tilespmem:s28], [sflag:$0x3] =	stream.indirect.gather [hbm4b:s3+s20], $0x80, s26, s20, $0xb8;
	[tilespmem:$0x15900] =	vst v63  }
0x6b: {  	_ =	swait.ge [sflag:s30], $0x2000  }
0x6c: {  	[sflag:s30] =	ssyncset.done $0x0  }
0x6d: {  	s0 =	simm.s32 $0x340;
	[sflag:s30] =	ssyncadd.s32 $0xFFFFE000  }
0x6e: {  	[tilespmem:s1], [sflag:$0x4] =	stream.indirect.gather [hbm4b:s3+s20], $0x80, s0, s20, $0xb8;
	[tilespmem:$0x15900] =	vst v63  }
0x6f: {  	s1 =	simm.s32 $0xF  }
0x70: {  	_ =	swait.ge [sflag:s1], $0x2000  }
0x71: {  	[sflag:s1] =	ssyncset.done $0x0  }
0x72: {  	s18 =	simm.s32 $0x380;
	s25 =	simm.s32 $0x10;
	[sflag:s1] =	ssyncadd.s32 $0xFFFFE000  }
0x73: {  	[tilespmem:s24], [sflag:$0x5] =	stream.indirect.gather [hbm4b:s3+s20], $0x80, s18, s20, $0xb8;
	[tilespmem:$0x15900] =	vst v63  }
0x74: {  	_ =	swait.ge [sflag:s25], $0x2000  }
0x75: {  	[sflag:s25] =	ssyncset.done $0x0  }
0x76: {  	s26 =	simm.s32 $0x3C0;
	s30 =	simm.s32 $0x11;
	[sflag:s25] =	ssyncadd.s32 $0xFFFFE000  }
0x77: {  	[tilespmem:s29], [sflag:$0x6] =	stream.indirect.gather [hbm4b:s3+s20], $0x80, s26, s20, $0xb8;
	[tilespmem:$0x15900] =	vst v63  }
0x78: {  	_ =	swait.ge [sflag:s30], $0x2000  }
0x79: {  	[sflag:s30] =	ssyncset.done $0x0  }
0x7a: {  	s1 =	simm.s32 $0x400;
	[sflag:s30] =	ssyncadd.s32 $0xFFFFE000  }
0x7b: {  	[tilespmem:s5], [sflag:$0x7] =	stream.indirect.gather [hbm4b:s3+s20], $0x80, s1, s20, $0xb8;
	[tilespmem:$0x15900] =	vst v63  }
0x7c: {  	_ =	swait.ge [sflag:s16], $0x2000  }
0x7d: {  	[sflag:s16] =	ssyncset.done $0x0  }
0x7e: {  	s5 =	simm.s32 $0x440;
	[sflag:s16] =	ssyncadd.s32 $0xFFFFE000  }
0x7f: {  	[tilespmem:s6], [sflag:$0x8] =	stream.indirect.gather [hbm4b:s3+s20], $0x80, s5, s20, $0xb8;
	[tilespmem:$0x15900] =	vst v63  }
0x80: {  	_ =	swait.ge [sflag:s21], $0x2000  }
0x81: {  	[sflag:s21] =	ssyncset.done $0x0  }
0x82: {  	s6 =	simm.s32 $0x480;
	[sflag:s21] =	ssyncadd.s32 $0xFFFFE000  }
0x83: {  	[tilespmem:s7], [sflag:$0x9] =	stream.indirect.gather [hbm4b:s3+s20], $0x80, s6, s20, $0xb8;
	[tilespmem:$0x15900] =	vst v63  }
0x84: {  	_ =	swait.ge [sflag:s22], $0x2000  }
0x85: {  	[sflag:s22] =	ssyncset.done $0x0  }
0x86: {  	s7 =	simm.s32 $0x4C0;
	[sflag:s22] =	ssyncadd.s32 $0xFFFFE000  }
0x87: {  	[tilespmem:s8], [sflag:$0xA] =	stream.indirect.gather [hbm4b:s3+s20], $0x80, s7, s20, $0xb8;
	[tilespmem:$0x15900] =	vst v63  }
0x88: {  	_ =	swait.ge [sflag:s9], $0x2000  }
0x89: {  	[sflag:s9] =	ssyncset.done $0x0;
	s28 =	rddreg [dreg:$0xf]  }
0x8a: {  	s18 =	simm.s32 $0x1900;
	[sflag:s9] =	ssyncadd.s32 $0xFFFFE000;
	s8 =	sadd.s32 $0xFFFFDC00, s28  }
0x8b: {  	[hbm4b:s8+s2] =	stream.linear.scatter [tilespmem:s18], [sflag:$0xB], $0x2000, $0x38;
	[tilespmem:$0x15900] =	vst v63  }
0x8c: {  	_ =	swait.ge [sflag:s10], $0x2000  }
0x8d: {  	[sflag:s10] =	ssyncset.done $0x0  }
0x8e: {  	s26 =	simm.s32 $0x3900;
	s9 =	sadd.s32 $0xFFFFE000, s28;
	[sflag:s10] =	ssyncadd.s32 $0xFFFFE000  }
0x8f: {  	[hbm4b:s9+s2] =	stream.linear.scatter [tilespmem:s26], [sflag:$0xC], $0x2000, $0x38;
	[tilespmem:$0x15900] =	vst v63  }
0x90: {  	_ =	swait.ge [sflag:s11], $0x2000  }
0x91: {  	[sflag:s11] =	ssyncset.done $0x0  }
0x92: {  	s10 =	sadd.s32 $0xFFFFE400, s28;
	[sflag:s11] =	ssyncadd.s32 $0xFFFFE000  }
0x93: {  	[hbm4b:s10+s2] =	stream.linear.scatter [tilespmem:s31], [sflag:$0xD], $0x2000, $0x38;
	[tilespmem:$0x15900] =	vst v63  }
0x94: {  	_ =	swait.ge [sflag:s17], $0x2000  }
0x95: {  	[sflag:s17] =	ssyncset.done $0x0  }
0x96: {  	s1 =	simm.s32 $0x7900;
	s11 =	sadd.s32 $0xFFFFE800, s28;
	[sflag:s17] =	ssyncadd.s32 $0xFFFFE000  }
0x97: {  	[hbm4b:s11+s2] =	stream.linear.scatter [tilespmem:s1], [sflag:$0xE], $0x2000, $0x38;
	[tilespmem:$0x15900] =	vst v63  }
0x98: {  	_ =	swait.ge [sflag:s12], $0x2000  }
0x99: {  	[sflag:s12] =	ssyncset.done $0x0  }
0x9a: {  	s24 =	simm.s32 $0x9900;
	[sflag:s12] =	ssyncadd.s32 $0xFFFFE000;
	s12 =	sadd.s32 $0xFFFFEC00, s28  }
0x9b: {  	[hbm4b:s12+s2] =	stream.linear.scatter [tilespmem:s24], [sflag:$0xF], $0x2000, $0x38;
	[tilespmem:$0x15900] =	vst v63  }
0x9c: {  	_ =	swait.ge [sflag:s13], $0x2000  }
0x9d: {  	[sflag:s13] =	ssyncset.done $0x0  }
0x9e: {  	s29 =	simm.s32 $0xB900;
	[sflag:s13] =	ssyncadd.s32 $0xFFFFE000;
	s13 =	sadd.s32 $0xFFFFF000, s28  }
0x9f: {  	[hbm4b:s13+s2] =	stream.linear.scatter [tilespmem:s29], [sflag:$0x10], $0x2000, $0x38;
	[tilespmem:$0x15900] =	vst v63  }
0xa0: {  	_ =	swait.ge [sflag:s14], $0x2000  }
0xa1: {  	[sflag:s14] =	ssyncset.done $0x0  }
0xa2: {  	s5 =	simm.s32 $0xD900;
	s17 =	sadd.s32 $0xFFFFF400, s28;
	[sflag:s14] =	ssyncadd.s32 $0xFFFFE000  }
0xa3: {  	[hbm4b:s17+s2] =	stream.linear.scatter [tilespmem:s5], [sflag:$0x11], $0x2000, $0x38;
	[tilespmem:$0x15900] =	vst v63  }
0xa4: {  	_ =	swait.ge [sflag:s15], $0x2000  }
0xa5: {  	s23 =	simm.s32 $0xA00;
	s6 =	simm.s32 $0xF900;
	[sflag:s15] =	ssyncset.done $0x0  }
0xa6: {  	s7 =	simm.s32 $0x11900;
	s25 =	sadd.s32 $0xFFFFF800, s28;
	[sflag:s15] =	ssyncadd.s32 $0xFFFFE000  }
0xa7: {  	[hbm4b:s25+s2] =	stream.linear.scatter [tilespmem:s6], [sflag:$0x12], $0x2000, $0x38;
	[tilespmem:$0x15900] =	vst v63  }
0xa8: {  	s30 =	sadd.s32 $0xFFFFFC00, s28;
	s9 =	simm.s32 $0x1;
	_ =	swait.ge [sflag:s4], $0x2000  }
0xa9: {  	s10 =	simm.s32 $0x2;
	s11 =	simm.s32 $0x3;
	[sflag:s4] =	ssyncset.done $0x0  }
0xaa: {  	s12 =	simm.s32 $0x5;
	s13 =	simm.s32 $0x6;
	[sflag:s4] =	ssyncadd.s32 $0xFFFFE000  }
0xab: {  	[hbm4b:s30+s2] =	stream.linear.scatter [tilespmem:s7], [sflag:$0x13], $0x2000, $0x38;
	[tilespmem:$0x15900] =	vst v63  }
0xac: {  	s14 =	simm.s32 $0x7;
	s17 =	simm.s32 $0x4;
	_ =	swait.ge [sflag:s19], $0x2000  }
0xad: {  	s15 =	simm.s32 $0x8;
	s25 =	sadd.s32 $0x2800, s28;
	[sflag:s19] =	ssyncset.done $0x0  }
0xae: {  	s4 =	simm.s32 $0x9;
	[sflag:s19] =	ssyncadd.s32 $0xFFFFE000;
	s19 =	simm.s32 $0xA  }
.LBB2_2:
0xaf: {  	s8 =	simm.s32 $0x13900  }
0xb0: {  	[hbm4b:s28+s2] =	stream.linear.scatter [tilespmem:s8], [sflag:$0x14], $0x2000, $0x38;
	[tilespmem:$0x15900] =	vst v63  }
0xb1: {  	s30 =	smov.u32 s23;
	s0 =	simm.s32 $0xB;
	s28 =	smov.u32 s25  }
0xb2: {  	p0 =	sne.s32 s23, $0x5000;
	s23 =	sadd.s32 $0xA00, s23;
	_ =	swait.ge [sflag:s0], $0x2000  }
0xb3: {  	s30 =	sshra.s32 s30, $0x2;
	[sflag:s0] =	ssyncset.done $0x0  }
0xb4: {  	[sflag:s0] =	ssyncadd.s32 $0xFFFFE000;
	s0 =	sadd.s32 $0x280, s30  }
0xb5: {  	[tilespmem:s18], [sflag:$0x1] =	stream.indirect.gather [hbm4b:s3+s20], $0x80, s0, s20, $0xb8;
	[tilespmem:$0x15900] =	vst v63  }
0xb6: {  	s0 =	simm.s32 $0xC  }
0xb7: {  	_ =	swait.ge [sflag:s0], $0x2000  }
0xb8: {  	[sflag:s0] =	ssyncset.done $0x0  }
0xb9: {  	[sflag:s0] =	ssyncadd.s32 $0xFFFFE000;
	s0 =	sadd.s32 $0x2C0, s30  }
0xba: {  	[tilespmem:s26], [sflag:$0x2] =	stream.indirect.gather [hbm4b:s3+s20], $0x80, s0, s20, $0xb8;
	[tilespmem:$0x15900] =	vst v63  }
0xbb: {  	s0 =	simm.s32 $0xD  }
0xbc: {  	_ =	swait.ge [sflag:s0], $0x2000  }
0xbd: {  	[sflag:s0] =	ssyncset.done $0x0  }
0xbe: {  	[sflag:s0] =	ssyncadd.s32 $0xFFFFE000;
	s0 =	sadd.s32 $0x300, s30  }
0xbf: {  	[tilespmem:s31], [sflag:$0x3] =	stream.indirect.gather [hbm4b:s3+s20], $0x80, s0, s20, $0xb8;
	[tilespmem:$0x15900] =	vst v63  }
0xc0: {  	s0 =	simm.s32 $0xE  }
0xc1: {  	_ =	swait.ge [sflag:s0], $0x2000  }
0xc2: {  	[sflag:s0] =	ssyncset.done $0x0  }
0xc3: {  	[sflag:s0] =	ssyncadd.s32 $0xFFFFE000;
	s0 =	sadd.s32 $0x340, s30  }
0xc4: {  	[tilespmem:s1], [sflag:$0x4] =	stream.indirect.gather [hbm4b:s3+s20], $0x80, s0, s20, $0xb8;
	[tilespmem:$0x15900] =	vst v63  }
0xc5: {  	s0 =	simm.s32 $0xF  }
0xc6: {  	_ =	swait.ge [sflag:s0], $0x2000  }
0xc7: {  	[sflag:s0] =	ssyncset.done $0x0  }
0xc8: {  	[sflag:s0] =	ssyncadd.s32 $0xFFFFE000;
	s0 =	sadd.s32 $0x380, s30  }
0xc9: {  	[tilespmem:s24], [sflag:$0x5] =	stream.indirect.gather [hbm4b:s3+s20], $0x80, s0, s20, $0xb8;
	[tilespmem:$0x15900] =	vst v63  }
0xca: {  	s0 =	simm.s32 $0x10  }
0xcb: {  	_ =	swait.ge [sflag:s0], $0x2000  }
0xcc: {  	[sflag:s0] =	ssyncset.done $0x0  }
0xcd: {  	[sflag:s0] =	ssyncadd.s32 $0xFFFFE000;
	s0 =	sadd.s32 $0x3C0, s30  }
0xce: {  	[tilespmem:s29], [sflag:$0x6] =	stream.indirect.gather [hbm4b:s3+s20], $0x80, s0, s20, $0xb8;
	[tilespmem:$0x15900] =	vst v63  }
0xcf: {  	s0 =	simm.s32 $0x11  }
0xd0: {  	_ =	swait.ge [sflag:s0], $0x2000  }
0xd1: {  	[sflag:s0] =	ssyncset.done $0x0  }
0xd2: {  	[sflag:s0] =	ssyncadd.s32 $0xFFFFE000;
	s0 =	sadd.s32 $0x400, s30  }
0xd3: {  	[tilespmem:s5], [sflag:$0x7] =	stream.indirect.gather [hbm4b:s3+s20], $0x80, s0, s20, $0xb8;
	[tilespmem:$0x15900] =	vst v63  }
0xd4: {  	_ =	swait.ge [sflag:s16], $0x2000  }
0xd5: {  	[sflag:s16] =	ssyncset.done $0x0  }
0xd6: {  	s0 =	sadd.s32 $0x440, s30;
	[sflag:s16] =	ssyncadd.s32 $0xFFFFE000  }
0xd7: {  	[tilespmem:s6], [sflag:$0x8] =	stream.indirect.gather [hbm4b:s3+s20], $0x80, s0, s20, $0xb8;
	[tilespmem:$0x15900] =	vst v63  }
0xd8: {  	_ =	swait.ge [sflag:s21], $0x2000  }
0xd9: {  	[sflag:s21] =	ssyncset.done $0x0  }
0xda: {  	s0 =	sadd.s32 $0x480, s30;
	[sflag:s21] =	ssyncadd.s32 $0xFFFFE000  }
0xdb: {  	[tilespmem:s7], [sflag:$0x9] =	stream.indirect.gather [hbm4b:s3+s20], $0x80, s0, s20, $0xb8;
	[tilespmem:$0x15900] =	vst v63  }
0xdc: {  	_ =	swait.ge [sflag:s22], $0x2000  }
0xdd: {  	[sflag:s22] =	ssyncset.done $0x0  }
0xde: {  	s0 =	sadd.s32 $0x4C0, s30;
	s30 =	simm.s32 $0x13900;
	[sflag:s22] =	ssyncadd.s32 $0xFFFFE000  }
0xdf: {  	[tilespmem:s8], [sflag:$0xA] =	stream.indirect.gather [hbm4b:s3+s20], $0x80, s0, s20, $0xb8;
	[tilespmem:$0x15900] =	vst v63  }
0xe0: {  	_ =	swait.ge [sflag:s9], $0x2000  }
0xe1: {  	[sflag:s9] =	ssyncset.done $0x0  }
0xe2: {  	s0 =	sadd.s32 $0xFFFFDC00, s25;
	[sflag:s9] =	ssyncadd.s32 $0xFFFFE000  }
0xe3: {  	[hbm4b:s0+s2] =	stream.linear.scatter [tilespmem:s18], [sflag:$0xB], $0x2000, $0x38;
	[tilespmem:$0x15900] =	vst v63  }
0xe4: {  	_ =	swait.ge [sflag:s10], $0x2000  }
0xe5: {  	[sflag:s10] =	ssyncset.done $0x0  }
0xe6: {  	s0 =	sadd.s32 $0xFFFFE000, s25;
	[sflag:s10] =	ssyncadd.s32 $0xFFFFE000  }
0xe7: {  	[hbm4b:s0+s2] =	stream.linear.scatter [tilespmem:s26], [sflag:$0xC], $0x2000, $0x38;
	[tilespmem:$0x15900] =	vst v63  }
0xe8: {  	_ =	swait.ge [sflag:s11], $0x2000  }
0xe9: {  	[sflag:s11] =	ssyncset.done $0x0  }
0xea: {  	s0 =	sadd.s32 $0xFFFFE400, s25;
	[sflag:s11] =	ssyncadd.s32 $0xFFFFE000  }
0xeb: {  	[hbm4b:s0+s2] =	stream.linear.scatter [tilespmem:s31], [sflag:$0xD], $0x2000, $0x38;
	[tilespmem:$0x15900] =	vst v63  }
0xec: {  	_ =	swait.ge [sflag:s17], $0x2000  }
0xed: {  	[sflag:s17] =	ssyncset.done $0x0  }
0xee: {  	s0 =	sadd.s32 $0xFFFFE800, s25;
	[sflag:s17] =	ssyncadd.s32 $0xFFFFE000  }
0xef: {  	[hbm4b:s0+s2] =	stream.linear.scatter [tilespmem:s1], [sflag:$0xE], $0x2000, $0x38;
	[tilespmem:$0x15900] =	vst v63  }
0xf0: {  	_ =	swait.ge [sflag:s12], $0x2000  }
0xf1: {  	[sflag:s12] =	ssyncset.done $0x0  }
0xf2: {  	s0 =	sadd.s32 $0xFFFFEC00, s25;
	[sflag:s12] =	ssyncadd.s32 $0xFFFFE000  }
0xf3: {  	[hbm4b:s0+s2] =	stream.linear.scatter [tilespmem:s24], [sflag:$0xF], $0x2000, $0x38;
	[tilespmem:$0x15900] =	vst v63  }
0xf4: {  	_ =	swait.ge [sflag:s13], $0x2000  }
0xf5: {  	[sflag:s13] =	ssyncset.done $0x0  }
0xf6: {  	s0 =	sadd.s32 $0xFFFFF000, s25;
	[sflag:s13] =	ssyncadd.s32 $0xFFFFE000  }
0xf7: {  	[hbm4b:s0+s2] =	stream.linear.scatter [tilespmem:s29], [sflag:$0x10], $0x2000, $0x38;
	[tilespmem:$0x15900] =	vst v63  }
0xf8: {  	_ =	swait.ge [sflag:s14], $0x2000  }
0xf9: {  	[sflag:s14] =	ssyncset.done $0x0  }
0xfa: {  	s0 =	sadd.s32 $0xFFFFF400, s25;
	[sflag:s14] =	ssyncadd.s32 $0xFFFFE000  }
0xfb: {  	[hbm4b:s0+s2] =	stream.linear.scatter [tilespmem:s5], [sflag:$0x11], $0x2000, $0x38;
	[tilespmem:$0x15900] =	vst v63  }
0xfc: {  	_ =	swait.ge [sflag:s15], $0x2000  }
0xfd: {  	[sflag:s15] =	ssyncset.done $0x0  }
0xfe: {  	s0 =	sadd.s32 $0xFFFFF800, s25;
	[sflag:s15] =	ssyncadd.s32 $0xFFFFE000  }
0xff: {  	[hbm4b:s0+s2] =	stream.linear.scatter [tilespmem:s6], [sflag:$0x12], $0x2000, $0x38;
	[tilespmem:$0x15900] =	vst v63  }
0x100: {  	_ =	swait.ge [sflag:s4], $0x2000  }
0x101: {  	[sflag:s4] =	ssyncset.done $0x0  }
.Ltmp0:
0x102: {  	s0 =	sadd.s32 $0xFFFFFC00, s25;
	[sflag:s4] =	ssyncadd.s32 $0xFFFFE000;
	(pc) =	sbr.rel @p0 .LBB2_2-.Ltmp0, $4  }
0x103: {  	[hbm4b:s0+s2] =	stream.linear.scatter [tilespmem:s7], [sflag:$0x13], $0x2000, $0x38;
	[tilespmem:$0x15900] =	vst v63  }
0x104: {  	_ =	swait.ge [sflag:s19], $0x2000  }
0x105: {  	[sflag:s19] =	ssyncset.done $0x0  }
0x106: {  	s25 =	sadd.s32 $0x2800, s25;
	[sflag:s19] =	ssyncadd.s32 $0xFFFFE000  }
0x107: {  	[hbm4b:s28+s2] =	stream.linear.scatter [tilespmem:s30], [sflag:$0x14], $0x2000, $0x38;
	[tilespmem:$0x15900] =	vst v63  }
0x108: {  	s0 =	simm.s32 $0xB  }
0x109: {  	_ =	swait.ge [sflag:s0], $0x2000  }
0x10a: {  	[sflag:s0] =	ssyncset.done $0x0  }
0x10b: {  	s18 =	simm.s32 $0xC;
	[sflag:s0] =	ssyncadd.s32 $0xFFFFE000  }
0x10c: {  	_ =	swait.ge [sflag:s18], $0x2000  }
0x10d: {  	[sflag:s18] =	ssyncset.done $0x0  }
0x10e: {  	s19 =	simm.s32 $0xD;
	[sflag:s18] =	ssyncadd.s32 $0xFFFFE000  }
0x10f: {  	_ =	swait.ge [sflag:s19], $0x2000  }
0x110: {  	[sflag:s19] =	ssyncset.done $0x0  }
0x111: {  	s23 =	simm.s32 $0xE;
	[sflag:s19] =	ssyncadd.s32 $0xFFFFE000  }
0x112: {  	_ =	swait.ge [sflag:s23], $0x2000  }
0x113: {  	[sflag:s23] =	ssyncset.done $0x0  }
0x114: {  	s24 =	simm.s32 $0xF;
	[sflag:s23] =	ssyncadd.s32 $0xFFFFE000  }
0x115: {  	_ =	swait.ge [sflag:s24], $0x2000  }
0x116: {  	[sflag:s24] =	ssyncset.done $0x0  }
0x117: {  	s25 =	simm.s32 $0x10;
	[sflag:s24] =	ssyncadd.s32 $0xFFFFE000  }
0x118: {  	_ =	swait.ge [sflag:s25], $0x2000  }
0x119: {  	[sflag:s25] =	ssyncset.done $0x0  }
0x11a: {  	s26 =	simm.s32 $0x11;
	[sflag:s25] =	ssyncadd.s32 $0xFFFFE000  }
0x11b: {  	_ =	swait.ge [sflag:s26], $0x2000  }
0x11c: {  	[sflag:s26] =	ssyncset.done $0x0  }
0x11d: {  	[sflag:s26] =	ssyncadd.s32 $0xFFFFE000  }
0x11e: {  	_ =	swait.ge [sflag:s16], $0x2000  }
0x11f: {  	[sflag:s16] =	ssyncset.done $0x0  }
0x120: {  	[sflag:s16] =	ssyncadd.s32 $0xFFFFE000  }
0x121: {  	_ =	swait.ge [sflag:s21], $0x2000  }
0x122: {  	[sflag:s21] =	ssyncset.done $0x0  }
0x123: {  	[sflag:s21] =	ssyncadd.s32 $0xFFFFE000  }
0x124: {  	s28 =	simm.s32 $0x5900;
	s1 =	simm.s32 $0x7900;
	_ =	swait.ge [sflag:s22], $0x2000  }
0x125: {  	s29 =	simm.s32 $0xB900;
	s5 =	simm.s32 $0xD900;
	s8 =	rddreg [dreg:$0x10]  }
0x126: {  	s6 =	simm.s32 $0xF900;
	s30 =	rddreg [dreg:$0xe];
	s8 =	sadd.s32 $0x1, s8  }
0x127: {  	s7 =	simm.s32 $0x11900;
	s9 =	simm.s32 $0x1;
	p0 =	sne.s32 s8, s30  }
.Ltmp1:
0x128: {  	s10 =	simm.s32 $0x2;
	s11 =	simm.s32 $0x3;
	(pc) =	sbr.rel @p0 .LBB2_1-.Ltmp1, $4  }
0x129: {  	s17 =	simm.s32 $0x4;
	s12 =	simm.s32 $0x5;
	s13 =	simm.s32 $0x6  }
0x12a: {  	s14 =	simm.s32 $0x7;
	s15 =	simm.s32 $0x8;
	s4 =	simm.s32 $0x9  }
0x12b: {  	s18 =	simm.s32 $0x1900;
	s19 =	simm.s32 $0xA;
	[sflag:s22] =	ssyncset.done $0x0  }
0x12c: {  	s24 =	simm.s32 $0x9900;
	s26 =	simm.s32 $0x3900;
	[sflag:s22] =	ssyncadd.s32 $0xFFFFE000  }
0x12d: {  	_ =	sfence.sel $0x180000  }
0x12e: {  	[bflag:$0x0] =	sbarrier.arrive $0xFFFF  }
0x12f: {  	_ =	strace $0x90000047  }
0x130: {  	s0 =	stileid.u32;
	[bflag:$0x2] =	sbarrier.arrive $0xFFFF  }
0x131: {  	p0 =	sne.s32 s0, $0x0;
	s0 =	rddreg [dreg:$0x2]  }
0x132: {  	s0 =	sadd.s32 @!p0 $0x100000, s0  }
0x133: {  	[sflag:s0] =	ssyncadd.tile.s32 @!p0 $0x1;
	_ =	shalt  }
.Lfunc_end2:
_tile_overlayer_lowered:
.L_overlay_start_2:
0x134: {  	(tag) =	ssettag $0x2  }
0x135: {  	s0 =	rddreg [dreg:$0x0];
	s2 =	stileid.u32  }
0x136: {  	s1 =	rddreg [dreg:$0x1];
	p0 =	sne.s32 s2, $0x0  }
0x137: {  	s3 =	rddreg [dreg:$0x2];
	[bflag:$0x3] =	sbarrier.arrive $0xFFFF;
	s2 =	simm.s32 @!p0 $0x1C15  }
0x138: {  	[timem:s3], [sflag:s2] =	dma.local @!p0 [hbm:s0], s1  }
0x139: {  	s0 =	simm.s32 @!p0 $0x15  }
0x13a: {  	_ =	swait.ge @!p0 [sflag:s0], s1  }
0x13b: {  	s1 =	ssub.s32 @!p0 $0x0, s1;
	[sflag:s0] =	ssyncset.done @!p0 $0x0  }
0x13c: {  	[sflag:s0] =	ssyncadd.s32 @!p0 s1  }
0x13d: {  	[bflag:$0x3] =	sbarrier.arrive $0xFFFF  }
0x13e: {  	_ =	shalt  }

</sc_bundles>
